<compile_context>
chip_gen: v7x
topology: tpu7x:2x2x1
jax: 0.10.2.dev20260603
libtpu: 0.0.44.dev20260713+nightly
codegen_flags: <defaults>
</compile_context>

<pallas_src>
import jax
import jax.numpy as jnp
import numpy as np
from jax import lax
from jax.experimental import pallas as pl
from jax.experimental.pallas import tpu as pltpu
from jax.experimental.pallas import tpu_sc as plsc

B = 8
B_H = 4
N = 1024
K = 16
C_IN = 64
C_OUT = 128
C_LIFT = 64
TILE = 512
Q = N // 4
BIG = 1e9
HUGE = 3e9
IDX_BIG = 1e9
PAD_D = 128
ROWS = B_H * N
LOOKUPS = B_H * N * K
NW = 32
PER_W = LOOKUPS // NW
CHUNK = 512
NCHUNK = PER_W // CHUNK


def _ce(va, ia, vb, ib):
    pred = (va > vb) | ((va == vb) & (ia > ib))
    return (jnp.where(pred, vb, va), jnp.where(pred, ib, ia),
            jnp.where(pred, va, vb), jnp.where(pred, ia, ib))


def _topk_kernel(q_ref, p_ref, pT_ref, feat_ref, Wl_ref, bl_ref,
                 idx_ref, payload_ref):
    b = pl.program_id(0)
    q = q_ref[0]
    p_full = p_ref[0]
    pT = pT_ref[0]
    feat = feat_ref[0]

    p0 = pT[0:1, :]
    p1 = pT[1:2, :]
    p2 = pT[2:3, :]
    valid_p = (p0 != 0.0) | (p1 != 0.0) | (p2 != 0.0)
    valid_col = jnp.any(p_full != 0.0, axis=1, keepdims=True)
    valid_q = jnp.any(q != 0.0, axis=1, keepdims=True)

    d0 = q[:, 0:1] - p0
    d1 = q[:, 1:2] - p1
    d2 = q[:, 2:3] - p2
    pd = d0 * d0 + d1 * d1 + d2 * d2
    pd = jnp.where(valid_q & valid_p, pd, BIG)

    @pl.when(pl.program_id(1) == 0)
    def _build_payload():
        lifted = jax.nn.relu(jnp.dot(feat, Wl_ref[...],
                                     preferred_element_type=jnp.float32)
                             + bl_ref[...])
        lifted = jnp.where(valid_col, lifted, 0.0)
        payload_ref[0] = jnp.concatenate(
            [p_full, valid_col.astype(jnp.float32), lifted,
             jnp.zeros((N, PAD_D - 4 - C_LIFT), jnp.float32)], axis=1)

    base = jax.lax.broadcasted_iota(jnp.int32, (TILE, Q), 1).astype(jnp.float32)
    v0, i0 = pd[:, 0:Q], base
    v1, i1 = pd[:, Q:2 * Q], base + float(Q)
    v2, i2 = pd[:, 2 * Q:3 * Q], base + float(2 * Q)
    v3, i3 = pd[:, 3 * Q:4 * Q], base + float(3 * Q)
    v0, i0, v1, i1 = _ce(v0, i0, v1, i1)
    v2, i2, v3, i3 = _ce(v2, i2, v3, i3)
    v0, i0, v2, i2 = _ce(v0, i0, v2, i2)
    v1, i1, v3, i3 = _ce(v1, i1, v3, i3)
    v1, i1, v2, i2 = _ce(v1, i1, v2, i2)

    cols = []
    for _ in range(K):
        m = jnp.min(v0, axis=1, keepdims=True)
        cand = jnp.where(v0 <= m, i0, IDX_BIG)
        argi = jnp.min(cand, axis=1, keepdims=True)
        pool_oh = i0 == argi
        v0 = jnp.where(pool_oh, v1, v0)
        i0 = jnp.where(pool_oh, i1, i0)
        v1 = jnp.where(pool_oh, v2, v1)
        i1 = jnp.where(pool_oh, i2, i1)
        v2 = jnp.where(pool_oh, v3, v2)
        i2 = jnp.where(pool_oh, i3, i2)
        v3 = jnp.where(pool_oh, HUGE, v3)
        i3 = jnp.where(pool_oh, IDX_BIG, i3)
        cols.append(argi)
    idx_f = jnp.concatenate(cols, axis=1)
    idx_ref[0] = idx_f.astype(jnp.int32) + b * N


def _sc_gather(table_ref, idx_ref, out_ref, idx_v, rows_v, sem):
    wid = lax.axis_index("s") * 2 + lax.axis_index("c")
    base = wid * PER_W
    for ci in range(NCHUNK):
        start = base + ci * CHUNK
        pltpu.sync_copy(idx_ref.at[pl.ds(start, CHUNK)], idx_v)
        pltpu.async_copy(table_ref.at[idx_v], rows_v, sem).wait()
        pltpu.sync_copy(rows_v, out_ref.at[pl.ds(start, CHUNK)])


def _dense_kernel(q_ref, g_ref, W1_ref, b1_ref, W2_ref, b2_ref,
                  Wf_ref, bf_ref, out_ref):
    q = q_ref[0]
    gb = g_ref[0]
    valid_q = jnp.any(q != 0.0, axis=1, keepdims=True)

    h_parts = []
    L_parts = []
    for k in range(K):
        g = gb[k]
        nbr_valid = g[:, 3:4] > 0.5
        rel = jnp.where(nbr_valid, g[:, 0:3] - q, 0.0)
        h = jax.nn.relu(jnp.dot(rel, W1_ref[...],
                                preferred_element_type=jnp.float32)
                        + b1_ref[...])
        h_parts.append(h)
        L_parts.append(g[:, 4:4 + C_LIFT])

    h_flat = jnp.concatenate(h_parts, axis=1)
    Xp = jnp.dot(h_flat, W2_ref[...],
                 preferred_element_type=jnp.float32) + b2_ref[...]

    lane_e = jax.lax.broadcasted_iota(jnp.int32, (K, N), 1)
    row_e = jax.lax.broadcasted_iota(jnp.int32, (K, N), 0)
    E = (lane_e // C_LIFT == row_e).astype(jnp.float32)

    T = None
    for j in range(K):
        Xrep = jnp.dot(Xp[:, j * K:(j + 1) * K], E,
                       preferred_element_type=jnp.float32)
        Ltile = pltpu.repeat(L_parts[j], K, axis=1)
        T = Xrep * Ltile if T is None else T + Xrep * Ltile

    final = jax.nn.relu(jnp.dot(T, Wf_ref[...],
                                preferred_element_type=jnp.float32)
                        + bf_ref[...])
    out_ref[0] = jnp.where(valid_q, final, 0.0)


def _half_pipeline(points_xyz, features, W1, b1, W2p, b2p, Wl, bl, Wf, bf):
    pT = jnp.transpose(points_xyz, (0, 2, 1))

    idx, payload = pl.pallas_call(
        _topk_kernel,
        grid=(B_H, N // TILE),
        in_specs=[
            pl.BlockSpec((1, TILE, 3), lambda b, t: (b, t, 0)),
            pl.BlockSpec((1, N, 3), lambda b, t: (b, 0, 0)),
            pl.BlockSpec((1, 3, N), lambda b, t: (b, 0, 0)),
            pl.BlockSpec((1, N, C_IN), lambda b, t: (b, 0, 0)),
            pl.BlockSpec(Wl.shape, lambda b, t: (0, 0)),
            pl.BlockSpec((1, C_LIFT), lambda b, t: (0, 0)),
        ],
        out_specs=[
            pl.BlockSpec((1, TILE, K), lambda b, t: (b, t, 0)),
            pl.BlockSpec((1, N, PAD_D), lambda b, t: (b, 0, 0)),
        ],
        out_shape=[
            jax.ShapeDtypeStruct((B_H, N, K), jnp.int32),
            jax.ShapeDtypeStruct((B_H, N, PAD_D), jnp.float32),
        ],
    )(points_xyz, points_xyz, pT, features, Wl, bl.reshape(1, -1))

    table = payload.reshape(ROWS, PAD_D)
    idx_flat = jnp.transpose(idx, (0, 2, 1)).reshape(LOOKUPS)

    mesh = plsc.VectorSubcoreMesh(core_axis_name="c", subcore_axis_name="s")
    gathered = pl.kernel(
        _sc_gather,
        mesh=mesh,
        out_type=jax.ShapeDtypeStruct((LOOKUPS, PAD_D), jnp.float32),
        scratch_types=[
            pltpu.VMEM((CHUNK,), jnp.int32),
            pltpu.VMEM((CHUNK, PAD_D), jnp.float32),
            pltpu.SemaphoreType.DMA,
        ],
    )(table, idx_flat)

    g4 = gathered.reshape(B_H, K, N, PAD_D)

    out = pl.pallas_call(
        _dense_kernel,
        grid=(B_H, N // TILE),
        in_specs=[
            pl.BlockSpec((1, TILE, 3), lambda b, t: (b, t, 0)),
            pl.BlockSpec((1, K, TILE, PAD_D), lambda b, t: (b, 0, t, 0)),
            pl.BlockSpec(W1.shape, lambda b, t: (0, 0)),
            pl.BlockSpec((1, K * 2), lambda b, t: (0, 0)),
            pl.BlockSpec(W2p.shape, lambda b, t: (0, 0)),
            pl.BlockSpec((1, K * K), lambda b, t: (0, 0)),
            pl.BlockSpec(Wf.shape, lambda b, t: (0, 0)),
            pl.BlockSpec((1, C_OUT), lambda b, t: (0, 0)),
        ],
        out_specs=pl.BlockSpec((1, TILE, C_OUT), lambda b, t: (b, t, 0)),
        out_shape=jax.ShapeDtypeStruct((B_H, N, C_OUT), jnp.float32),
    )(points_xyz, g4, W1, b1.reshape(1, -1), W2p, b2p.reshape(1, -1),
      Wf, bf.reshape(1, -1))
    return out


@jax.jit
def kernel(points_xyz, features, W1, b1, W2, b2, Wl, bl, Wf, bf):
    perm = np.arange(K * K).reshape(K, K).T.reshape(-1)
    W2p = W2[:, perm]
    b2p = b2[perm]
    halves = [
        _half_pipeline(points_xyz[h * B_H:(h + 1) * B_H],
                       features[h * B_H:(h + 1) * B_H],
                       W1, b1, W2p, b2p, Wl, bl, Wf, bf)
        for h in range(B // B_H)
    ]
    return jnp.concatenate(halves, axis=0)

# --- scband reference (transcript-rebuilt; emitter-appended) ---
"""Pipeline reference for scband-xconv-layer-point-cnn-21174188769385 (READ-ONLY COPY).

The authoritative reference and input builder live on the scoring server;
editing this copy changes nothing except your own understanding.
"""

import jax, jax.numpy as jnp
import numpy as np

B = 8
N = 1024
K = 16
D = 2
C_IN = 64
C_OUT = 128
C_LIFT = C_OUT // D  # 64


def setup_inputs(seed: int = 0) -> dict:
    key = jax.random.key(seed)
    ks = jax.random.split(key, 8)
    points_xyz = jax.random.normal(ks[0], (B, N, 3), dtype=jnp.float32)
    features = jax.random.normal(ks[1], (B, N, C_IN), dtype=jnp.float32)
    # mlp_transform: Conv2D(K*D,(1,1),relu) -> Conv2D(K*K,(1,K))
    W1 = jax.random.normal(ks[2], (3, K * D), dtype=jnp.float32) * 0.1
    b1 = jnp.zeros((K * D,), dtype=jnp.float32)
    W2 = jax.random.normal(ks[3], (K * K * D, K * K), dtype=jnp.float32) * 0.05
    b2 = jnp.zeros((K * K,), dtype=jnp.float32)
    # feature_lift: Conv2D(C_LIFT,(1,1)) with bias (use_bn=False)
    Wl = jax.random.normal(ks[4], (C_IN, C_LIFT), dtype=jnp.float32) * 0.1
    bl = jnp.zeros((C_LIFT,), dtype=jnp.float32)
    # final_conv: Conv2D(C_OUT,(1,K)) with bias
    Wf = jax.random.normal(ks[5], (K * C_LIFT, C_OUT), dtype=jnp.float32) * 0.05
    bf = jnp.zeros((C_OUT,), dtype=jnp.float32)
    return {"points_xyz": points_xyz, "features": features,
            "W1": W1, "b1": b1, "W2": W2, "b2": b2,
            "Wl": Wl, "bl": bl, "Wf": Wf, "bf": bf}


def reference(points_xyz, features, W1, b1, W2, b2, Wl, bl, Wf, bf):
    # non-padding mask: any coord nonzero
    non_pad = jnp.any(points_xyz != 0.0, axis=-1)  # [B,N]
    # pairwise squared distances
    diff = points_xyz[:, :, None, :] - points_xyz[:, None, :, :]
    pd = jnp.sum(jnp.square(diff), axis=-1)  # [B,N,N]
    dist_mask = non_pad[:, None, :] & non_pad[:, :, None]
    masked_dist = jnp.where(dist_mask, pd, jnp.float32(1e9))
    # kNN via top_k of negated distances
    _, idx = jax.lax.top_k(-masked_dist, K)  # [B,N,K] int32
    # gather neighbors per batch
    gather = jax.vmap(lambda arr, i: arr[i])
    neighbor_xyz = gather(points_xyz, idx)          # [B,N,K,3]
    neighbor_feat = gather(features, idx)           # [B,N,K,C_IN]
    neighbor_mask = gather(non_pad, idx)            # [B,N,K]
    rel = neighbor_xyz - points_xyz[:, :, None, :]
    rel = jnp.where(neighbor_mask[..., None], rel, jnp.zeros_like(rel))
    # mlp_transform: 1x1 conv (relu) then (1,K) conv collapsing the K axis
    h = jax.nn.relu(rel @ W1 + b1)                  # [B,N,K,K*D]
    h_flat = h.reshape(B, N, K * K * D)
    X = h_flat @ W2 + b2                            # [B,N,K*K]
    X_mat = X.reshape(B, N, K, K)
    # feature lift (1x1 conv + bias) then relu, mask
    lifted = jax.nn.relu(neighbor_feat @ Wl + bl)   # [B,N,K,C_LIFT]
    lifted = jnp.where(neighbor_mask[..., None], lifted, jnp.zeros_like(lifted))
    # X-transform
    transformed = jnp.matmul(X_mat, lifted)         # [B,N,K,C_LIFT]
    # final (1,K) conv collapsing K axis
    t_flat = transformed.reshape(B, N, K * C_LIFT)
    final = jax.nn.relu(t_flat @ Wf + bf)           # [B,N,C_OUT]
    out = jnp.where(non_pad[..., None], final, jnp.zeros_like(final))
    return out

if __name__ == "__main__":
    import jax
    _d = setup_inputs()
    print(jax.jit(kernel)(*tuple(_d.values())))

</pallas_src>

<mosaic_0001>
#map = affine_map<(d0, d1) -> (0, 0)>
#map1 = affine_map<(d0, d1) -> (0)>
module attributes {stable_mosaic.version = 14 : i64} {
  func.func @_sc_gather(%arg0: i32, %arg1: i32, %arg2: memref<4096x128xf32, #tpu.memory_space<hbm>>, %arg3: memref<65536xi32, #tpu.memory_space<hbm>>, %arg4: memref<65536x128xf32, #tpu.memory_space<hbm>>, %arg5: memref<512xi32, #tpu.memory_space<vmem>>, %arg6: memref<512x128xf32, #tpu.memory_space<vmem>>, %arg7: memref<!tpu.dma_semaphore, #tpu.memory_space<semaphore_mem>>) attributes {dimension_semantics = [#tpu.dimension_semantics<core_parallel>, #tpu.dimension_semantics<subcore_parallel>], iteration_bounds = array<i64: 2, 16>, scalar_prefetch = 0 : i64, scratch_operands = 3 : i64, tpu.core_type = #tpu.core_type<sc_vector_subcore>, window_params = [{transform_indices = #map}, {transform_indices = #map1}, {transform_indices = #map}]} {
    %mul3A = arith.constant 2 : i32
    %mul3A_0 = arith.muli %arg1, %mul3A : i32
    %add3A = arith.addi %mul3A_0, %arg0 : i32
    %mul3A_1 = arith.constant 2048 : i32
    %mul3A_2 = arith.muli %add3A, %mul3A_1 : i32
    %add3A_3 = arith.constant 0 : i32
    %add3A_4 = arith.addi %mul3A_2, %add3A_3 : i32
    "tpu.region"() ({
      %run_scoped3A = tpu.sem_alloc : memref<!tpu.dma_semaphore, #tpu.memory_space<semaphore_mem>>
      %dma_start3A_33 = tpu.memref_slice %arg3[%add3A_4] : memref<65536xi32, #tpu.memory_space<hbm>> -> memref<512xi32, #tpu.memory_space<hbm>>
      %dma_start3A_34 = tpu.memref_slice %arg3[%add3A_4] : memref<65536xi32, #tpu.memory_space<hbm>> -> memref<512xi32, #tpu.memory_space<hbm>>
      tpu.enqueue_dma source(%dma_start3A_34 : memref<512xi32, #tpu.memory_space<hbm>>) target(%arg5 : memref<512xi32, #tpu.memory_space<vmem>>) target_semaphore(%run_scoped3A : memref<!tpu.dma_semaphore, #tpu.memory_space<semaphore_mem>>)
      %dma_wait3A_35 = tpu.memref_slice %arg3[%add3A_4] : memref<65536xi32, #tpu.memory_space<hbm>> -> memref<512xi32, #tpu.memory_space<hbm>>
      %dma_wait3A_36 = tpu.memref_slice %arg3[%add3A_4] : memref<65536xi32, #tpu.memory_space<hbm>> -> memref<512xi32, #tpu.memory_space<hbm>>
      tpu.wait_dma2 semaphore(%run_scoped3A : memref<!tpu.dma_semaphore, #tpu.memory_space<semaphore_mem>>) src(%dma_wait3A_36 : memref<512xi32, #tpu.memory_space<hbm>>) dst(%arg5 : memref<512xi32, #tpu.memory_space<vmem>>)
      tpu.yield
    }) : () -> ()
    %dma_start3A = arith.constant 0 : i32
    %dma_start3A_5 = arith.constant 0 : i32
    %dma_start3A_6 = tpu.memref_slice %arg2[%dma_start3A, %dma_start3A_5] : memref<4096x128xf32, #tpu.memory_space<hbm>> -> memref<4096x128xf32, #tpu.memory_space<hbm>>
    tpu.enqueue_indirect_dma source(%dma_start3A_6 : memref<4096x128xf32, #tpu.memory_space<hbm>>) target(%arg6 : memref<512x128xf32, #tpu.memory_space<vmem>>) offsets(%arg5 : memref<512xi32, #tpu.memory_space<vmem>>) semaphore(%arg7 : memref<!tpu.dma_semaphore, #tpu.memory_space<semaphore_mem>>)
    %dma_wait3A = arith.constant 0 : i32
    %dma_wait3A_7 = arith.constant 0 : i32
    %dma_wait3A_8 = tpu.memref_slice %arg2[%dma_wait3A, %dma_wait3A_7] : memref<4096x128xf32, #tpu.memory_space<hbm>> -> memref<4096x128xf32, #tpu.memory_space<hbm>>
    tpu.wait_indirect_dma semaphore(%arg7 : memref<!tpu.dma_semaphore, #tpu.memory_space<semaphore_mem>>) src(%dma_wait3A_8 : memref<4096x128xf32, #tpu.memory_space<hbm>>) dst(%arg6 : memref<512x128xf32, #tpu.memory_space<vmem>>)
    "tpu.region"() ({
      %run_scoped3A = tpu.sem_alloc : memref<!tpu.dma_semaphore, #tpu.memory_space<semaphore_mem>>
      %dma_start3A_33 = arith.constant 0 : i32
      %dma_start3A_34 = tpu.memref_slice %arg4[%add3A_4, %dma_start3A_33] : memref<65536x128xf32, #tpu.memory_space<hbm>> -> memref<512x128xf32, #tpu.memory_space<hbm>>
      %dma_start3A_35 = arith.constant 0 : i32
      %dma_start3A_36 = tpu.memref_slice %arg4[%add3A_4, %dma_start3A_35] : memref<65536x128xf32, #tpu.memory_space<hbm>> -> memref<512x128xf32, #tpu.memory_space<hbm>>
      tpu.enqueue_dma source(%arg6 : memref<512x128xf32, #tpu.memory_space<vmem>>) target(%dma_start3A_36 : memref<512x128xf32, #tpu.memory_space<hbm>>) target_semaphore(%run_scoped3A : memref<!tpu.dma_semaphore, #tpu.memory_space<semaphore_mem>>)
      %dma_wait3A_37 = arith.constant 0 : i32
      %dma_wait3A_38 = tpu.memref_slice %arg4[%add3A_4, %dma_wait3A_37] : memref<65536x128xf32, #tpu.memory_space<hbm>> -> memref<512x128xf32, #tpu.memory_space<hbm>>
      %dma_wait3A_39 = arith.constant 0 : i32
      %dma_wait3A_40 = tpu.memref_slice %arg4[%add3A_4, %dma_wait3A_39] : memref<65536x128xf32, #tpu.memory_space<hbm>> -> memref<512x128xf32, #tpu.memory_space<hbm>>
      tpu.wait_dma2 semaphore(%run_scoped3A : memref<!tpu.dma_semaphore, #tpu.memory_space<semaphore_mem>>) src(%arg6 : memref<512x128xf32, #tpu.memory_space<vmem>>) dst(%dma_wait3A_40 : memref<512x128xf32, #tpu.memory_space<hbm>>)
      tpu.yield
    }) : () -> ()
    %add3A_9 = arith.constant 512 : i32
    %add3A_10 = arith.addi %mul3A_2, %add3A_9 : i32
    "tpu.region"() ({
      %run_scoped3A = tpu.sem_alloc : memref<!tpu.dma_semaphore, #tpu.memory_space<semaphore_mem>>
      %dma_start3A_33 = tpu.memref_slice %arg3[%add3A_10] : memref<65536xi32, #tpu.memory_space<hbm>> -> memref<512xi32, #tpu.memory_space<hbm>>
      %dma_start3A_34 = tpu.memref_slice %arg3[%add3A_10] : memref<65536xi32, #tpu.memory_space<hbm>> -> memref<512xi32, #tpu.memory_space<hbm>>
      tpu.enqueue_dma source(%dma_start3A_34 : memref<512xi32, #tpu.memory_space<hbm>>) target(%arg5 : memref<512xi32, #tpu.memory_space<vmem>>) target_semaphore(%run_scoped3A : memref<!tpu.dma_semaphore, #tpu.memory_space<semaphore_mem>>)
      %dma_wait3A_35 = tpu.memref_slice %arg3[%add3A_10] : memref<65536xi32, #tpu.memory_space<hbm>> -> memref<512xi32, #tpu.memory_space<hbm>>
      %dma_wait3A_36 = tpu.memref_slice %arg3[%add3A_10] : memref<65536xi32, #tpu.memory_space<hbm>> -> memref<512xi32, #tpu.memory_space<hbm>>
      tpu.wait_dma2 semaphore(%run_scoped3A : memref<!tpu.dma_semaphore, #tpu.memory_space<semaphore_mem>>) src(%dma_wait3A_36 : memref<512xi32, #tpu.memory_space<hbm>>) dst(%arg5 : memref<512xi32, #tpu.memory_space<vmem>>)
      tpu.yield
    }) : () -> ()
    %dma_start3A_11 = arith.constant 0 : i32
    %dma_start3A_12 = arith.constant 0 : i32
    %dma_start3A_13 = tpu.memref_slice %arg2[%dma_start3A_11, %dma_start3A_12] : memref<4096x128xf32, #tpu.memory_space<hbm>> -> memref<4096x128xf32, #tpu.memory_space<hbm>>
    tpu.enqueue_indirect_dma source(%dma_start3A_13 : memref<4096x128xf32, #tpu.memory_space<hbm>>) target(%arg6 : memref<512x128xf32, #tpu.memory_space<vmem>>) offsets(%arg5 : memref<512xi32, #tpu.memory_space<vmem>>) semaphore(%arg7 : memref<!tpu.dma_semaphore, #tpu.memory_space<semaphore_mem>>)
    %dma_wait3A_14 = arith.constant 0 : i32
    %dma_wait3A_15 = arith.constant 0 : i32
    %dma_wait3A_16 = tpu.memref_slice %arg2[%dma_wait3A_14, %dma_wait3A_15] : memref<4096x128xf32, #tpu.memory_space<hbm>> -> memref<4096x128xf32, #tpu.memory_space<hbm>>
    tpu.wait_indirect_dma semaphore(%arg7 : memref<!tpu.dma_semaphore, #tpu.memory_space<semaphore_mem>>) src(%dma_wait3A_16 : memref<4096x128xf32, #tpu.memory_space<hbm>>) dst(%arg6 : memref<512x128xf32, #tpu.memory_space<vmem>>)
    "tpu.region"() ({
      %run_scoped3A = tpu.sem_alloc : memref<!tpu.dma_semaphore, #tpu.memory_space<semaphore_mem>>
      %dma_start3A_33 = arith.constant 0 : i32
      %dma_start3A_34 = tpu.memref_slice %arg4[%add3A_10, %dma_start3A_33] : memref<65536x128xf32, #tpu.memory_space<hbm>> -> memref<512x128xf32, #tpu.memory_space<hbm>>
      %dma_start3A_35 = arith.constant 0 : i32
      %dma_start3A_36 = tpu.memref_slice %arg4[%add3A_10, %dma_start3A_35] : memref<65536x128xf32, #tpu.memory_space<hbm>> -> memref<512x128xf32, #tpu.memory_space<hbm>>
      tpu.enqueue_dma source(%arg6 : memref<512x128xf32, #tpu.memory_space<vmem>>) target(%dma_start3A_36 : memref<512x128xf32, #tpu.memory_space<hbm>>) target_semaphore(%run_scoped3A : memref<!tpu.dma_semaphore, #tpu.memory_space<semaphore_mem>>)
      %dma_wait3A_37 = arith.constant 0 : i32
      %dma_wait3A_38 = tpu.memref_slice %arg4[%add3A_10, %dma_wait3A_37] : memref<65536x128xf32, #tpu.memory_space<hbm>> -> memref<512x128xf32, #tpu.memory_space<hbm>>
      %dma_wait3A_39 = arith.constant 0 : i32
      %dma_wait3A_40 = tpu.memref_slice %arg4[%add3A_10, %dma_wait3A_39] : memref<65536x128xf32, #tpu.memory_space<hbm>> -> memref<512x128xf32, #tpu.memory_space<hbm>>
      tpu.wait_dma2 semaphore(%run_scoped3A : memref<!tpu.dma_semaphore, #tpu.memory_space<semaphore_mem>>) src(%arg6 : memref<512x128xf32, #tpu.memory_space<vmem>>) dst(%dma_wait3A_40 : memref<512x128xf32, #tpu.memory_space<hbm>>)
      tpu.yield
    }) : () -> ()
    %add3A_17 = arith.constant 1024 : i32
    %add3A_18 = arith.addi %mul3A_2, %add3A_17 : i32
    "tpu.region"() ({
      %run_scoped3A = tpu.sem_alloc : memref<!tpu.dma_semaphore, #tpu.memory_space<semaphore_mem>>
      %dma_start3A_33 = tpu.memref_slice %arg3[%add3A_18] : memref<65536xi32, #tpu.memory_space<hbm>> -> memref<512xi32, #tpu.memory_space<hbm>>
      %dma_start3A_34 = tpu.memref_slice %arg3[%add3A_18] : memref<65536xi32, #tpu.memory_space<hbm>> -> memref<512xi32, #tpu.memory_space<hbm>>
      tpu.enqueue_dma source(%dma_start3A_34 : memref<512xi32, #tpu.memory_space<hbm>>) target(%arg5 : memref<512xi32, #tpu.memory_space<vmem>>) target_semaphore(%run_scoped3A : memref<!tpu.dma_semaphore, #tpu.memory_space<semaphore_mem>>)
      %dma_wait3A_35 = tpu.memref_slice %arg3[%add3A_18] : memref<65536xi32, #tpu.memory_space<hbm>> -> memref<512xi32, #tpu.memory_space<hbm>>
      %dma_wait3A_36 = tpu.memref_slice %arg3[%add3A_18] : memref<65536xi32, #tpu.memory_space<hbm>> -> memref<512xi32, #tpu.memory_space<hbm>>
      tpu.wait_dma2 semaphore(%run_scoped3A : memref<!tpu.dma_semaphore, #tpu.memory_space<semaphore_mem>>) src(%dma_wait3A_36 : memref<512xi32, #tpu.memory_space<hbm>>) dst(%arg5 : memref<512xi32, #tpu.memory_space<vmem>>)
      tpu.yield
    }) : () -> ()
    %dma_start3A_19 = arith.constant 0 : i32
    %dma_start3A_20 = arith.constant 0 : i32
    %dma_start3A_21 = tpu.memref_slice %arg2[%dma_start3A_19, %dma_start3A_20] : memref<4096x128xf32, #tpu.memory_space<hbm>> -> memref<4096x128xf32, #tpu.memory_space<hbm>>
    tpu.enqueue_indirect_dma source(%dma_start3A_21 : memref<4096x128xf32, #tpu.memory_space<hbm>>) target(%arg6 : memref<512x128xf32, #tpu.memory_space<vmem>>) offsets(%arg5 : memref<512xi32, #tpu.memory_space<vmem>>) semaphore(%arg7 : memref<!tpu.dma_semaphore, #tpu.memory_space<semaphore_mem>>)
    %dma_wait3A_22 = arith.constant 0 : i32
    %dma_wait3A_23 = arith.constant 0 : i32
    %dma_wait3A_24 = tpu.memref_slice %arg2[%dma_wait3A_22, %dma_wait3A_23] : memref<4096x128xf32, #tpu.memory_space<hbm>> -> memref<4096x128xf32, #tpu.memory_space<hbm>>
    tpu.wait_indirect_dma semaphore(%arg7 : memref<!tpu.dma_semaphore, #tpu.memory_space<semaphore_mem>>) src(%dma_wait3A_24 : memref<4096x128xf32, #tpu.memory_space<hbm>>) dst(%arg6 : memref<512x128xf32, #tpu.memory_space<vmem>>)
    "tpu.region"() ({
      %run_scoped3A = tpu.sem_alloc : memref<!tpu.dma_semaphore, #tpu.memory_space<semaphore_mem>>
      %dma_start3A_33 = arith.constant 0 : i32
      %dma_start3A_34 = tpu.memref_slice %arg4[%add3A_18, %dma_start3A_33] : memref<65536x128xf32, #tpu.memory_space<hbm>> -> memref<512x128xf32, #tpu.memory_space<hbm>>
      %dma_start3A_35 = arith.constant 0 : i32
      %dma_start3A_36 = tpu.memref_slice %arg4[%add3A_18, %dma_start3A_35] : memref<65536x128xf32, #tpu.memory_space<hbm>> -> memref<512x128xf32, #tpu.memory_space<hbm>>
      tpu.enqueue_dma source(%arg6 : memref<512x128xf32, #tpu.memory_space<vmem>>) target(%dma_start3A_36 : memref<512x128xf32, #tpu.memory_space<hbm>>) target_semaphore(%run_scoped3A : memref<!tpu.dma_semaphore, #tpu.memory_space<semaphore_mem>>)
      %dma_wait3A_37 = arith.constant 0 : i32
      %dma_wait3A_38 = tpu.memref_slice %arg4[%add3A_18, %dma_wait3A_37] : memref<65536x128xf32, #tpu.memory_space<hbm>> -> memref<512x128xf32, #tpu.memory_space<hbm>>
      %dma_wait3A_39 = arith.constant 0 : i32
      %dma_wait3A_40 = tpu.memref_slice %arg4[%add3A_18, %dma_wait3A_39] : memref<65536x128xf32, #tpu.memory_space<hbm>> -> memref<512x128xf32, #tpu.memory_space<hbm>>
      tpu.wait_dma2 semaphore(%run_scoped3A : memref<!tpu.dma_semaphore, #tpu.memory_space<semaphore_mem>>) src(%arg6 : memref<512x128xf32, #tpu.memory_space<vmem>>) dst(%dma_wait3A_40 : memref<512x128xf32, #tpu.memory_space<hbm>>)
      tpu.yield
    }) : () -> ()
    %add3A_25 = arith.constant 1536 : i32
    %add3A_26 = arith.addi %mul3A_2, %add3A_25 : i32
    "tpu.region"() ({
      %run_scoped3A = tpu.sem_alloc : memref<!tpu.dma_semaphore, #tpu.memory_space<semaphore_mem>>
      %dma_start3A_33 = tpu.memref_slice %arg3[%add3A_26] : memref<65536xi32, #tpu.memory_space<hbm>> -> memref<512xi32, #tpu.memory_space<hbm>>
      %dma_start3A_34 = tpu.memref_slice %arg3[%add3A_26] : memref<65536xi32, #tpu.memory_space<hbm>> -> memref<512xi32, #tpu.memory_space<hbm>>
      tpu.enqueue_dma source(%dma_start3A_34 : memref<512xi32, #tpu.memory_space<hbm>>) target(%arg5 : memref<512xi32, #tpu.memory_space<vmem>>) target_semaphore(%run_scoped3A : memref<!tpu.dma_semaphore, #tpu.memory_space<semaphore_mem>>)
      %dma_wait3A_35 = tpu.memref_slice %arg3[%add3A_26] : memref<65536xi32, #tpu.memory_space<hbm>> -> memref<512xi32, #tpu.memory_space<hbm>>
      %dma_wait3A_36 = tpu.memref_slice %arg3[%add3A_26] : memref<65536xi32, #tpu.memory_space<hbm>> -> memref<512xi32, #tpu.memory_space<hbm>>
      tpu.wait_dma2 semaphore(%run_scoped3A : memref<!tpu.dma_semaphore, #tpu.memory_space<semaphore_mem>>) src(%dma_wait3A_36 : memref<512xi32, #tpu.memory_space<hbm>>) dst(%arg5 : memref<512xi32, #tpu.memory_space<vmem>>)
      tpu.yield
    }) : () -> ()
    %dma_start3A_27 = arith.constant 0 : i32
    %dma_start3A_28 = arith.constant 0 : i32
    %dma_start3A_29 = tpu.memref_slice %arg2[%dma_start3A_27, %dma_start3A_28] : memref<4096x128xf32, #tpu.memory_space<hbm>> -> memref<4096x128xf32, #tpu.memory_space<hbm>>
    tpu.enqueue_indirect_dma source(%dma_start3A_29 : memref<4096x128xf32, #tpu.memory_space<hbm>>) target(%arg6 : memref<512x128xf32, #tpu.memory_space<vmem>>) offsets(%arg5 : memref<512xi32, #tpu.memory_space<vmem>>) semaphore(%arg7 : memref<!tpu.dma_semaphore, #tpu.memory_space<semaphore_mem>>)
    %dma_wait3A_30 = arith.constant 0 : i32
    %dma_wait3A_31 = arith.constant 0 : i32
    %dma_wait3A_32 = tpu.memref_slice %arg2[%dma_wait3A_30, %dma_wait3A_31] : memref<4096x128xf32, #tpu.memory_space<hbm>> -> memref<4096x128xf32, #tpu.memory_space<hbm>>
    tpu.wait_indirect_dma semaphore(%arg7 : memref<!tpu.dma_semaphore, #tpu.memory_space<semaphore_mem>>) src(%dma_wait3A_32 : memref<4096x128xf32, #tpu.memory_space<hbm>>) dst(%arg6 : memref<512x128xf32, #tpu.memory_space<vmem>>)
    "tpu.region"() ({
      %run_scoped3A = tpu.sem_alloc : memref<!tpu.dma_semaphore, #tpu.memory_space<semaphore_mem>>
      %dma_start3A_33 = arith.constant 0 : i32
      %dma_start3A_34 = tpu.memref_slice %arg4[%add3A_26, %dma_start3A_33] : memref<65536x128xf32, #tpu.memory_space<hbm>> -> memref<512x128xf32, #tpu.memory_space<hbm>>
      %dma_start3A_35 = arith.constant 0 : i32
      %dma_start3A_36 = tpu.memref_slice %arg4[%add3A_26, %dma_start3A_35] : memref<65536x128xf32, #tpu.memory_space<hbm>> -> memref<512x128xf32, #tpu.memory_space<hbm>>
      tpu.enqueue_dma source(%arg6 : memref<512x128xf32, #tpu.memory_space<vmem>>) target(%dma_start3A_36 : memref<512x128xf32, #tpu.memory_space<hbm>>) target_semaphore(%run_scoped3A : memref<!tpu.dma_semaphore, #tpu.memory_space<semaphore_mem>>)
      %dma_wait3A_37 = arith.constant 0 : i32
      %dma_wait3A_38 = tpu.memref_slice %arg4[%add3A_26, %dma_wait3A_37] : memref<65536x128xf32, #tpu.memory_space<hbm>> -> memref<512x128xf32, #tpu.memory_space<hbm>>
      %dma_wait3A_39 = arith.constant 0 : i32
      %dma_wait3A_40 = tpu.memref_slice %arg4[%add3A_26, %dma_wait3A_39] : memref<65536x128xf32, #tpu.memory_space<hbm>> -> memref<512x128xf32, #tpu.memory_space<hbm>>
      tpu.wait_dma2 semaphore(%run_scoped3A : memref<!tpu.dma_semaphore, #tpu.memory_space<semaphore_mem>>) src(%arg6 : memref<512x128xf32, #tpu.memory_space<vmem>>) dst(%dma_wait3A_40 : memref<512x128xf32, #tpu.memory_space<hbm>>)
      tpu.yield
    }) : () -> ()
    return
  }
}

#map = affine_map<(d0, d1) -> (0, 0)>
#map1 = affine_map<(d0, d1) -> (0)>
module attributes {stable_mosaic.version = 14 : i64} {
  func.func @_sc_gather(%arg0: i32, %arg1: i32, %arg2: memref<4096x128xf32, #tpu.memory_space<hbm>>, %arg3: memref<65536xi32, #tpu.memory_space<hbm>>, %arg4: memref<65536x128xf32, #tpu.memory_space<hbm>>, %arg5: memref<512xi32, #tpu.memory_space<vmem>>, %arg6: memref<512x128xf32, #tpu.memory_space<vmem>>, %arg7: memref<!tpu.dma_semaphore, #tpu.memory_space<semaphore_mem>>) attributes {dimension_semantics = [#tpu.dimension_semantics<core_parallel>, #tpu.dimension_semantics<subcore_parallel>], iteration_bounds = array<i64: 2, 16>, scalar_prefetch = 0 : i64, scratch_operands = 3 : i64, tpu.core_type = #tpu.core_type<sc_vector_subcore>, window_params = [{transform_indices = #map}, {transform_indices = #map1}, {transform_indices = #map}]} {
    %mul3A = arith.constant 2 : i32
    %mul3A_0 = arith.muli %arg1, %mul3A : i32
    %add3A = arith.addi %mul3A_0, %arg0 : i32
    %mul3A_1 = arith.constant 2048 : i32
    %mul3A_2 = arith.muli %add3A, %mul3A_1 : i32
    %add3A_3 = arith.constant 0 : i32
    %add3A_4 = arith.addi %mul3A_2, %add3A_3 : i32
    "tpu.region"() ({
      %run_scoped3A = tpu.sem_alloc : memref<!tpu.dma_semaphore, #tpu.memory_space<semaphore_mem>>
      %dma_start3A_33 = tpu.memref_slice %arg3[%add3A_4] : memref<65536xi32, #tpu.memory_space<hbm>> -> memref<512xi32, #tpu.memory_space<hbm>>
      %dma_start3A_34 = tpu.memref_slice %arg3[%add3A_4] : memref<65536xi32, #tpu.memory_space<hbm>> -> memref<512xi32, #tpu.memory_space<hbm>>
      tpu.enqueue_dma source(%dma_start3A_34 : memref<512xi32, #tpu.memory_space<hbm>>) target(%arg5 : memref<512xi32, #tpu.memory_space<vmem>>) target_semaphore(%run_scoped3A : memref<!tpu.dma_semaphore, #tpu.memory_space<semaphore_mem>>)
      %dma_wait3A_35 = tpu.memref_slice %arg3[%add3A_4] : memref<65536xi32, #tpu.memory_space<hbm>> -> memref<512xi32, #tpu.memory_space<hbm>>
      %dma_wait3A_36 = tpu.memref_slice %arg3[%add3A_4] : memref<65536xi32, #tpu.memory_space<hbm>> -> memref<512xi32, #tpu.memory_space<hbm>>
      tpu.wait_dma2 semaphore(%run_scoped3A : memref<!tpu.dma_semaphore, #tpu.memory_space<semaphore_mem>>) src(%dma_wait3A_36 : memref<512xi32, #tpu.memory_space<hbm>>) dst(%arg5 : memref<512xi32, #tpu.memory_space<vmem>>)
      tpu.yield
    }) : () -> ()
    %dma_start3A = arith.constant 0 : i32
    %dma_start3A_5 = arith.constant 0 : i32
    %dma_start3A_6 = tpu.memref_slice %arg2[%dma_start3A, %dma_start3A_5] : memref<4096x128xf32, #tpu.memory_space<hbm>> -> memref<4096x128xf32, #tpu.memory_space<hbm>>
    tpu.enqueue_indirect_dma source(%dma_start3A_6 : memref<4096x128xf32, #tpu.memory_space<hbm>>) target(%arg6 : memref<512x128xf32, #tpu.memory_space<vmem>>) offsets(%arg5 : memref<512xi32, #tpu.memory_space<vmem>>) semaphore(%arg7 : memref<!tpu.dma_semaphore, #tpu.memory_space<semaphore_mem>>)
    %dma_wait3A = arith.constant 0 : i32
    %dma_wait3A_7 = arith.constant 0 : i32
    %dma_wait3A_8 = tpu.memref_slice %arg2[%dma_wait3A, %dma_wait3A_7] : memref<4096x128xf32, #tpu.memory_space<hbm>> -> memref<4096x128xf32, #tpu.memory_space<hbm>>
    tpu.wait_indirect_dma semaphore(%arg7 : memref<!tpu.dma_semaphore, #tpu.memory_space<semaphore_mem>>) src(%dma_wait3A_8 : memref<4096x128xf32, #tpu.memory_space<hbm>>) dst(%arg6 : memref<512x128xf32, #tpu.memory_space<vmem>>)
    "tpu.region"() ({
      %run_scoped3A = tpu.sem_alloc : memref<!tpu.dma_semaphore, #tpu.memory_space<semaphore_mem>>
      %dma_start3A_33 = arith.constant 0 : i32
      %dma_start3A_34 = tpu.memref_slice %arg4[%add3A_4, %dma_start3A_33] : memref<65536x128xf32, #tpu.memory_space<hbm>> -> memref<512x128xf32, #tpu.memory_space<hbm>>
      %dma_start3A_35 = arith.constant 0 : i32
      %dma_start3A_36 = tpu.memref_slice %arg4[%add3A_4, %dma_start3A_35] : memref<65536x128xf32, #tpu.memory_space<hbm>> -> memref<512x128xf32, #tpu.memory_space<hbm>>
      tpu.enqueue_dma source(%arg6 : memref<512x128xf32, #tpu.memory_space<vmem>>) target(%dma_start3A_36 : memref<512x128xf32, #tpu.memory_space<hbm>>) target_semaphore(%run_scoped3A : memref<!tpu.dma_semaphore, #tpu.memory_space<semaphore_mem>>)
      %dma_wait3A_37 = arith.constant 0 : i32
      %dma_wait3A_38 = tpu.memref_slice %arg4[%add3A_4, %dma_wait3A_37] : memref<65536x128xf32, #tpu.memory_space<hbm>> -> memref<512x128xf32, #tpu.memory_space<hbm>>
      %dma_wait3A_39 = arith.constant 0 : i32
      %dma_wait3A_40 = tpu.memref_slice %arg4[%add3A_4, %dma_wait3A_39] : memref<65536x128xf32, #tpu.memory_space<hbm>> -> memref<512x128xf32, #tpu.memory_space<hbm>>
      tpu.wait_dma2 semaphore(%run_scoped3A : memref<!tpu.dma_semaphore, #tpu.memory_space<semaphore_mem>>) src(%arg6 : memref<512x128xf32, #tpu.memory_space<vmem>>) dst(%dma_wait3A_40 : memref<512x128xf32, #tpu.memory_space<hbm>>)
      tpu.yield
    }) : () -> ()
    %add3A_9 = arith.constant 512 : i32
    %add3A_10 = arith.addi %mul3A_2, %add3A_9 : i32
    "tpu.region"() ({
      %run_scoped3A = tpu.sem_alloc : memref<!tpu.dma_semaphore, #tpu.memory_space<semaphore_mem>>
      %dma_start3A_33 = tpu.memref_slice %arg3[%add3A_10] : memref<65536xi32, #tpu.memory_space<hbm>> -> memref<512xi32, #tpu.memory_space<hbm>>
      %dma_start3A_34 = tpu.memref_slice %arg3[%add3A_10] : memref<65536xi32, #tpu.memory_space<hbm>> -> memref<512xi32, #tpu.memory_space<hbm>>
      tpu.enqueue_dma source(%dma_start3A_34 : memref<512xi32, #tpu.memory_space<hbm>>) target(%arg5 : memref<512xi32, #tpu.memory_space<vmem>>) target_semaphore(%run_scoped3A : memref<!tpu.dma_semaphore, #tpu.memory_space<semaphore_mem>>)
      %dma_wait3A_35 = tpu.memref_slice %arg3[%add3A_10] : memref<65536xi32, #tpu.memory_space<hbm>> -> memref<512xi32, #tpu.memory_space<hbm>>
      %dma_wait3A_36 = tpu.memref_slice %arg3[%add3A_10] : memref<65536xi32, #tpu.memory_space<hbm>> -> memref<512xi32, #tpu.memory_space<hbm>>
      tpu.wait_dma2 semaphore(%run_scoped3A : memref<!tpu.dma_semaphore, #tpu.memory_space<semaphore_mem>>) src(%dma_wait3A_36 : memref<512xi32, #tpu.memory_space<hbm>>) dst(%arg5 : memref<512xi32, #tpu.memory_space<vmem>>)
      tpu.yield
    }) : () -> ()
    %dma_start3A_11 = arith.constant 0 : i32
    %dma_start3A_12 = arith.constant 0 : i32
    %dma_start3A_13 = tpu.memref_slice %arg2[%dma_start3A_11, %dma_start3A_12] : memref<4096x128xf32, #tpu.memory_space<hbm>> -> memref<4096x128xf32, #tpu.memory_space<hbm>>
    tpu.enqueue_indirect_dma source(%dma_start3A_13 : memref<4096x128xf32, #tpu.memory_space<hbm>>) target(%arg6 : memref<512x128xf32, #tpu.memory_space<vmem>>) offsets(%arg5 : memref<512xi32, #tpu.memory_space<vmem>>) semaphore(%arg7 : memref<!tpu.dma_semaphore, #tpu.memory_space<semaphore_mem>>)
    %dma_wait3A_14 = arith.constant 0 : i32
    %dma_wait3A_15 = arith.constant 0 : i32
    %dma_wait3A_16 = tpu.memref_slice %arg2[%dma_wait3A_14, %dma_wait3A_15] : memref<4096x128xf32, #tpu.memory_space<hbm>> -> memref<4096x128xf32, #tpu.memory_space<hbm>>
    tpu.wait_indirect_dma semaphore(%arg7 : memref<!tpu.dma_semaphore, #tpu.memory_space<semaphore_mem>>) src(%dma_wait3A_16 : memref<4096x128xf32, #tpu.memory_space<hbm>>) dst(%arg6 : memref<512x128xf32, #tpu.memory_space<vmem>>)
    "tpu.region"() ({
      %run_scoped3A = tpu.sem_alloc : memref<!tpu.dma_semaphore, #tpu.memory_space<semaphore_mem>>
      %dma_start3A_33 = arith.constant 0 : i32
      %dma_start3A_34 = tpu.memref_slice %arg4[%add3A_10, %dma_start3A_33] : memref<65536x128xf32, #tpu.memory_space<hbm>> -> memref<512x128xf32, #tpu.memory_space<hbm>>
      %dma_start3A_35 = arith.constant 0 : i32
      %dma_start3A_36 = tpu.memref_slice %arg4[%add3A_10, %dma_start3A_35] : memref<65536x128xf32, #tpu.memory_space<hbm>> -> memref<512x128xf32, #tpu.memory_space<hbm>>
      tpu.enqueue_dma source(%arg6 : memref<512x128xf32, #tpu.memory_space<vmem>>) target(%dma_start3A_36 : memref<512x128xf32, #tpu.memory_space<hbm>>) target_semaphore(%run_scoped3A : memref<!tpu.dma_semaphore, #tpu.memory_space<semaphore_mem>>)
      %dma_wait3A_37 = arith.constant 0 : i32
      %dma_wait3A_38 = tpu.memref_slice %arg4[%add3A_10, %dma_wait3A_37] : memref<65536x128xf32, #tpu.memory_space<hbm>> -> memref<512x128xf32, #tpu.memory_space<hbm>>
      %dma_wait3A_39 = arith.constant 0 : i32
      %dma_wait3A_40 = tpu.memref_slice %arg4[%add3A_10, %dma_wait3A_39] : memref<65536x128xf32, #tpu.memory_space<hbm>> -> memref<512x128xf32, #tpu.memory_space<hbm>>
      tpu.wait_dma2 semaphore(%run_scoped3A : memref<!tpu.dma_semaphore, #tpu.memory_space<semaphore_mem>>) src(%arg6 : memref<512x128xf32, #tpu.memory_space<vmem>>) dst(%dma_wait3A_40 : memref<512x128xf32, #tpu.memory_space<hbm>>)
      tpu.yield
    }) : () -> ()
    %add3A_17 = arith.constant 1024 : i32
    %add3A_18 = arith.addi %mul3A_2, %add3A_17 : i32
    "tpu.region"() ({
      %run_scoped3A = tpu.sem_alloc : memref<!tpu.dma_semaphore, #tpu.memory_space<semaphore_mem>>
      %dma_start3A_33 = tpu.memref_slice %arg3[%add3A_18] : memref<65536xi32, #tpu.memory_space<hbm>> -> memref<512xi32, #tpu.memory_space<hbm>>
      %dma_start3A_34 = tpu.memref_slice %arg3[%add3A_18] : memref<65536xi32, #tpu.memory_space<hbm>> -> memref<512xi32, #tpu.memory_space<hbm>>
      tpu.enqueue_dma source(%dma_start3A_34 : memref<512xi32, #tpu.memory_space<hbm>>) target(%arg5 : memref<512xi32, #tpu.memory_space<vmem>>) target_semaphore(%run_scoped3A : memref<!tpu.dma_semaphore, #tpu.memory_space<semaphore_mem>>)
      %dma_wait3A_35 = tpu.memref_slice %arg3[%add3A_18] : memref<65536xi32, #tpu.memory_space<hbm>> -> memref<512xi32, #tpu.memory_space<hbm>>
      %dma_wait3A_36 = tpu.memref_slice %arg3[%add3A_18] : memref<65536xi32, #tpu.memory_space<hbm>> -> memref<512xi32, #tpu.memory_space<hbm>>
      tpu.wait_dma2 semaphore(%run_scoped3A : memref<!tpu.dma_semaphore, #tpu.memory_space<semaphore_mem>>) src(%dma_wait3A_36 : memref<512xi32, #tpu.memory_space<hbm>>) dst(%arg5 : memref<512xi32, #tpu.memory_space<vmem>>)
      tpu.yield
    }) : () -> ()
    %dma_start3A_19 = arith.constant 0 : i32
    %dma_start3A_20 = arith.constant 0 : i32
    %dma_start3A_21 = tpu.memref_slice %arg2[%dma_start3A_19, %dma_start3A_20] : memref<4096x128xf32, #tpu.memory_space<hbm>> -> memref<4096x128xf32, #tpu.memory_space<hbm>>
    tpu.enqueue_indirect_dma source(%dma_start3A_21 : memref<4096x128xf32, #tpu.memory_space<hbm>>) target(%arg6 : memref<512x128xf32, #tpu.memory_space<vmem>>) offsets(%arg5 : memref<512xi32, #tpu.memory_space<vmem>>) semaphore(%arg7 : memref<!tpu.dma_semaphore, #tpu.memory_space<semaphore_mem>>)
    %dma_wait3A_22 = arith.constant 0 : i32
    %dma_wait3A_23 = arith.constant 0 : i32
    %dma_wait3A_24 = tpu.memref_slice %arg2[%dma_wait3A_22, %dma_wait3A_23] : memref<4096x128xf32, #tpu.memory_space<hbm>> -> memref<4096x128xf32, #tpu.memory_space<hbm>>
    tpu.wait_indirect_dma semaphore(%arg7 : memref<!tpu.dma_semaphore, #tpu.memory_space<semaphore_mem>>) src(%dma_wait3A_24 : memref<4096x128xf32, #tpu.memory_space<hbm>>) dst(%arg6 : memref<512x128xf32, #tpu.memory_space<vmem>>)
    "tpu.region"() ({
      %run_scoped3A = tpu.sem_alloc : memref<!tpu.dma_semaphore, #tpu.memory_space<semaphore_mem>>
      %dma_start3A_33 = arith.constant 0 : i32
      %dma_start3A_34 = tpu.memref_slice %arg4[%add3A_18, %dma_start3A_33] : memref<65536x128xf32, #tpu.memory_space<hbm>> -> memref<512x128xf32, #tpu.memory_space<hbm>>
      %dma_start3A_35 = arith.constant 0 : i32
      %dma_start3A_36 = tpu.memref_slice %arg4[%add3A_18, %dma_start3A_35] : memref<65536x128xf32, #tpu.memory_space<hbm>> -> memref<512x128xf32, #tpu.memory_space<hbm>>
      tpu.enqueue_dma source(%arg6 : memref<512x128xf32, #tpu.memory_space<vmem>>) target(%dma_start3A_36 : memref<512x128xf32, #tpu.memory_space<hbm>>) target_semaphore(%run_scoped3A : memref<!tpu.dma_semaphore, #tpu.memory_space<semaphore_mem>>)
      %dma_wait3A_37 = arith.constant 0 : i32
      %dma_wait3A_38 = tpu.memref_slice %arg4[%add3A_18, %dma_wait3A_37] : memref<65536x128xf32, #tpu.memory_space<hbm>> -> memref<512x128xf32, #tpu.memory_space<hbm>>
      %dma_wait3A_39 = arith.constant 0 : i32
      %dma_wait3A_40 = tpu.memref_slice %arg4[%add3A_18, %dma_wait3A_39] : memref<65536x128xf32, #tpu.memory_space<hbm>> -> memref<512x128xf32, #tpu.memory_space<hbm>>
      tpu.wait_dma2 semaphore(%run_scoped3A : memref<!tpu.dma_semaphore, #tpu.memory_space<semaphore_mem>>) src(%arg6 : memref<512x128xf32, #tpu.memory_space<vmem>>) dst(%dma_wait3A_40 : memref<512x128xf32, #tpu.memory_space<hbm>>)
      tpu.yield
    }) : () -> ()
    %add3A_25 = arith.constant 1536 : i32
    %add3A_26 = arith.addi %mul3A_2, %add3A_25 : i32
    "tpu.region"() ({
      %run_scoped3A = tpu.sem_alloc : memref<!tpu.dma_semaphore, #tpu.memory_space<semaphore_mem>>
      %dma_start3A_33 = tpu.memref_slice %arg3[%add3A_26] : memref<65536xi32, #tpu.memory_space<hbm>> -> memref<512xi32, #tpu.memory_space<hbm>>
      %dma_start3A_34 = tpu.memref_slice %arg3[%add3A_26] : memref<65536xi32, #tpu.memory_space<hbm>> -> memref<512xi32, #tpu.memory_space<hbm>>
      tpu.enqueue_dma source(%dma_start3A_34 : memref<512xi32, #tpu.memory_space<hbm>>) target(%arg5 : memref<512xi32, #tpu.memory_space<vmem>>) target_semaphore(%run_scoped3A : memref<!tpu.dma_semaphore, #tpu.memory_space<semaphore_mem>>)
      %dma_wait3A_35 = tpu.memref_slice %arg3[%add3A_26] : memref<65536xi32, #tpu.memory_space<hbm>> -> memref<512xi32, #tpu.memory_space<hbm>>
      %dma_wait3A_36 = tpu.memref_slice %arg3[%add3A_26] : memref<65536xi32, #tpu.memory_space<hbm>> -> memref<512xi32, #tpu.memory_space<hbm>>
      tpu.wait_dma2 semaphore(%run_scoped3A : memref<!tpu.dma_semaphore, #tpu.memory_space<semaphore_mem>>) src(%dma_wait3A_36 : memref<512xi32, #tpu.memory_space<hbm>>) dst(%arg5 : memref<512xi32, #tpu.memory_space<vmem>>)
      tpu.yield
    }) : () -> ()
    %dma_start3A_27 = arith.constant 0 : i32
    %dma_start3A_28 = arith.constant 0 : i32
    %dma_start3A_29 = tpu.memref_slice %arg2[%dma_start3A_27, %dma_start3A_28] : memref<4096x128xf32, #tpu.memory_space<hbm>> -> memref<4096x128xf32, #tpu.memory_space<hbm>>
    tpu.enqueue_indirect_dma source(%dma_start3A_29 : memref<4096x128xf32, #tpu.memory_space<hbm>>) target(%arg6 : memref<512x128xf32, #tpu.memory_space<vmem>>) offsets(%arg5 : memref<512xi32, #tpu.memory_space<vmem>>) semaphore(%arg7 : memref<!tpu.dma_semaphore, #tpu.memory_space<semaphore_mem>>)
    %dma_wait3A_30 = arith.constant 0 : i32
    %dma_wait3A_31 = arith.constant 0 : i32
    %dma_wait3A_32 = tpu.memref_slice %arg2[%dma_wait3A_30, %dma_wait3A_31] : memref<4096x128xf32, #tpu.memory_space<hbm>> -> memref<4096x128xf32, #tpu.memory_space<hbm>>
    tpu.wait_indirect_dma semaphore(%arg7 : memref<!tpu.dma_semaphore, #tpu.memory_space<semaphore_mem>>) src(%dma_wait3A_32 : memref<4096x128xf32, #tpu.memory_space<hbm>>) dst(%arg6 : memref<512x128xf32, #tpu.memory_space<vmem>>)
    "tpu.region"() ({
      %run_scoped3A = tpu.sem_alloc : memref<!tpu.dma_semaphore, #tpu.memory_space<semaphore_mem>>
      %dma_start3A_33 = arith.constant 0 : i32
      %dma_start3A_34 = tpu.memref_slice %arg4[%add3A_26, %dma_start3A_33] : memref<65536x128xf32, #tpu.memory_space<hbm>> -> memref<512x128xf32, #tpu.memory_space<hbm>>
      %dma_start3A_35 = arith.constant 0 : i32
      %dma_start3A_36 = tpu.memref_slice %arg4[%add3A_26, %dma_start3A_35] : memref<65536x128xf32, #tpu.memory_space<hbm>> -> memref<512x128xf32, #tpu.memory_space<hbm>>
      tpu.enqueue_dma source(%arg6 : memref<512x128xf32, #tpu.memory_space<vmem>>) target(%dma_start3A_36 : memref<512x128xf32, #tpu.memory_space<hbm>>) target_semaphore(%run_scoped3A : memref<!tpu.dma_semaphore, #tpu.memory_space<semaphore_mem>>)
      %dma_wait3A_37 = arith.constant 0 : i32
      %dma_wait3A_38 = tpu.memref_slice %arg4[%add3A_26, %dma_wait3A_37] : memref<65536x128xf32, #tpu.memory_space<hbm>> -> memref<512x128xf32, #tpu.memory_space<hbm>>
      %dma_wait3A_39 = arith.constant 0 : i32
      %dma_wait3A_40 = tpu.memref_slice %arg4[%add3A_26, %dma_wait3A_39] : memref<65536x128xf32, #tpu.memory_space<hbm>> -> memref<512x128xf32, #tpu.memory_space<hbm>>
      tpu.wait_dma2 semaphore(%run_scoped3A : memref<!tpu.dma_semaphore, #tpu.memory_space<semaphore_mem>>) src(%arg6 : memref<512x128xf32, #tpu.memory_space<vmem>>) dst(%dma_wait3A_40 : memref<512x128xf32, #tpu.memory_space<hbm>>)
      tpu.yield
    }) : () -> ()
    return
  }
}

module attributes {stable_mosaic.version = 14 : i64} {
  func.func @_topk_kernel(%arg0: i32, %arg1: i32, %arg2: memref<1x512x3xf32, #tpu.memory_space<vmem>>, %arg3: memref<1x1024x3xf32, #tpu.memory_space<vmem>>, %arg4: memref<1x3x1024xf32, #tpu.memory_space<vmem>>, %arg5: memref<1x1024x64xf32, #tpu.memory_space<vmem>>, %arg6: memref<64x64xf32, #tpu.memory_space<vmem>>, %arg7: memref<1x64xf32, #tpu.memory_space<vmem>>, %arg8: memref<1x512x16xi32, #tpu.memory_space<vmem>>, %arg9: memref<1x1024x128xf32, #tpu.memory_space<vmem>>) attributes {dimension_semantics = [#tpu.dimension_semantics<arbitrary>, #tpu.dimension_semantics<arbitrary>], iteration_bounds = array<i64: 4, 2>, scalar_prefetch = 0 : i64, scratch_operands = 0 : i64, tpu.core_type = #tpu.core_type<tc>, window_params = [{transform_indices = @transform_0, window_bounds = array<i64: 1, 512, 3>}, {transform_indices = @transform_1, window_bounds = array<i64: 1, 1024, 3>}, {transform_indices = @transform_2, window_bounds = array<i64: 1, 3, 1024>}, {transform_indices = @transform_3, window_bounds = array<i64: 1, 1024, 64>}, {pipeline_mode = #tpu.pipeline_mode<synchronous>, transform_indices = @transform_4, window_bounds = array<i64: 64, 64>}, {pipeline_mode = #tpu.pipeline_mode<synchronous>, transform_indices = @transform_5, window_bounds = array<i64: 1, 64>}, {transform_indices = @transform_6, window_bounds = array<i64: 1, 512, 16>}, {transform_indices = @transform_7, window_bounds = array<i64: 1, 1024, 128>}]} {
    %get3A = arith.constant 0 : index
    %get3A_0 = arith.constant 0 : index
    %get3A_1 = arith.constant 0 : index
    %get3A_2 = vector.load %arg2[%get3A, %get3A_0, %get3A_1] : memref<1x512x3xf32, #tpu.memory_space<vmem>>, vector<1x512x3xf32>
    %get3A_3 = vector.shape_cast %get3A_2 : vector<1x512x3xf32> to vector<512x3xf32>
    %get3A_4 = arith.constant 0 : index
    %get3A_5 = arith.constant 0 : index
    %get3A_6 = arith.constant 0 : index
    %get3A_7 = vector.load %arg3[%get3A_4, %get3A_5, %get3A_6] : memref<1x1024x3xf32, #tpu.memory_space<vmem>>, vector<1x1024x3xf32>
    %get3A_8 = vector.shape_cast %get3A_7 : vector<1x1024x3xf32> to vector<1024x3xf32>
    %get3A_9 = arith.constant 0 : index
    %get3A_10 = arith.constant 0 : index
    %get3A_11 = arith.constant 0 : index
    %get3A_12 = vector.load %arg4[%get3A_9, %get3A_10, %get3A_11] : memref<1x3x1024xf32, #tpu.memory_space<vmem>>, vector<1x3x1024xf32>
    %get3A_13 = vector.shape_cast %get3A_12 : vector<1x3x1024xf32> to vector<3x1024xf32>
    %get3A_14 = arith.constant 0 : index
    %get3A_15 = arith.constant 0 : index
    %get3A_16 = arith.constant 0 : index
    %get3A_17 = vector.load %arg5[%get3A_14, %get3A_15, %get3A_16] : memref<1x1024x64xf32, #tpu.memory_space<vmem>>, vector<1x1024x64xf32>
    %get3A_18 = vector.shape_cast %get3A_17 : vector<1x1024x64xf32> to vector<1024x64xf32>
    %slice3A = vector.extract_strided_slice %get3A_13 {offsets = [0, 0], sizes = [1, 1024], strides = [1, 1]} : vector<3x1024xf32> to vector<1x1024xf32>
    %slice3A_19 = vector.extract_strided_slice %get3A_13 {offsets = [1, 0], sizes = [1, 1024], strides = [1, 1]} : vector<3x1024xf32> to vector<1x1024xf32>
    %slice3A_20 = vector.extract_strided_slice %get3A_13 {offsets = [2, 0], sizes = [1, 1024], strides = [1, 1]} : vector<3x1024xf32> to vector<1x1024xf32>
    %ne3A = arith.constant 0.000000e+00 : f32
    %ne3A_21 = vector.broadcast %ne3A : f32 to vector<1x1024xf32>
    %ne3A_22 = arith.cmpf one, %slice3A, %ne3A_21 : vector<1x1024xf32>
    %ne3A_23 = arith.constant 0.000000e+00 : f32
    %ne3A_24 = vector.broadcast %ne3A_23 : f32 to vector<1x1024xf32>
    %ne3A_25 = arith.cmpf one, %slice3A_19, %ne3A_24 : vector<1x1024xf32>
    %or3A = arith.ori %ne3A_22, %ne3A_25 : vector<1x1024xi1>
    %ne3A_26 = arith.constant 0.000000e+00 : f32
    %ne3A_27 = vector.broadcast %ne3A_26 : f32 to vector<1x1024xf32>
    %ne3A_28 = arith.cmpf one, %slice3A_20, %ne3A_27 : vector<1x1024xf32>
    %or3A_29 = arith.ori %or3A, %ne3A_28 : vector<1x1024xi1>
    %ne3A_30 = arith.constant 0.000000e+00 : f32
    %ne3A_31 = vector.broadcast %ne3A_30 : f32 to vector<1024x3xf32>
    %ne3A_32 = arith.cmpf one, %get3A_8, %ne3A_31 : vector<1024x3xf32>
    %reduce_or3A = arith.constant 1.000000e+00 : f32
    %reduce_or3A_33 = arith.constant 0.000000e+00 : f32
    %reduce_or3A_34 = vector.broadcast %reduce_or3A : f32 to vector<1024x3xf32>
    %reduce_or3A_35 = vector.broadcast %reduce_or3A_33 : f32 to vector<1024x3xf32>
    %reduce_or3A_36 = arith.select %ne3A_32, %reduce_or3A_34, %reduce_or3A_35 : vector<1024x3xi1>, vector<1024x3xf32>
    %reduce_or3A_37 = arith.constant dense<0xFF800000> : vector<1024xf32>
    %reduce_or3A_38 = vector.multi_reduction <maximumf>, %reduce_or3A_36, %reduce_or3A_37 [1] : vector<1024x3xf32> to vector<1024xf32>
    %reduce_or3A_39 = arith.constant 0.000000e+00 : f32
    %reduce_or3A_40 = vector.broadcast %reduce_or3A_39 : f32 to vector<1024xf32>
    %reduce_or3A_41 = arith.cmpf ogt, %reduce_or3A_38, %reduce_or3A_40 : vector<1024xf32>
    %broadcast_in_dim3A = vector.shape_cast %reduce_or3A_41 : vector<1024xi1> to vector<1024x1xi1>
    %ne3A_42 = arith.constant 0.000000e+00 : f32
    %ne3A_43 = vector.broadcast %ne3A_42 : f32 to vector<512x3xf32>
    %ne3A_44 = arith.cmpf one, %get3A_3, %ne3A_43 : vector<512x3xf32>
    %reduce_or3A_45 = arith.constant 1.000000e+00 : f32
    %reduce_or3A_46 = arith.constant 0.000000e+00 : f32
    %reduce_or3A_47 = vector.broadcast %reduce_or3A_45 : f32 to vector<512x3xf32>
    %reduce_or3A_48 = vector.broadcast %reduce_or3A_46 : f32 to vector<512x3xf32>
    %reduce_or3A_49 = arith.select %ne3A_44, %reduce_or3A_47, %reduce_or3A_48 : vector<512x3xi1>, vector<512x3xf32>
    %reduce_or3A_50 = arith.constant dense<0xFF800000> : vector<512xf32>
    %reduce_or3A_51 = vector.multi_reduction <maximumf>, %reduce_or3A_49, %reduce_or3A_50 [1] : vector<512x3xf32> to vector<512xf32>
    %reduce_or3A_52 = arith.constant 0.000000e+00 : f32
    %reduce_or3A_53 = vector.broadcast %reduce_or3A_52 : f32 to vector<512xf32>
    %reduce_or3A_54 = arith.cmpf ogt, %reduce_or3A_51, %reduce_or3A_53 : vector<512xf32>
    %broadcast_in_dim3A_55 = vector.shape_cast %reduce_or3A_54 : vector<512xi1> to vector<512x1xi1>
    %slice3A_56 = vector.extract_strided_slice %get3A_3 {offsets = [0, 0], sizes = [512, 1], strides = [1, 1]} : vector<512x3xf32> to vector<512x1xf32>
    %sub3A = vector.broadcast %slice3A_56 : vector<512x1xf32> to vector<512x1024xf32>
    %sub3A_57 = vector.broadcast %slice3A : vector<1x1024xf32> to vector<512x1024xf32>
    %sub3A_58 = arith.subf %sub3A, %sub3A_57 : vector<512x1024xf32>
    %slice3A_59 = vector.extract_strided_slice %get3A_3 {offsets = [0, 1], sizes = [512, 1], strides = [1, 1]} : vector<512x3xf32> to vector<512x1xf32>
    %sub3A_60 = vector.broadcast %slice3A_59 : vector<512x1xf32> to vector<512x1024xf32>
    %sub3A_61 = vector.broadcast %slice3A_19 : vector<1x1024xf32> to vector<512x1024xf32>
    %sub3A_62 = arith.subf %sub3A_60, %sub3A_61 : vector<512x1024xf32>
    %slice3A_63 = vector.extract_strided_slice %get3A_3 {offsets = [0, 2], sizes = [512, 1], strides = [1, 1]} : vector<512x3xf32> to vector<512x1xf32>
    %sub3A_64 = vector.broadcast %slice3A_63 : vector<512x1xf32> to vector<512x1024xf32>
    %sub3A_65 = vector.broadcast %slice3A_20 : vector<1x1024xf32> to vector<512x1024xf32>
    %sub3A_66 = arith.subf %sub3A_64, %sub3A_65 : vector<512x1024xf32>
    %mul3A = arith.mulf %sub3A_58, %sub3A_58 : vector<512x1024xf32>
    %mul3A_67 = arith.mulf %sub3A_62, %sub3A_62 : vector<512x1024xf32>
    %add3A = arith.addf %mul3A, %mul3A_67 : vector<512x1024xf32>
    %mul3A_68 = arith.mulf %sub3A_66, %sub3A_66 : vector<512x1024xf32>
    %add3A_69 = arith.addf %add3A, %mul3A_68 : vector<512x1024xf32>
    %and3A = vector.broadcast %broadcast_in_dim3A_55 : vector<512x1xi1> to vector<512x1024xi1>
    %and3A_70 = vector.broadcast %or3A_29 : vector<1x1024xi1> to vector<512x1024xi1>
    %and3A_71 = arith.andi %and3A, %and3A_70 : vector<512x1024xi1>
    %jit3A = arith.constant 1.000000e+09 : f32
    %broadcast_in_dim3A_72 = vector.broadcast %jit3A : f32 to vector<512x1024xf32>
    %select_n3A = arith.select %and3A_71, %add3A_69, %broadcast_in_dim3A_72 : vector<512x1024xi1>, vector<512x1024xf32>
    %eq3A = arith.constant 0 : i32
    %eq3A_73 = arith.cmpi eq, %arg1, %eq3A : i32
    %convert_element_type3A = arith.extui %eq3A_73 : i1 to i32
    %cond3A = arith.constant 0 : i32
    %cond3A_74 = arith.cmpi ne, %convert_element_type3A, %cond3A : i32
    scf.if %cond3A_74 {
      %get3A_503 = arith.constant 0 : index
      %get3A_504 = arith.constant 0 : index
      %get3A_505 = vector.load %arg6[%get3A_503, %get3A_504] : memref<64x64xf32, #tpu.memory_space<vmem>>, vector<64x64xf32>
      %dot_general3A = arith.constant dense<0.000000e+00> : vector<1024x64xf32>
      %dot_general3A_506 = tpu.matmul %get3A_18, %get3A_505, %dot_general3A {dimension_numbers = #tpu.dot_dimension_numbers<[1], [0], [0], [1], [0, 0, 1, 1], [], []>, transpose_lhs_hint = false} : vector<1024x64xf32>, vector<64x64xf32>, vector<1024x64xf32> -> vector<1024x64xf32>
      %get3A_507 = arith.constant 0 : index
      %get3A_508 = arith.constant 0 : index
      %get3A_509 = vector.load %arg7[%get3A_507, %get3A_508] : memref<1x64xf32, #tpu.memory_space<vmem>>, vector<1x64xf32>
      %add3A_510 = vector.broadcast %get3A_509 : vector<1x64xf32> to vector<1024x64xf32>
      %add3A_511 = arith.addf %dot_general3A_506, %add3A_510 : vector<1024x64xf32>
      %max3A = arith.constant 0.000000e+00 : f32
      %max3A_512 = vector.broadcast %max3A : f32 to vector<1024x64xf32>
      %max3A_513 = arith.maximumf %add3A_511, %max3A_512 : vector<1024x64xf32>
      %jit3A_514 = arith.constant 0.000000e+00 : f32
      %broadcast_in_dim3A_515 = vector.shape_cast %broadcast_in_dim3A : vector<1024x1xi1> to vector<1024x1xi1>
      %broadcast_in_dim3A_516 = vector.broadcast %broadcast_in_dim3A_515 : vector<1024x1xi1> to vector<1024x64xi1>
      %broadcast_in_dim3A_517 = vector.broadcast %jit3A_514 : f32 to vector<1024x64xf32>
      %select_n3A_518 = arith.select %broadcast_in_dim3A_516, %max3A_513, %broadcast_in_dim3A_517 : vector<1024x64xi1>, vector<1024x64xf32>
      %convert_element_type3A_519 = arith.extui %broadcast_in_dim3A : vector<1024x1xi1> to vector<1024x1xi32>
      %convert_element_type3A_520 = arith.sitofp %convert_element_type3A_519 : vector<1024x1xi32> to vector<1024x1xf32>
      %broadcast_in_dim3A_521 = arith.constant 0.000000e+00 : f32
      %broadcast_in_dim3A_522 = vector.broadcast %broadcast_in_dim3A_521 : f32 to vector<1024x60xf32>
      %concatenate3A_523 = tpu.concatenate %get3A_8, %convert_element_type3A_520, %select_n3A_518, %broadcast_in_dim3A_522 in 1 : vector<1024x3xf32>, vector<1024x1xf32>, vector<1024x64xf32>, vector<1024x60xf32> -> vector<1024x128xf32>
      %swap3A_524 = arith.constant 0 : index
      %swap3A_525 = arith.constant 0 : index
      %swap3A_526 = arith.constant 0 : index
      %swap3A_527 = vector.load %arg9[%swap3A_524, %swap3A_525, %swap3A_526] : memref<1x1024x128xf32, #tpu.memory_space<vmem>>, vector<1x1024x128xf32>
      %swap3A_528 = vector.shape_cast %swap3A_527 : vector<1x1024x128xf32> to vector<1024x128xf32>
      %swap3A_529 = vector.shape_cast %concatenate3A_523 : vector<1024x128xf32> to vector<1x1024x128xf32>
      tpu.vector_store %arg9[%swap3A_524, %swap3A_525, %swap3A_526], %swap3A_529 {strides = array<i32>} : memref<1x1024x128xf32, #tpu.memory_space<vmem>>, vector<1x1024x128xf32>,
    } else {
    }
    %iota3A = tpu.iota {dimensions = array<i32: 1>} : vector<512x256xi32>
    %convert_element_type3A_75 = arith.sitofp %iota3A : vector<512x256xi32> to vector<512x256xf32>
    %slice3A_76 = vector.extract_strided_slice %select_n3A {offsets = [0, 0], sizes = [512, 256], strides = [1, 1]} : vector<512x1024xf32> to vector<512x256xf32>
    %slice3A_77 = vector.extract_strided_slice %select_n3A {offsets = [0, 256], sizes = [512, 256], strides = [1, 1]} : vector<512x1024xf32> to vector<512x256xf32>
    %add3A_78 = arith.constant 2.560000e+02 : f32
    %add3A_79 = vector.broadcast %add3A_78 : f32 to vector<512x256xf32>
    %add3A_80 = arith.addf %convert_element_type3A_75, %add3A_79 : vector<512x256xf32>
    %slice3A_81 = vector.extract_strided_slice %select_n3A {offsets = [0, 512], sizes = [512, 256], strides = [1, 1]} : vector<512x1024xf32> to vector<512x256xf32>
    %add3A_82 = arith.constant 5.120000e+02 : f32
    %add3A_83 = vector.broadcast %add3A_82 : f32 to vector<512x256xf32>
    %add3A_84 = arith.addf %convert_element_type3A_75, %add3A_83 : vector<512x256xf32>
    %slice3A_85 = vector.extract_strided_slice %select_n3A {offsets = [0, 768], sizes = [512, 256], strides = [1, 1]} : vector<512x1024xf32> to vector<512x256xf32>
    %add3A_86 = arith.constant 7.680000e+02 : f32
    %add3A_87 = vector.broadcast %add3A_86 : f32 to vector<512x256xf32>
    %add3A_88 = arith.addf %convert_element_type3A_75, %add3A_87 : vector<512x256xf32>
    %gt3A = arith.cmpf ogt, %slice3A_76, %slice3A_77 : vector<512x256xf32>
    %eq3A_89 = arith.cmpf oeq, %slice3A_76, %slice3A_77 : vector<512x256xf32>
    %gt3A_90 = arith.cmpf ogt, %convert_element_type3A_75, %add3A_80 : vector<512x256xf32>
    %and3A_91 = arith.andi %eq3A_89, %gt3A_90 : vector<512x256xi1>
    %or3A_92 = arith.ori %gt3A, %and3A_91 : vector<512x256xi1>
    %select_n3A_93 = arith.select %or3A_92, %slice3A_77, %slice3A_76 : vector<512x256xi1>, vector<512x256xf32>
    %select_n3A_94 = arith.select %or3A_92, %add3A_80, %convert_element_type3A_75 : vector<512x256xi1>, vector<512x256xf32>
    %select_n3A_95 = arith.select %or3A_92, %slice3A_76, %slice3A_77 : vector<512x256xi1>, vector<512x256xf32>
    %select_n3A_96 = arith.select %or3A_92, %convert_element_type3A_75, %add3A_80 : vector<512x256xi1>, vector<512x256xf32>
    %gt3A_97 = arith.cmpf ogt, %slice3A_81, %slice3A_85 : vector<512x256xf32>
    %eq3A_98 = arith.cmpf oeq, %slice3A_81, %slice3A_85 : vector<512x256xf32>
    %gt3A_99 = arith.cmpf ogt, %add3A_84, %add3A_88 : vector<512x256xf32>
    %and3A_100 = arith.andi %eq3A_98, %gt3A_99 : vector<512x256xi1>
    %or3A_101 = arith.ori %gt3A_97, %and3A_100 : vector<512x256xi1>
    %select_n3A_102 = arith.select %or3A_101, %slice3A_85, %slice3A_81 : vector<512x256xi1>, vector<512x256xf32>
    %select_n3A_103 = arith.select %or3A_101, %add3A_88, %add3A_84 : vector<512x256xi1>, vector<512x256xf32>
    %select_n3A_104 = arith.select %or3A_101, %slice3A_81, %slice3A_85 : vector<512x256xi1>, vector<512x256xf32>
    %select_n3A_105 = arith.select %or3A_101, %add3A_84, %add3A_88 : vector<512x256xi1>, vector<512x256xf32>
    %gt3A_106 = arith.cmpf ogt, %select_n3A_93, %select_n3A_102 : vector<512x256xf32>
    %eq3A_107 = arith.cmpf oeq, %select_n3A_93, %select_n3A_102 : vector<512x256xf32>
    %gt3A_108 = arith.cmpf ogt, %select_n3A_94, %select_n3A_103 : vector<512x256xf32>
    %and3A_109 = arith.andi %eq3A_107, %gt3A_108 : vector<512x256xi1>
    %or3A_110 = arith.ori %gt3A_106, %and3A_109 : vector<512x256xi1>
    %select_n3A_111 = arith.select %or3A_110, %select_n3A_102, %select_n3A_93 : vector<512x256xi1>, vector<512x256xf32>
    %select_n3A_112 = arith.select %or3A_110, %select_n3A_103, %select_n3A_94 : vector<512x256xi1>, vector<512x256xf32>
    %select_n3A_113 = arith.select %or3A_110, %select_n3A_93, %select_n3A_102 : vector<512x256xi1>, vector<512x256xf32>
    %select_n3A_114 = arith.select %or3A_110, %select_n3A_94, %select_n3A_103 : vector<512x256xi1>, vector<512x256xf32>
    %gt3A_115 = arith.cmpf ogt, %select_n3A_95, %select_n3A_104 : vector<512x256xf32>
    %eq3A_116 = arith.cmpf oeq, %select_n3A_95, %select_n3A_104 : vector<512x256xf32>
    %gt3A_117 = arith.cmpf ogt, %select_n3A_96, %select_n3A_105 : vector<512x256xf32>
    %and3A_118 = arith.andi %eq3A_116, %gt3A_117 : vector<512x256xi1>
    %or3A_119 = arith.ori %gt3A_115, %and3A_118 : vector<512x256xi1>
    %select_n3A_120 = arith.select %or3A_119, %select_n3A_104, %select_n3A_95 : vector<512x256xi1>, vector<512x256xf32>
    %select_n3A_121 = arith.select %or3A_119, %select_n3A_105, %select_n3A_96 : vector<512x256xi1>, vector<512x256xf32>
    %select_n3A_122 = arith.select %or3A_119, %select_n3A_95, %select_n3A_104 : vector<512x256xi1>, vector<512x256xf32>
    %select_n3A_123 = arith.select %or3A_119, %select_n3A_96, %select_n3A_105 : vector<512x256xi1>, vector<512x256xf32>
    %gt3A_124 = arith.cmpf ogt, %select_n3A_120, %select_n3A_113 : vector<512x256xf32>
    %eq3A_125 = arith.cmpf oeq, %select_n3A_120, %select_n3A_113 : vector<512x256xf32>
    %gt3A_126 = arith.cmpf ogt, %select_n3A_121, %select_n3A_114 : vector<512x256xf32>
    %and3A_127 = arith.andi %eq3A_125, %gt3A_126 : vector<512x256xi1>
    %or3A_128 = arith.ori %gt3A_124, %and3A_127 : vector<512x256xi1>
    %select_n3A_129 = arith.select %or3A_128, %select_n3A_113, %select_n3A_120 : vector<512x256xi1>, vector<512x256xf32>
    %select_n3A_130 = arith.select %or3A_128, %select_n3A_114, %select_n3A_121 : vector<512x256xi1>, vector<512x256xf32>
    %select_n3A_131 = arith.select %or3A_128, %select_n3A_120, %select_n3A_113 : vector<512x256xi1>, vector<512x256xf32>
    %select_n3A_132 = arith.select %or3A_128, %select_n3A_121, %select_n3A_114 : vector<512x256xi1>, vector<512x256xf32>
    %reduce_min3A = arith.constant dense<0x7F800000> : vector<512xf32>
    %reduce_min3A_133 = vector.multi_reduction <minimumf>, %select_n3A_111, %reduce_min3A [1] : vector<512x256xf32> to vector<512xf32>
    %broadcast_in_dim3A_134 = vector.shape_cast %reduce_min3A_133 : vector<512xf32> to vector<512x1xf32>
    %le3A = vector.broadcast %broadcast_in_dim3A_134 : vector<512x1xf32> to vector<512x256xf32>
    %le3A_135 = arith.cmpf ole, %select_n3A_111, %le3A : vector<512x256xf32>
    %jit3A_136 = arith.constant 1.000000e+09 : f32
    %broadcast_in_dim3A_137 = vector.broadcast %jit3A_136 : f32 to vector<512x256xf32>
    %select_n3A_138 = arith.select %le3A_135, %select_n3A_112, %broadcast_in_dim3A_137 : vector<512x256xi1>, vector<512x256xf32>
    %reduce_min3A_139 = arith.constant dense<0x7F800000> : vector<512xf32>
    %reduce_min3A_140 = vector.multi_reduction <minimumf>, %select_n3A_138, %reduce_min3A_139 [1] : vector<512x256xf32> to vector<512xf32>
    %broadcast_in_dim3A_141 = vector.shape_cast %reduce_min3A_140 : vector<512xf32> to vector<512x1xf32>
    %eq3A_142 = vector.broadcast %broadcast_in_dim3A_141 : vector<512x1xf32> to vector<512x256xf32>
    %eq3A_143 = arith.cmpf oeq, %select_n3A_112, %eq3A_142 : vector<512x256xf32>
    %select_n3A_144 = arith.select %eq3A_143, %select_n3A_129, %select_n3A_111 : vector<512x256xi1>, vector<512x256xf32>
    %select_n3A_145 = arith.select %eq3A_143, %select_n3A_130, %select_n3A_112 : vector<512x256xi1>, vector<512x256xf32>
    %select_n3A_146 = arith.select %eq3A_143, %select_n3A_131, %select_n3A_129 : vector<512x256xi1>, vector<512x256xf32>
    %select_n3A_147 = arith.select %eq3A_143, %select_n3A_132, %select_n3A_130 : vector<512x256xi1>, vector<512x256xf32>
    %select_n3A_148 = arith.select %eq3A_143, %select_n3A_122, %select_n3A_131 : vector<512x256xi1>, vector<512x256xf32>
    %select_n3A_149 = arith.select %eq3A_143, %select_n3A_123, %select_n3A_132 : vector<512x256xi1>, vector<512x256xf32>
    %jit3A_150 = arith.constant 3.000000e+09 : f32
    %broadcast_in_dim3A_151 = vector.broadcast %jit3A_150 : f32 to vector<512x256xf32>
    %select_n3A_152 = arith.select %eq3A_143, %broadcast_in_dim3A_151, %select_n3A_122 : vector<512x256xi1>, vector<512x256xf32>
    %jit3A_153 = arith.constant 1.000000e+09 : f32
    %broadcast_in_dim3A_154 = vector.broadcast %jit3A_153 : f32 to vector<512x256xf32>
    %select_n3A_155 = arith.select %eq3A_143, %broadcast_in_dim3A_154, %select_n3A_123 : vector<512x256xi1>, vector<512x256xf32>
    %reduce_min3A_156 = arith.constant dense<0x7F800000> : vector<512xf32>
    %reduce_min3A_157 = vector.multi_reduction <minimumf>, %select_n3A_144, %reduce_min3A_156 [1] : vector<512x256xf32> to vector<512xf32>
    %broadcast_in_dim3A_158 = vector.shape_cast %reduce_min3A_157 : vector<512xf32> to vector<512x1xf32>
    %le3A_159 = vector.broadcast %broadcast_in_dim3A_158 : vector<512x1xf32> to vector<512x256xf32>
    %le3A_160 = arith.cmpf ole, %select_n3A_144, %le3A_159 : vector<512x256xf32>
    %jit3A_161 = arith.constant 1.000000e+09 : f32
    %broadcast_in_dim3A_162 = vector.broadcast %jit3A_161 : f32 to vector<512x256xf32>
    %select_n3A_163 = arith.select %le3A_160, %select_n3A_145, %broadcast_in_dim3A_162 : vector<512x256xi1>, vector<512x256xf32>
    %reduce_min3A_164 = arith.constant dense<0x7F800000> : vector<512xf32>
    %reduce_min3A_165 = vector.multi_reduction <minimumf>, %select_n3A_163, %reduce_min3A_164 [1] : vector<512x256xf32> to vector<512xf32>
    %broadcast_in_dim3A_166 = vector.shape_cast %reduce_min3A_165 : vector<512xf32> to vector<512x1xf32>
    %eq3A_167 = vector.broadcast %broadcast_in_dim3A_166 : vector<512x1xf32> to vector<512x256xf32>
    %eq3A_168 = arith.cmpf oeq, %select_n3A_145, %eq3A_167 : vector<512x256xf32>
    %select_n3A_169 = arith.select %eq3A_168, %select_n3A_146, %select_n3A_144 : vector<512x256xi1>, vector<512x256xf32>
    %select_n3A_170 = arith.select %eq3A_168, %select_n3A_147, %select_n3A_145 : vector<512x256xi1>, vector<512x256xf32>
    %select_n3A_171 = arith.select %eq3A_168, %select_n3A_148, %select_n3A_146 : vector<512x256xi1>, vector<512x256xf32>
    %select_n3A_172 = arith.select %eq3A_168, %select_n3A_149, %select_n3A_147 : vector<512x256xi1>, vector<512x256xf32>
    %select_n3A_173 = arith.select %eq3A_168, %select_n3A_152, %select_n3A_148 : vector<512x256xi1>, vector<512x256xf32>
    %select_n3A_174 = arith.select %eq3A_168, %select_n3A_155, %select_n3A_149 : vector<512x256xi1>, vector<512x256xf32>
    %jit3A_175 = arith.constant 3.000000e+09 : f32
    %broadcast_in_dim3A_176 = vector.broadcast %jit3A_175 : f32 to vector<512x256xf32>
    %select_n3A_177 = arith.select %eq3A_168, %broadcast_in_dim3A_176, %select_n3A_152 : vector<512x256xi1>, vector<512x256xf32>
    %jit3A_178 = arith.constant 1.000000e+09 : f32
    %broadcast_in_dim3A_179 = vector.broadcast %jit3A_178 : f32 to vector<512x256xf32>
    %select_n3A_180 = arith.select %eq3A_168, %broadcast_in_dim3A_179, %select_n3A_155 : vector<512x256xi1>, vector<512x256xf32>
    %reduce_min3A_181 = arith.constant dense<0x7F800000> : vector<512xf32>
    %reduce_min3A_182 = vector.multi_reduction <minimumf>, %select_n3A_169, %reduce_min3A_181 [1] : vector<512x256xf32> to vector<512xf32>
    %broadcast_in_dim3A_183 = vector.shape_cast %reduce_min3A_182 : vector<512xf32> to vector<512x1xf32>
    %le3A_184 = vector.broadcast %broadcast_in_dim3A_183 : vector<512x1xf32> to vector<512x256xf32>
    %le3A_185 = arith.cmpf ole, %select_n3A_169, %le3A_184 : vector<512x256xf32>
    %jit3A_186 = arith.constant 1.000000e+09 : f32
    %broadcast_in_dim3A_187 = vector.broadcast %jit3A_186 : f32 to vector<512x256xf32>
    %select_n3A_188 = arith.select %le3A_185, %select_n3A_170, %broadcast_in_dim3A_187 : vector<512x256xi1>, vector<512x256xf32>
    %reduce_min3A_189 = arith.constant dense<0x7F800000> : vector<512xf32>
    %reduce_min3A_190 = vector.multi_reduction <minimumf>, %select_n3A_188, %reduce_min3A_189 [1] : vector<512x256xf32> to vector<512xf32>
    %broadcast_in_dim3A_191 = vector.shape_cast %reduce_min3A_190 : vector<512xf32> to vector<512x1xf32>
    %eq3A_192 = vector.broadcast %broadcast_in_dim3A_191 : vector<512x1xf32> to vector<512x256xf32>
    %eq3A_193 = arith.cmpf oeq, %select_n3A_170, %eq3A_192 : vector<512x256xf32>
    %select_n3A_194 = arith.select %eq3A_193, %select_n3A_171, %select_n3A_169 : vector<512x256xi1>, vector<512x256xf32>
    %select_n3A_195 = arith.select %eq3A_193, %select_n3A_172, %select_n3A_170 : vector<512x256xi1>, vector<512x256xf32>
    %select_n3A_196 = arith.select %eq3A_193, %select_n3A_173, %select_n3A_171 : vector<512x256xi1>, vector<512x256xf32>
    %select_n3A_197 = arith.select %eq3A_193, %select_n3A_174, %select_n3A_172 : vector<512x256xi1>, vector<512x256xf32>
    %select_n3A_198 = arith.select %eq3A_193, %select_n3A_177, %select_n3A_173 : vector<512x256xi1>, vector<512x256xf32>
    %select_n3A_199 = arith.select %eq3A_193, %select_n3A_180, %select_n3A_174 : vector<512x256xi1>, vector<512x256xf32>
    %jit3A_200 = arith.constant 3.000000e+09 : f32
    %broadcast_in_dim3A_201 = vector.broadcast %jit3A_200 : f32 to vector<512x256xf32>
    %select_n3A_202 = arith.select %eq3A_193, %broadcast_in_dim3A_201, %select_n3A_177 : vector<512x256xi1>, vector<512x256xf32>
    %jit3A_203 = arith.constant 1.000000e+09 : f32
    %broadcast_in_dim3A_204 = vector.broadcast %jit3A_203 : f32 to vector<512x256xf32>
    %select_n3A_205 = arith.select %eq3A_193, %broadcast_in_dim3A_204, %select_n3A_180 : vector<512x256xi1>, vector<512x256xf32>
    %reduce_min3A_206 = arith.constant dense<0x7F800000> : vector<512xf32>
    %reduce_min3A_207 = vector.multi_reduction <minimumf>, %select_n3A_194, %reduce_min3A_206 [1] : vector<512x256xf32> to vector<512xf32>
    %broadcast_in_dim3A_208 = vector.shape_cast %reduce_min3A_207 : vector<512xf32> to vector<512x1xf32>
    %le3A_209 = vector.broadcast %broadcast_in_dim3A_208 : vector<512x1xf32> to vector<512x256xf32>
    %le3A_210 = arith.cmpf ole, %select_n3A_194, %le3A_209 : vector<512x256xf32>
    %jit3A_211 = arith.constant 1.000000e+09 : f32
    %broadcast_in_dim3A_212 = vector.broadcast %jit3A_211 : f32 to vector<512x256xf32>
    %select_n3A_213 = arith.select %le3A_210, %select_n3A_195, %broadcast_in_dim3A_212 : vector<512x256xi1>, vector<512x256xf32>
    %reduce_min3A_214 = arith.constant dense<0x7F800000> : vector<512xf32>
    %reduce_min3A_215 = vector.multi_reduction <minimumf>, %select_n3A_213, %reduce_min3A_214 [1] : vector<512x256xf32> to vector<512xf32>
    %broadcast_in_dim3A_216 = vector.shape_cast %reduce_min3A_215 : vector<512xf32> to vector<512x1xf32>
    %eq3A_217 = vector.broadcast %broadcast_in_dim3A_216 : vector<512x1xf32> to vector<512x256xf32>
    %eq3A_218 = arith.cmpf oeq, %select_n3A_195, %eq3A_217 : vector<512x256xf32>
    %select_n3A_219 = arith.select %eq3A_218, %select_n3A_196, %select_n3A_194 : vector<512x256xi1>, vector<512x256xf32>
    %select_n3A_220 = arith.select %eq3A_218, %select_n3A_197, %select_n3A_195 : vector<512x256xi1>, vector<512x256xf32>
    %select_n3A_221 = arith.select %eq3A_218, %select_n3A_198, %select_n3A_196 : vector<512x256xi1>, vector<512x256xf32>
    %select_n3A_222 = arith.select %eq3A_218, %select_n3A_199, %select_n3A_197 : vector<512x256xi1>, vector<512x256xf32>
    %select_n3A_223 = arith.select %eq3A_218, %select_n3A_202, %select_n3A_198 : vector<512x256xi1>, vector<512x256xf32>
    %select_n3A_224 = arith.select %eq3A_218, %select_n3A_205, %select_n3A_199 : vector<512x256xi1>, vector<512x256xf32>
    %jit3A_225 = arith.constant 3.000000e+09 : f32
    %broadcast_in_dim3A_226 = vector.broadcast %jit3A_225 : f32 to vector<512x256xf32>
    %select_n3A_227 = arith.select %eq3A_218, %broadcast_in_dim3A_226, %select_n3A_202 : vector<512x256xi1>, vector<512x256xf32>
    %jit3A_228 = arith.constant 1.000000e+09 : f32
    %broadcast_in_dim3A_229 = vector.broadcast %jit3A_228 : f32 to vector<512x256xf32>
    %select_n3A_230 = arith.select %eq3A_218, %broadcast_in_dim3A_229, %select_n3A_205 : vector<512x256xi1>, vector<512x256xf32>
    %reduce_min3A_231 = arith.constant dense<0x7F800000> : vector<512xf32>
    %reduce_min3A_232 = vector.multi_reduction <minimumf>, %select_n3A_219, %reduce_min3A_231 [1] : vector<512x256xf32> to vector<512xf32>
    %broadcast_in_dim3A_233 = vector.shape_cast %reduce_min3A_232 : vector<512xf32> to vector<512x1xf32>
    %le3A_234 = vector.broadcast %broadcast_in_dim3A_233 : vector<512x1xf32> to vector<512x256xf32>
    %le3A_235 = arith.cmpf ole, %select_n3A_219, %le3A_234 : vector<512x256xf32>
    %jit3A_236 = arith.constant 1.000000e+09 : f32
    %broadcast_in_dim3A_237 = vector.broadcast %jit3A_236 : f32 to vector<512x256xf32>
    %select_n3A_238 = arith.select %le3A_235, %select_n3A_220, %broadcast_in_dim3A_237 : vector<512x256xi1>, vector<512x256xf32>
    %reduce_min3A_239 = arith.constant dense<0x7F800000> : vector<512xf32>
    %reduce_min3A_240 = vector.multi_reduction <minimumf>, %select_n3A_238, %reduce_min3A_239 [1] : vector<512x256xf32> to vector<512xf32>
    %broadcast_in_dim3A_241 = vector.shape_cast %reduce_min3A_240 : vector<512xf32> to vector<512x1xf32>
    %eq3A_242 = vector.broadcast %broadcast_in_dim3A_241 : vector<512x1xf32> to vector<512x256xf32>
    %eq3A_243 = arith.cmpf oeq, %select_n3A_220, %eq3A_242 : vector<512x256xf32>
    %select_n3A_244 = arith.select %eq3A_243, %select_n3A_221, %select_n3A_219 : vector<512x256xi1>, vector<512x256xf32>
    %select_n3A_245 = arith.select %eq3A_243, %select_n3A_222, %select_n3A_220 : vector<512x256xi1>, vector<512x256xf32>
    %select_n3A_246 = arith.select %eq3A_243, %select_n3A_223, %select_n3A_221 : vector<512x256xi1>, vector<512x256xf32>
    %select_n3A_247 = arith.select %eq3A_243, %select_n3A_224, %select_n3A_222 : vector<512x256xi1>, vector<512x256xf32>
    %select_n3A_248 = arith.select %eq3A_243, %select_n3A_227, %select_n3A_223 : vector<512x256xi1>, vector<512x256xf32>
    %select_n3A_249 = arith.select %eq3A_243, %select_n3A_230, %select_n3A_224 : vector<512x256xi1>, vector<512x256xf32>
    %jit3A_250 = arith.constant 3.000000e+09 : f32
    %broadcast_in_dim3A_251 = vector.broadcast %jit3A_250 : f32 to vector<512x256xf32>
    %select_n3A_252 = arith.select %eq3A_243, %broadcast_in_dim3A_251, %select_n3A_227 : vector<512x256xi1>, vector<512x256xf32>
    %jit3A_253 = arith.constant 1.000000e+09 : f32
    %broadcast_in_dim3A_254 = vector.broadcast %jit3A_253 : f32 to vector<512x256xf32>
    %select_n3A_255 = arith.select %eq3A_243, %broadcast_in_dim3A_254, %select_n3A_230 : vector<512x256xi1>, vector<512x256xf32>
    %reduce_min3A_256 = arith.constant dense<0x7F800000> : vector<512xf32>
    %reduce_min3A_257 = vector.multi_reduction <minimumf>, %select_n3A_244, %reduce_min3A_256 [1] : vector<512x256xf32> to vector<512xf32>
    %broadcast_in_dim3A_258 = vector.shape_cast %reduce_min3A_257 : vector<512xf32> to vector<512x1xf32>
    %le3A_259 = vector.broadcast %broadcast_in_dim3A_258 : vector<512x1xf32> to vector<512x256xf32>
    %le3A_260 = arith.cmpf ole, %select_n3A_244, %le3A_259 : vector<512x256xf32>
    %jit3A_261 = arith.constant 1.000000e+09 : f32
    %broadcast_in_dim3A_262 = vector.broadcast %jit3A_261 : f32 to vector<512x256xf32>
    %select_n3A_263 = arith.select %le3A_260, %select_n3A_245, %broadcast_in_dim3A_262 : vector<512x256xi1>, vector<512x256xf32>
    %reduce_min3A_264 = arith.constant dense<0x7F800000> : vector<512xf32>
    %reduce_min3A_265 = vector.multi_reduction <minimumf>, %select_n3A_263, %reduce_min3A_264 [1] : vector<512x256xf32> to vector<512xf32>
    %broadcast_in_dim3A_266 = vector.shape_cast %reduce_min3A_265 : vector<512xf32> to vector<512x1xf32>
    %eq3A_267 = vector.broadcast %broadcast_in_dim3A_266 : vector<512x1xf32> to vector<512x256xf32>
    %eq3A_268 = arith.cmpf oeq, %select_n3A_245, %eq3A_267 : vector<512x256xf32>
    %select_n3A_269 = arith.select %eq3A_268, %select_n3A_246, %select_n3A_244 : vector<512x256xi1>, vector<512x256xf32>
    %select_n3A_270 = arith.select %eq3A_268, %select_n3A_247, %select_n3A_245 : vector<512x256xi1>, vector<512x256xf32>
    %select_n3A_271 = arith.select %eq3A_268, %select_n3A_248, %select_n3A_246 : vector<512x256xi1>, vector<512x256xf32>
    %select_n3A_272 = arith.select %eq3A_268, %select_n3A_249, %select_n3A_247 : vector<512x256xi1>, vector<512x256xf32>
    %select_n3A_273 = arith.select %eq3A_268, %select_n3A_252, %select_n3A_248 : vector<512x256xi1>, vector<512x256xf32>
    %select_n3A_274 = arith.select %eq3A_268, %select_n3A_255, %select_n3A_249 : vector<512x256xi1>, vector<512x256xf32>
    %jit3A_275 = arith.constant 3.000000e+09 : f32
    %broadcast_in_dim3A_276 = vector.broadcast %jit3A_275 : f32 to vector<512x256xf32>
    %select_n3A_277 = arith.select %eq3A_268, %broadcast_in_dim3A_276, %select_n3A_252 : vector<512x256xi1>, vector<512x256xf32>
    %jit3A_278 = arith.constant 1.000000e+09 : f32
    %broadcast_in_dim3A_279 = vector.broadcast %jit3A_278 : f32 to vector<512x256xf32>
    %select_n3A_280 = arith.select %eq3A_268, %broadcast_in_dim3A_279, %select_n3A_255 : vector<512x256xi1>, vector<512x256xf32>
    %reduce_min3A_281 = arith.constant dense<0x7F800000> : vector<512xf32>
    %reduce_min3A_282 = vector.multi_reduction <minimumf>, %select_n3A_269, %reduce_min3A_281 [1] : vector<512x256xf32> to vector<512xf32>
    %broadcast_in_dim3A_283 = vector.shape_cast %reduce_min3A_282 : vector<512xf32> to vector<512x1xf32>
    %le3A_284 = vector.broadcast %broadcast_in_dim3A_283 : vector<512x1xf32> to vector<512x256xf32>
    %le3A_285 = arith.cmpf ole, %select_n3A_269, %le3A_284 : vector<512x256xf32>
    %jit3A_286 = arith.constant 1.000000e+09 : f32
    %broadcast_in_dim3A_287 = vector.broadcast %jit3A_286 : f32 to vector<512x256xf32>
    %select_n3A_288 = arith.select %le3A_285, %select_n3A_270, %broadcast_in_dim3A_287 : vector<512x256xi1>, vector<512x256xf32>
    %reduce_min3A_289 = arith.constant dense<0x7F800000> : vector<512xf32>
    %reduce_min3A_290 = vector.multi_reduction <minimumf>, %select_n3A_288, %reduce_min3A_289 [1] : vector<512x256xf32> to vector<512xf32>
    %broadcast_in_dim3A_291 = vector.shape_cast %reduce_min3A_290 : vector<512xf32> to vector<512x1xf32>
    %eq3A_292 = vector.broadcast %broadcast_in_dim3A_291 : vector<512x1xf32> to vector<512x256xf32>
    %eq3A_293 = arith.cmpf oeq, %select_n3A_270, %eq3A_292 : vector<512x256xf32>
    %select_n3A_294 = arith.select %eq3A_293, %select_n3A_271, %select_n3A_269 : vector<512x256xi1>, vector<512x256xf32>
    %select_n3A_295 = arith.select %eq3A_293, %select_n3A_272, %select_n3A_270 : vector<512x256xi1>, vector<512x256xf32>
    %select_n3A_296 = arith.select %eq3A_293, %select_n3A_273, %select_n3A_271 : vector<512x256xi1>, vector<512x256xf32>
    %select_n3A_297 = arith.select %eq3A_293, %select_n3A_274, %select_n3A_272 : vector<512x256xi1>, vector<512x256xf32>
    %select_n3A_298 = arith.select %eq3A_293, %select_n3A_277, %select_n3A_273 : vector<512x256xi1>, vector<512x256xf32>
    %select_n3A_299 = arith.select %eq3A_293, %select_n3A_280, %select_n3A_274 : vector<512x256xi1>, vector<512x256xf32>
    %jit3A_300 = arith.constant 3.000000e+09 : f32
    %broadcast_in_dim3A_301 = vector.broadcast %jit3A_300 : f32 to vector<512x256xf32>
    %select_n3A_302 = arith.select %eq3A_293, %broadcast_in_dim3A_301, %select_n3A_277 : vector<512x256xi1>, vector<512x256xf32>
    %jit3A_303 = arith.constant 1.000000e+09 : f32
    %broadcast_in_dim3A_304 = vector.broadcast %jit3A_303 : f32 to vector<512x256xf32>
    %select_n3A_305 = arith.select %eq3A_293, %broadcast_in_dim3A_304, %select_n3A_280 : vector<512x256xi1>, vector<512x256xf32>
    %reduce_min3A_306 = arith.constant dense<0x7F800000> : vector<512xf32>
    %reduce_min3A_307 = vector.multi_reduction <minimumf>, %select_n3A_294, %reduce_min3A_306 [1] : vector<512x256xf32> to vector<512xf32>
    %broadcast_in_dim3A_308 = vector.shape_cast %reduce_min3A_307 : vector<512xf32> to vector<512x1xf32>
    %le3A_309 = vector.broadcast %broadcast_in_dim3A_308 : vector<512x1xf32> to vector<512x256xf32>
    %le3A_310 = arith.cmpf ole, %select_n3A_294, %le3A_309 : vector<512x256xf32>
    %jit3A_311 = arith.constant 1.000000e+09 : f32
    %broadcast_in_dim3A_312 = vector.broadcast %jit3A_311 : f32 to vector<512x256xf32>
    %select_n3A_313 = arith.select %le3A_310, %select_n3A_295, %broadcast_in_dim3A_312 : vector<512x256xi1>, vector<512x256xf32>
    %reduce_min3A_314 = arith.constant dense<0x7F800000> : vector<512xf32>
    %reduce_min3A_315 = vector.multi_reduction <minimumf>, %select_n3A_313, %reduce_min3A_314 [1] : vector<512x256xf32> to vector<512xf32>
    %broadcast_in_dim3A_316 = vector.shape_cast %reduce_min3A_315 : vector<512xf32> to vector<512x1xf32>
    %eq3A_317 = vector.broadcast %broadcast_in_dim3A_316 : vector<512x1xf32> to vector<512x256xf32>
    %eq3A_318 = arith.cmpf oeq, %select_n3A_295, %eq3A_317 : vector<512x256xf32>
    %select_n3A_319 = arith.select %eq3A_318, %select_n3A_296, %select_n3A_294 : vector<512x256xi1>, vector<512x256xf32>
    %select_n3A_320 = arith.select %eq3A_318, %select_n3A_297, %select_n3A_295 : vector<512x256xi1>, vector<512x256xf32>
    %select_n3A_321 = arith.select %eq3A_318, %select_n3A_298, %select_n3A_296 : vector<512x256xi1>, vector<512x256xf32>
    %select_n3A_322 = arith.select %eq3A_318, %select_n3A_299, %select_n3A_297 : vector<512x256xi1>, vector<512x256xf32>
    %select_n3A_323 = arith.select %eq3A_318, %select_n3A_302, %select_n3A_298 : vector<512x256xi1>, vector<512x256xf32>
    %select_n3A_324 = arith.select %eq3A_318, %select_n3A_305, %select_n3A_299 : vector<512x256xi1>, vector<512x256xf32>
    %jit3A_325 = arith.constant 3.000000e+09 : f32
    %broadcast_in_dim3A_326 = vector.broadcast %jit3A_325 : f32 to vector<512x256xf32>
    %select_n3A_327 = arith.select %eq3A_318, %broadcast_in_dim3A_326, %select_n3A_302 : vector<512x256xi1>, vector<512x256xf32>
    %jit3A_328 = arith.constant 1.000000e+09 : f32
    %broadcast_in_dim3A_329 = vector.broadcast %jit3A_328 : f32 to vector<512x256xf32>
    %select_n3A_330 = arith.select %eq3A_318, %broadcast_in_dim3A_329, %select_n3A_305 : vector<512x256xi1>, vector<512x256xf32>
    %reduce_min3A_331 = arith.constant dense<0x7F800000> : vector<512xf32>
    %reduce_min3A_332 = vector.multi_reduction <minimumf>, %select_n3A_319, %reduce_min3A_331 [1] : vector<512x256xf32> to vector<512xf32>
    %broadcast_in_dim3A_333 = vector.shape_cast %reduce_min3A_332 : vector<512xf32> to vector<512x1xf32>
    %le3A_334 = vector.broadcast %broadcast_in_dim3A_333 : vector<512x1xf32> to vector<512x256xf32>
    %le3A_335 = arith.cmpf ole, %select_n3A_319, %le3A_334 : vector<512x256xf32>
    %jit3A_336 = arith.constant 1.000000e+09 : f32
    %broadcast_in_dim3A_337 = vector.broadcast %jit3A_336 : f32 to vector<512x256xf32>
    %select_n3A_338 = arith.select %le3A_335, %select_n3A_320, %broadcast_in_dim3A_337 : vector<512x256xi1>, vector<512x256xf32>
    %reduce_min3A_339 = arith.constant dense<0x7F800000> : vector<512xf32>
    %reduce_min3A_340 = vector.multi_reduction <minimumf>, %select_n3A_338, %reduce_min3A_339 [1] : vector<512x256xf32> to vector<512xf32>
    %broadcast_in_dim3A_341 = vector.shape_cast %reduce_min3A_340 : vector<512xf32> to vector<512x1xf32>
    %eq3A_342 = vector.broadcast %broadcast_in_dim3A_341 : vector<512x1xf32> to vector<512x256xf32>
    %eq3A_343 = arith.cmpf oeq, %select_n3A_320, %eq3A_342 : vector<512x256xf32>
    %select_n3A_344 = arith.select %eq3A_343, %select_n3A_321, %select_n3A_319 : vector<512x256xi1>, vector<512x256xf32>
    %select_n3A_345 = arith.select %eq3A_343, %select_n3A_322, %select_n3A_320 : vector<512x256xi1>, vector<512x256xf32>
    %select_n3A_346 = arith.select %eq3A_343, %select_n3A_323, %select_n3A_321 : vector<512x256xi1>, vector<512x256xf32>
    %select_n3A_347 = arith.select %eq3A_343, %select_n3A_324, %select_n3A_322 : vector<512x256xi1>, vector<512x256xf32>
    %select_n3A_348 = arith.select %eq3A_343, %select_n3A_327, %select_n3A_323 : vector<512x256xi1>, vector<512x256xf32>
    %select_n3A_349 = arith.select %eq3A_343, %select_n3A_330, %select_n3A_324 : vector<512x256xi1>, vector<512x256xf32>
    %jit3A_350 = arith.constant 3.000000e+09 : f32
    %broadcast_in_dim3A_351 = vector.broadcast %jit3A_350 : f32 to vector<512x256xf32>
    %select_n3A_352 = arith.select %eq3A_343, %broadcast_in_dim3A_351, %select_n3A_327 : vector<512x256xi1>, vector<512x256xf32>
    %jit3A_353 = arith.constant 1.000000e+09 : f32
    %broadcast_in_dim3A_354 = vector.broadcast %jit3A_353 : f32 to vector<512x256xf32>
    %select_n3A_355 = arith.select %eq3A_343, %broadcast_in_dim3A_354, %select_n3A_330 : vector<512x256xi1>, vector<512x256xf32>
    %reduce_min3A_356 = arith.constant dense<0x7F800000> : vector<512xf32>
    %reduce_min3A_357 = vector.multi_reduction <minimumf>, %select_n3A_344, %reduce_min3A_356 [1] : vector<512x256xf32> to vector<512xf32>
    %broadcast_in_dim3A_358 = vector.shape_cast %reduce_min3A_357 : vector<512xf32> to vector<512x1xf32>
    %le3A_359 = vector.broadcast %broadcast_in_dim3A_358 : vector<512x1xf32> to vector<512x256xf32>
    %le3A_360 = arith.cmpf ole, %select_n3A_344, %le3A_359 : vector<512x256xf32>
    %jit3A_361 = arith.constant 1.000000e+09 : f32
    %broadcast_in_dim3A_362 = vector.broadcast %jit3A_361 : f32 to vector<512x256xf32>
    %select_n3A_363 = arith.select %le3A_360, %select_n3A_345, %broadcast_in_dim3A_362 : vector<512x256xi1>, vector<512x256xf32>
    %reduce_min3A_364 = arith.constant dense<0x7F800000> : vector<512xf32>
    %reduce_min3A_365 = vector.multi_reduction <minimumf>, %select_n3A_363, %reduce_min3A_364 [1] : vector<512x256xf32> to vector<512xf32>
    %broadcast_in_dim3A_366 = vector.shape_cast %reduce_min3A_365 : vector<512xf32> to vector<512x1xf32>
    %eq3A_367 = vector.broadcast %broadcast_in_dim3A_366 : vector<512x1xf32> to vector<512x256xf32>
    %eq3A_368 = arith.cmpf oeq, %select_n3A_345, %eq3A_367 : vector<512x256xf32>
    %select_n3A_369 = arith.select %eq3A_368, %select_n3A_346, %select_n3A_344 : vector<512x256xi1>, vector<512x256xf32>
    %select_n3A_370 = arith.select %eq3A_368, %select_n3A_347, %select_n3A_345 : vector<512x256xi1>, vector<512x256xf32>
    %select_n3A_371 = arith.select %eq3A_368, %select_n3A_348, %select_n3A_346 : vector<512x256xi1>, vector<512x256xf32>
    %select_n3A_372 = arith.select %eq3A_368, %select_n3A_349, %select_n3A_347 : vector<512x256xi1>, vector<512x256xf32>
    %select_n3A_373 = arith.select %eq3A_368, %select_n3A_352, %select_n3A_348 : vector<512x256xi1>, vector<512x256xf32>
    %select_n3A_374 = arith.select %eq3A_368, %select_n3A_355, %select_n3A_349 : vector<512x256xi1>, vector<512x256xf32>
    %jit3A_375 = arith.constant 3.000000e+09 : f32
    %broadcast_in_dim3A_376 = vector.broadcast %jit3A_375 : f32 to vector<512x256xf32>
    %select_n3A_377 = arith.select %eq3A_368, %broadcast_in_dim3A_376, %select_n3A_352 : vector<512x256xi1>, vector<512x256xf32>
    %jit3A_378 = arith.constant 1.000000e+09 : f32
    %broadcast_in_dim3A_379 = vector.broadcast %jit3A_378 : f32 to vector<512x256xf32>
    %select_n3A_380 = arith.select %eq3A_368, %broadcast_in_dim3A_379, %select_n3A_355 : vector<512x256xi1>, vector<512x256xf32>
    %reduce_min3A_381 = arith.constant dense<0x7F800000> : vector<512xf32>
    %reduce_min3A_382 = vector.multi_reduction <minimumf>, %select_n3A_369, %reduce_min3A_381 [1] : vector<512x256xf32> to vector<512xf32>
    %broadcast_in_dim3A_383 = vector.shape_cast %reduce_min3A_382 : vector<512xf32> to vector<512x1xf32>
    %le3A_384 = vector.broadcast %broadcast_in_dim3A_383 : vector<512x1xf32> to vector<512x256xf32>
    %le3A_385 = arith.cmpf ole, %select_n3A_369, %le3A_384 : vector<512x256xf32>
    %jit3A_386 = arith.constant 1.000000e+09 : f32
    %broadcast_in_dim3A_387 = vector.broadcast %jit3A_386 : f32 to vector<512x256xf32>
    %select_n3A_388 = arith.select %le3A_385, %select_n3A_370, %broadcast_in_dim3A_387 : vector<512x256xi1>, vector<512x256xf32>
    %reduce_min3A_389 = arith.constant dense<0x7F800000> : vector<512xf32>
    %reduce_min3A_390 = vector.multi_reduction <minimumf>, %select_n3A_388, %reduce_min3A_389 [1] : vector<512x256xf32> to vector<512xf32>
    %broadcast_in_dim3A_391 = vector.shape_cast %reduce_min3A_390 : vector<512xf32> to vector<512x1xf32>
    %eq3A_392 = vector.broadcast %broadcast_in_dim3A_391 : vector<512x1xf32> to vector<512x256xf32>
    %eq3A_393 = arith.cmpf oeq, %select_n3A_370, %eq3A_392 : vector<512x256xf32>
    %select_n3A_394 = arith.select %eq3A_393, %select_n3A_371, %select_n3A_369 : vector<512x256xi1>, vector<512x256xf32>
    %select_n3A_395 = arith.select %eq3A_393, %select_n3A_372, %select_n3A_370 : vector<512x256xi1>, vector<512x256xf32>
    %select_n3A_396 = arith.select %eq3A_393, %select_n3A_373, %select_n3A_371 : vector<512x256xi1>, vector<512x256xf32>
    %select_n3A_397 = arith.select %eq3A_393, %select_n3A_374, %select_n3A_372 : vector<512x256xi1>, vector<512x256xf32>
    %select_n3A_398 = arith.select %eq3A_393, %select_n3A_377, %select_n3A_373 : vector<512x256xi1>, vector<512x256xf32>
    %select_n3A_399 = arith.select %eq3A_393, %select_n3A_380, %select_n3A_374 : vector<512x256xi1>, vector<512x256xf32>
    %jit3A_400 = arith.constant 3.000000e+09 : f32
    %broadcast_in_dim3A_401 = vector.broadcast %jit3A_400 : f32 to vector<512x256xf32>
    %select_n3A_402 = arith.select %eq3A_393, %broadcast_in_dim3A_401, %select_n3A_377 : vector<512x256xi1>, vector<512x256xf32>
    %jit3A_403 = arith.constant 1.000000e+09 : f32
    %broadcast_in_dim3A_404 = vector.broadcast %jit3A_403 : f32 to vector<512x256xf32>
    %select_n3A_405 = arith.select %eq3A_393, %broadcast_in_dim3A_404, %select_n3A_380 : vector<512x256xi1>, vector<512x256xf32>
    %reduce_min3A_406 = arith.constant dense<0x7F800000> : vector<512xf32>
    %reduce_min3A_407 = vector.multi_reduction <minimumf>, %select_n3A_394, %reduce_min3A_406 [1] : vector<512x256xf32> to vector<512xf32>
    %broadcast_in_dim3A_408 = vector.shape_cast %reduce_min3A_407 : vector<512xf32> to vector<512x1xf32>
    %le3A_409 = vector.broadcast %broadcast_in_dim3A_408 : vector<512x1xf32> to vector<512x256xf32>
    %le3A_410 = arith.cmpf ole, %select_n3A_394, %le3A_409 : vector<512x256xf32>
    %jit3A_411 = arith.constant 1.000000e+09 : f32
    %broadcast_in_dim3A_412 = vector.broadcast %jit3A_411 : f32 to vector<512x256xf32>
    %select_n3A_413 = arith.select %le3A_410, %select_n3A_395, %broadcast_in_dim3A_412 : vector<512x256xi1>, vector<512x256xf32>
    %reduce_min3A_414 = arith.constant dense<0x7F800000> : vector<512xf32>
    %reduce_min3A_415 = vector.multi_reduction <minimumf>, %select_n3A_413, %reduce_min3A_414 [1] : vector<512x256xf32> to vector<512xf32>
    %broadcast_in_dim3A_416 = vector.shape_cast %reduce_min3A_415 : vector<512xf32> to vector<512x1xf32>
    %eq3A_417 = vector.broadcast %broadcast_in_dim3A_416 : vector<512x1xf32> to vector<512x256xf32>
    %eq3A_418 = arith.cmpf oeq, %select_n3A_395, %eq3A_417 : vector<512x256xf32>
    %select_n3A_419 = arith.select %eq3A_418, %select_n3A_396, %select_n3A_394 : vector<512x256xi1>, vector<512x256xf32>
    %select_n3A_420 = arith.select %eq3A_418, %select_n3A_397, %select_n3A_395 : vector<512x256xi1>, vector<512x256xf32>
    %select_n3A_421 = arith.select %eq3A_418, %select_n3A_398, %select_n3A_396 : vector<512x256xi1>, vector<512x256xf32>
    %select_n3A_422 = arith.select %eq3A_418, %select_n3A_399, %select_n3A_397 : vector<512x256xi1>, vector<512x256xf32>
    %select_n3A_423 = arith.select %eq3A_418, %select_n3A_402, %select_n3A_398 : vector<512x256xi1>, vector<512x256xf32>
    %select_n3A_424 = arith.select %eq3A_418, %select_n3A_405, %select_n3A_399 : vector<512x256xi1>, vector<512x256xf32>
    %jit3A_425 = arith.constant 3.000000e+09 : f32
    %broadcast_in_dim3A_426 = vector.broadcast %jit3A_425 : f32 to vector<512x256xf32>
    %select_n3A_427 = arith.select %eq3A_418, %broadcast_in_dim3A_426, %select_n3A_402 : vector<512x256xi1>, vector<512x256xf32>
    %jit3A_428 = arith.constant 1.000000e+09 : f32
    %broadcast_in_dim3A_429 = vector.broadcast %jit3A_428 : f32 to vector<512x256xf32>
    %select_n3A_430 = arith.select %eq3A_418, %broadcast_in_dim3A_429, %select_n3A_405 : vector<512x256xi1>, vector<512x256xf32>
    %reduce_min3A_431 = arith.constant dense<0x7F800000> : vector<512xf32>
    %reduce_min3A_432 = vector.multi_reduction <minimumf>, %select_n3A_419, %reduce_min3A_431 [1] : vector<512x256xf32> to vector<512xf32>
    %broadcast_in_dim3A_433 = vector.shape_cast %reduce_min3A_432 : vector<512xf32> to vector<512x1xf32>
    %le3A_434 = vector.broadcast %broadcast_in_dim3A_433 : vector<512x1xf32> to vector<512x256xf32>
    %le3A_435 = arith.cmpf ole, %select_n3A_419, %le3A_434 : vector<512x256xf32>
    %jit3A_436 = arith.constant 1.000000e+09 : f32
    %broadcast_in_dim3A_437 = vector.broadcast %jit3A_436 : f32 to vector<512x256xf32>
    %select_n3A_438 = arith.select %le3A_435, %select_n3A_420, %broadcast_in_dim3A_437 : vector<512x256xi1>, vector<512x256xf32>
    %reduce_min3A_439 = arith.constant dense<0x7F800000> : vector<512xf32>
    %reduce_min3A_440 = vector.multi_reduction <minimumf>, %select_n3A_438, %reduce_min3A_439 [1] : vector<512x256xf32> to vector<512xf32>
    %broadcast_in_dim3A_441 = vector.shape_cast %reduce_min3A_440 : vector<512xf32> to vector<512x1xf32>
    %eq3A_442 = vector.broadcast %broadcast_in_dim3A_441 : vector<512x1xf32> to vector<512x256xf32>
    %eq3A_443 = arith.cmpf oeq, %select_n3A_420, %eq3A_442 : vector<512x256xf32>
    %select_n3A_444 = arith.select %eq3A_443, %select_n3A_421, %select_n3A_419 : vector<512x256xi1>, vector<512x256xf32>
    %select_n3A_445 = arith.select %eq3A_443, %select_n3A_422, %select_n3A_420 : vector<512x256xi1>, vector<512x256xf32>
    %select_n3A_446 = arith.select %eq3A_443, %select_n3A_423, %select_n3A_421 : vector<512x256xi1>, vector<512x256xf32>
    %select_n3A_447 = arith.select %eq3A_443, %select_n3A_424, %select_n3A_422 : vector<512x256xi1>, vector<512x256xf32>
    %select_n3A_448 = arith.select %eq3A_443, %select_n3A_427, %select_n3A_423 : vector<512x256xi1>, vector<512x256xf32>
    %select_n3A_449 = arith.select %eq3A_443, %select_n3A_430, %select_n3A_424 : vector<512x256xi1>, vector<512x256xf32>
    %reduce_min3A_450 = arith.constant dense<0x7F800000> : vector<512xf32>
    %reduce_min3A_451 = vector.multi_reduction <minimumf>, %select_n3A_444, %reduce_min3A_450 [1] : vector<512x256xf32> to vector<512xf32>
    %broadcast_in_dim3A_452 = vector.shape_cast %reduce_min3A_451 : vector<512xf32> to vector<512x1xf32>
    %le3A_453 = vector.broadcast %broadcast_in_dim3A_452 : vector<512x1xf32> to vector<512x256xf32>
    %le3A_454 = arith.cmpf ole, %select_n3A_444, %le3A_453 : vector<512x256xf32>
    %jit3A_455 = arith.constant 1.000000e+09 : f32
    %broadcast_in_dim3A_456 = vector.broadcast %jit3A_455 : f32 to vector<512x256xf32>
    %select_n3A_457 = arith.select %le3A_454, %select_n3A_445, %broadcast_in_dim3A_456 : vector<512x256xi1>, vector<512x256xf32>
    %reduce_min3A_458 = arith.constant dense<0x7F800000> : vector<512xf32>
    %reduce_min3A_459 = vector.multi_reduction <minimumf>, %select_n3A_457, %reduce_min3A_458 [1] : vector<512x256xf32> to vector<512xf32>
    %broadcast_in_dim3A_460 = vector.shape_cast %reduce_min3A_459 : vector<512xf32> to vector<512x1xf32>
    %eq3A_461 = vector.broadcast %broadcast_in_dim3A_460 : vector<512x1xf32> to vector<512x256xf32>
    %eq3A_462 = arith.cmpf oeq, %select_n3A_445, %eq3A_461 : vector<512x256xf32>
    %select_n3A_463 = arith.select %eq3A_462, %select_n3A_446, %select_n3A_444 : vector<512x256xi1>, vector<512x256xf32>
    %select_n3A_464 = arith.select %eq3A_462, %select_n3A_447, %select_n3A_445 : vector<512x256xi1>, vector<512x256xf32>
    %select_n3A_465 = arith.select %eq3A_462, %select_n3A_448, %select_n3A_446 : vector<512x256xi1>, vector<512x256xf32>
    %select_n3A_466 = arith.select %eq3A_462, %select_n3A_449, %select_n3A_447 : vector<512x256xi1>, vector<512x256xf32>
    %reduce_min3A_467 = arith.constant dense<0x7F800000> : vector<512xf32>
    %reduce_min3A_468 = vector.multi_reduction <minimumf>, %select_n3A_463, %reduce_min3A_467 [1] : vector<512x256xf32> to vector<512xf32>
    %broadcast_in_dim3A_469 = vector.shape_cast %reduce_min3A_468 : vector<512xf32> to vector<512x1xf32>
    %le3A_470 = vector.broadcast %broadcast_in_dim3A_469 : vector<512x1xf32> to vector<512x256xf32>
    %le3A_471 = arith.cmpf ole, %select_n3A_463, %le3A_470 : vector<512x256xf32>
    %jit3A_472 = arith.constant 1.000000e+09 : f32
    %broadcast_in_dim3A_473 = vector.broadcast %jit3A_472 : f32 to vector<512x256xf32>
    %select_n3A_474 = arith.select %le3A_471, %select_n3A_464, %broadcast_in_dim3A_473 : vector<512x256xi1>, vector<512x256xf32>
    %reduce_min3A_475 = arith.constant dense<0x7F800000> : vector<512xf32>
    %reduce_min3A_476 = vector.multi_reduction <minimumf>, %select_n3A_474, %reduce_min3A_475 [1] : vector<512x256xf32> to vector<512xf32>
    %broadcast_in_dim3A_477 = vector.shape_cast %reduce_min3A_476 : vector<512xf32> to vector<512x1xf32>
    %eq3A_478 = vector.broadcast %broadcast_in_dim3A_477 : vector<512x1xf32> to vector<512x256xf32>
    %eq3A_479 = arith.cmpf oeq, %select_n3A_464, %eq3A_478 : vector<512x256xf32>
    %select_n3A_480 = arith.select %eq3A_479, %select_n3A_465, %select_n3A_463 : vector<512x256xi1>, vector<512x256xf32>
    %select_n3A_481 = arith.select %eq3A_479, %select_n3A_466, %select_n3A_464 : vector<512x256xi1>, vector<512x256xf32>
    %reduce_min3A_482 = arith.constant dense<0x7F800000> : vector<512xf32>
    %reduce_min3A_483 = vector.multi_reduction <minimumf>, %select_n3A_480, %reduce_min3A_482 [1] : vector<512x256xf32> to vector<512xf32>
    %broadcast_in_dim3A_484 = vector.shape_cast %reduce_min3A_483 : vector<512xf32> to vector<512x1xf32>
    %le3A_485 = vector.broadcast %broadcast_in_dim3A_484 : vector<512x1xf32> to vector<512x256xf32>
    %le3A_486 = arith.cmpf ole, %select_n3A_480, %le3A_485 : vector<512x256xf32>
    %jit3A_487 = arith.constant 1.000000e+09 : f32
    %broadcast_in_dim3A_488 = vector.broadcast %jit3A_487 : f32 to vector<512x256xf32>
    %select_n3A_489 = arith.select %le3A_486, %select_n3A_481, %broadcast_in_dim3A_488 : vector<512x256xi1>, vector<512x256xf32>
    %reduce_min3A_490 = arith.constant dense<0x7F800000> : vector<512xf32>
    %reduce_min3A_491 = vector.multi_reduction <minimumf>, %select_n3A_489, %reduce_min3A_490 [1] : vector<512x256xf32> to vector<512xf32>
    %broadcast_in_dim3A_492 = vector.shape_cast %reduce_min3A_491 : vector<512xf32> to vector<512x1xf32>
    %concatenate3A = tpu.concatenate %broadcast_in_dim3A_141, %broadcast_in_dim3A_166, %broadcast_in_dim3A_191, %broadcast_in_dim3A_216, %broadcast_in_dim3A_241, %broadcast_in_dim3A_266, %broadcast_in_dim3A_291, %broadcast_in_dim3A_316, %broadcast_in_dim3A_341, %broadcast_in_dim3A_366, %broadcast_in_dim3A_391, %broadcast_in_dim3A_416, %broadcast_in_dim3A_441, %broadcast_in_dim3A_460, %broadcast_in_dim3A_477, %broadcast_in_dim3A_492 in 1 : vector<512x1xf32>, vector<512x1xf32>, vector<512x1xf32>, vector<512x1xf32>, vector<512x1xf32>, vector<512x1xf32>, vector<512x1xf32>, vector<512x1xf32>, vector<512x1xf32>, vector<512x1xf32>, vector<512x1xf32>, vector<512x1xf32>, vector<512x1xf32>, vector<512x1xf32>, vector<512x1xf32>, vector<512x1xf32> -> vector<512x16xf32>
    %convert_element_type3A_493 = arith.fptosi %concatenate3A : vector<512x16xf32> to vector<512x16xi32>
    %mul3A_494 = arith.constant 1024 : i32
    %mul3A_495 = arith.muli %arg0, %mul3A_494 : i32
    %add3A_496 = vector.broadcast %mul3A_495 : i32 to vector<512x16xi32>
    %add3A_497 = arith.addi %convert_element_type3A_493, %add3A_496 : vector<512x16xi32>
    %swap3A = arith.constant 0 : index
    %swap3A_498 = arith.constant 0 : index
    %swap3A_499 = arith.constant 0 : index
    %swap3A_500 = vector.load %arg8[%swap3A, %swap3A_498, %swap3A_499] : memref<1x512x16xi32, #tpu.memory_space<vmem>>, vector<1x512x16xi32>
    %swap3A_501 = vector.shape_cast %swap3A_500 : vector<1x512x16xi32> to vector<512x16xi32>
    %swap3A_502 = vector.shape_cast %add3A_497 : vector<512x16xi32> to vector<1x512x16xi32>
    tpu.vector_store %arg8[%swap3A, %swap3A_498, %swap3A_499], %swap3A_502 {strides = array<i32>} : memref<1x512x16xi32, #tpu.memory_space<vmem>>, vector<1x512x16xi32>,
    return
  }
  func.func @transform_0(%arg0: i32, %arg1: i32) -> (i32, i32, i32) {
    %c0_i32 = arith.constant 0 : i32
    %c0_i32_0 = arith.constant 0 : i32
    return %arg0, %arg1, %c0_i32 : i32, i32, i32
  }
  func.func @transform_1(%arg0: i32, %arg1: i32) -> (i32, i32, i32) {
    %c0_i32 = arith.constant 0 : i32
    %c0_i32_0 = arith.constant 0 : i32
    %c0_i32_1 = arith.constant 0 : i32
    return %arg0, %c0_i32, %c0_i32_0 : i32, i32, i32
  }
  func.func @transform_2(%arg0: i32, %arg1: i32) -> (i32, i32, i32) {
    %c0_i32 = arith.constant 0 : i32
    %c0_i32_0 = arith.constant 0 : i32
    %c0_i32_1 = arith.constant 0 : i32
    return %arg0, %c0_i32, %c0_i32_0 : i32, i32, i32
  }
  func.func @transform_3(%arg0: i32, %arg1: i32) -> (i32, i32, i32) {
    %c0_i32 = arith.constant 0 : i32
    %c0_i32_0 = arith.constant 0 : i32
    %c0_i32_1 = arith.constant 0 : i32
    return %arg0, %c0_i32, %c0_i32_0 : i32, i32, i32
  }
  func.func @transform_4(%arg0: i32, %arg1: i32) -> (i32, i32) {
    %c0_i32 = arith.constant 0 : i32
    %c0_i32_0 = arith.constant 0 : i32
    %c0_i32_1 = arith.constant 0 : i32
    return %c0_i32, %c0_i32_0 : i32, i32
  }
  func.func @transform_5(%arg0: i32, %arg1: i32) -> (i32, i32) {
    %c0_i32 = arith.constant 0 : i32
    %c0_i32_0 = arith.constant 0 : i32
    %c0_i32_1 = arith.constant 0 : i32
    return %c0_i32, %c0_i32_0 : i32, i32
  }
  func.func @transform_6(%arg0: i32, %arg1: i32) -> (i32, i32, i32) {
    %c0_i32 = arith.constant 0 : i32
    %c0_i32_0 = arith.constant 0 : i32
    return %arg0, %arg1, %c0_i32 : i32, i32, i32
  }
  func.func @transform_7(%arg0: i32, %arg1: i32) -> (i32, i32, i32) {
    %c0_i32 = arith.constant 0 : i32
    %c0_i32_0 = arith.constant 0 : i32
    %c0_i32_1 = arith.constant 0 : i32
    return %arg0, %c0_i32, %c0_i32_0 : i32, i32, i32
  }
}

module attributes {stable_mosaic.version = 14 : i64} {
  func.func @_dense_kernel(%arg0: i32, %arg1: i32, %arg2: memref<1x512x3xf32, #tpu.memory_space<vmem>>, %arg3: memref<1x16x512x128xf32, #tpu.memory_space<vmem>>, %arg4: memref<3x32xf32, #tpu.memory_space<vmem>>, %arg5: memref<1x32xf32, #tpu.memory_space<vmem>>, %arg6: memref<512x256xf32, #tpu.memory_space<vmem>>, %arg7: memref<1x256xf32, #tpu.memory_space<vmem>>, %arg8: memref<1024x128xf32, #tpu.memory_space<vmem>>, %arg9: memref<1x128xf32, #tpu.memory_space<vmem>>, %arg10: memref<1x512x128xf32, #tpu.memory_space<vmem>>) attributes {dimension_semantics = [#tpu.dimension_semantics<arbitrary>, #tpu.dimension_semantics<arbitrary>], iteration_bounds = array<i64: 4, 2>, scalar_prefetch = 0 : i64, scratch_operands = 0 : i64, tpu.core_type = #tpu.core_type<tc>, window_params = [{transform_indices = @transform_0, window_bounds = array<i64: 1, 512, 3>}, {transform_indices = @transform_1, window_bounds = array<i64: 1, 16, 512, 128>}, {pipeline_mode = #tpu.pipeline_mode<synchronous>, transform_indices = @transform_2, window_bounds = array<i64: 3, 32>}, {pipeline_mode = #tpu.pipeline_mode<synchronous>, transform_indices = @transform_3, window_bounds = array<i64: 1, 32>}, {pipeline_mode = #tpu.pipeline_mode<synchronous>, transform_indices = @transform_4, window_bounds = array<i64: 512, 256>}, {pipeline_mode = #tpu.pipeline_mode<synchronous>, transform_indices = @transform_5, window_bounds = array<i64: 1, 256>}, {pipeline_mode = #tpu.pipeline_mode<synchronous>, transform_indices = @transform_6, window_bounds = array<i64: 1024, 128>}, {pipeline_mode = #tpu.pipeline_mode<synchronous>, transform_indices = @transform_7, window_bounds = array<i64: 1, 128>}, {transform_indices = @transform_8, window_bounds = array<i64: 1, 512, 128>}]} {
    %get3A = arith.constant 0 : index
    %get3A_0 = arith.constant 0 : index
    %get3A_1 = arith.constant 0 : index
    %get3A_2 = vector.load %arg2[%get3A, %get3A_0, %get3A_1] : memref<1x512x3xf32, #tpu.memory_space<vmem>>, vector<1x512x3xf32>
    %get3A_3 = vector.shape_cast %get3A_2 : vector<1x512x3xf32> to vector<512x3xf32>
    %get3A_4 = arith.constant 0 : index
    %get3A_5 = arith.constant 0 : index
    %get3A_6 = arith.constant 0 : index
    %get3A_7 = arith.constant 0 : index
    %get3A_8 = vector.load %arg3[%get3A_4, %get3A_5, %get3A_6, %get3A_7] : memref<1x16x512x128xf32, #tpu.memory_space<vmem>>, vector<1x16x512x128xf32>
    %get3A_9 = vector.shape_cast %get3A_8 : vector<1x16x512x128xf32> to vector<16x512x128xf32>
    %ne3A = arith.constant 0.000000e+00 : f32
    %ne3A_10 = vector.broadcast %ne3A : f32 to vector<512x3xf32>
    %ne3A_11 = arith.cmpf one, %get3A_3, %ne3A_10 : vector<512x3xf32>
    %reduce_or3A = arith.constant 1.000000e+00 : f32
    %reduce_or3A_12 = arith.constant 0.000000e+00 : f32
    %reduce_or3A_13 = vector.broadcast %reduce_or3A : f32 to vector<512x3xf32>
    %reduce_or3A_14 = vector.broadcast %reduce_or3A_12 : f32 to vector<512x3xf32>
    %reduce_or3A_15 = arith.select %ne3A_11, %reduce_or3A_13, %reduce_or3A_14 : vector<512x3xi1>, vector<512x3xf32>
    %reduce_or3A_16 = arith.constant dense<0xFF800000> : vector<512xf32>
    %reduce_or3A_17 = vector.multi_reduction <maximumf>, %reduce_or3A_15, %reduce_or3A_16 [1] : vector<512x3xf32> to vector<512xf32>
    %reduce_or3A_18 = arith.constant 0.000000e+00 : f32
    %reduce_or3A_19 = vector.broadcast %reduce_or3A_18 : f32 to vector<512xf32>
    %reduce_or3A_20 = arith.cmpf ogt, %reduce_or3A_17, %reduce_or3A_19 : vector<512xf32>
    %broadcast_in_dim3A = vector.shape_cast %reduce_or3A_20 : vector<512xi1> to vector<512x1xi1>
    %slice3A = vector.extract_strided_slice %get3A_9 {offsets = [0, 0, 0], sizes = [1, 512, 128], strides = [1, 1, 1]} : vector<16x512x128xf32> to vector<1x512x128xf32>
    %squeeze3A = vector.shape_cast %slice3A : vector<1x512x128xf32> to vector<512x128xf32>
    %slice3A_21 = vector.extract_strided_slice %squeeze3A {offsets = [0, 3], sizes = [512, 1], strides = [1, 1]} : vector<512x128xf32> to vector<512x1xf32>
    %gt3A = arith.constant 5.000000e-01 : f32
    %gt3A_22 = vector.broadcast %gt3A : f32 to vector<512x1xf32>
    %gt3A_23 = arith.cmpf ogt, %slice3A_21, %gt3A_22 : vector<512x1xf32>
    %slice3A_24 = vector.extract_strided_slice %squeeze3A {offsets = [0, 0], sizes = [512, 3], strides = [1, 1]} : vector<512x128xf32> to vector<512x3xf32>
    %sub3A = arith.subf %slice3A_24, %get3A_3 : vector<512x3xf32>
    %jit3A = arith.constant 0.000000e+00 : f32
    %broadcast_in_dim3A_25 = vector.shape_cast %gt3A_23 : vector<512x1xi1> to vector<512x1xi1>
    %broadcast_in_dim3A_26 = vector.broadcast %broadcast_in_dim3A_25 : vector<512x1xi1> to vector<512x3xi1>
    %broadcast_in_dim3A_27 = vector.broadcast %jit3A : f32 to vector<512x3xf32>
    %select_n3A = arith.select %broadcast_in_dim3A_26, %sub3A, %broadcast_in_dim3A_27 : vector<512x3xi1>, vector<512x3xf32>
    %get3A_28 = arith.constant 0 : index
    %get3A_29 = arith.constant 0 : index
    %get3A_30 = vector.load %arg4[%get3A_28, %get3A_29] : memref<3x32xf32, #tpu.memory_space<vmem>>, vector<3x32xf32>
    %dot_general3A = arith.constant dense<0.000000e+00> : vector<512x32xf32>
    %dot_general3A_31 = tpu.matmul %select_n3A, %get3A_30, %dot_general3A {dimension_numbers = #tpu.dot_dimension_numbers<[1], [0], [0], [1], [0, 0, 1, 1], [], []>, transpose_lhs_hint = false} : vector<512x3xf32>, vector<3x32xf32>, vector<512x32xf32> -> vector<512x32xf32>
    %get3A_32 = arith.constant 0 : index
    %get3A_33 = arith.constant 0 : index
    %get3A_34 = vector.load %arg5[%get3A_32, %get3A_33] : memref<1x32xf32, #tpu.memory_space<vmem>>, vector<1x32xf32>
    %add3A = vector.broadcast %get3A_34 : vector<1x32xf32> to vector<512x32xf32>
    %add3A_35 = arith.addf %dot_general3A_31, %add3A : vector<512x32xf32>
    %max3A = arith.constant 0.000000e+00 : f32
    %max3A_36 = vector.broadcast %max3A : f32 to vector<512x32xf32>
    %max3A_37 = arith.maximumf %add3A_35, %max3A_36 : vector<512x32xf32>
    %slice3A_38 = vector.extract_strided_slice %squeeze3A {offsets = [0, 4], sizes = [512, 64], strides = [1, 1]} : vector<512x128xf32> to vector<512x64xf32>
    %slice3A_39 = vector.extract_strided_slice %get3A_9 {offsets = [1, 0, 0], sizes = [1, 512, 128], strides = [1, 1, 1]} : vector<16x512x128xf32> to vector<1x512x128xf32>
    %squeeze3A_40 = vector.shape_cast %slice3A_39 : vector<1x512x128xf32> to vector<512x128xf32>
    %slice3A_41 = vector.extract_strided_slice %squeeze3A_40 {offsets = [0, 3], sizes = [512, 1], strides = [1, 1]} : vector<512x128xf32> to vector<512x1xf32>
    %gt3A_42 = arith.constant 5.000000e-01 : f32
    %gt3A_43 = vector.broadcast %gt3A_42 : f32 to vector<512x1xf32>
    %gt3A_44 = arith.cmpf ogt, %slice3A_41, %gt3A_43 : vector<512x1xf32>
    %slice3A_45 = vector.extract_strided_slice %squeeze3A_40 {offsets = [0, 0], sizes = [512, 3], strides = [1, 1]} : vector<512x128xf32> to vector<512x3xf32>
    %sub3A_46 = arith.subf %slice3A_45, %get3A_3 : vector<512x3xf32>
    %jit3A_47 = arith.constant 0.000000e+00 : f32
    %broadcast_in_dim3A_48 = vector.shape_cast %gt3A_44 : vector<512x1xi1> to vector<512x1xi1>
    %broadcast_in_dim3A_49 = vector.broadcast %broadcast_in_dim3A_48 : vector<512x1xi1> to vector<512x3xi1>
    %broadcast_in_dim3A_50 = vector.broadcast %jit3A_47 : f32 to vector<512x3xf32>
    %select_n3A_51 = arith.select %broadcast_in_dim3A_49, %sub3A_46, %broadcast_in_dim3A_50 : vector<512x3xi1>, vector<512x3xf32>
    %get3A_52 = arith.constant 0 : index
    %get3A_53 = arith.constant 0 : index
    %get3A_54 = vector.load %arg4[%get3A_52, %get3A_53] : memref<3x32xf32, #tpu.memory_space<vmem>>, vector<3x32xf32>
    %dot_general3A_55 = arith.constant dense<0.000000e+00> : vector<512x32xf32>
    %dot_general3A_56 = tpu.matmul %select_n3A_51, %get3A_54, %dot_general3A_55 {dimension_numbers = #tpu.dot_dimension_numbers<[1], [0], [0], [1], [0, 0, 1, 1], [], []>, transpose_lhs_hint = false} : vector<512x3xf32>, vector<3x32xf32>, vector<512x32xf32> -> vector<512x32xf32>
    %get3A_57 = arith.constant 0 : index
    %get3A_58 = arith.constant 0 : index
    %get3A_59 = vector.load %arg5[%get3A_57, %get3A_58] : memref<1x32xf32, #tpu.memory_space<vmem>>, vector<1x32xf32>
    %add3A_60 = vector.broadcast %get3A_59 : vector<1x32xf32> to vector<512x32xf32>
    %add3A_61 = arith.addf %dot_general3A_56, %add3A_60 : vector<512x32xf32>
    %max3A_62 = arith.constant 0.000000e+00 : f32
    %max3A_63 = vector.broadcast %max3A_62 : f32 to vector<512x32xf32>
    %max3A_64 = arith.maximumf %add3A_61, %max3A_63 : vector<512x32xf32>
    %slice3A_65 = vector.extract_strided_slice %squeeze3A_40 {offsets = [0, 4], sizes = [512, 64], strides = [1, 1]} : vector<512x128xf32> to vector<512x64xf32>
    %slice3A_66 = vector.extract_strided_slice %get3A_9 {offsets = [2, 0, 0], sizes = [1, 512, 128], strides = [1, 1, 1]} : vector<16x512x128xf32> to vector<1x512x128xf32>
    %squeeze3A_67 = vector.shape_cast %slice3A_66 : vector<1x512x128xf32> to vector<512x128xf32>
    %slice3A_68 = vector.extract_strided_slice %squeeze3A_67 {offsets = [0, 3], sizes = [512, 1], strides = [1, 1]} : vector<512x128xf32> to vector<512x1xf32>
    %gt3A_69 = arith.constant 5.000000e-01 : f32
    %gt3A_70 = vector.broadcast %gt3A_69 : f32 to vector<512x1xf32>
    %gt3A_71 = arith.cmpf ogt, %slice3A_68, %gt3A_70 : vector<512x1xf32>
    %slice3A_72 = vector.extract_strided_slice %squeeze3A_67 {offsets = [0, 0], sizes = [512, 3], strides = [1, 1]} : vector<512x128xf32> to vector<512x3xf32>
    %sub3A_73 = arith.subf %slice3A_72, %get3A_3 : vector<512x3xf32>
    %jit3A_74 = arith.constant 0.000000e+00 : f32
    %broadcast_in_dim3A_75 = vector.shape_cast %gt3A_71 : vector<512x1xi1> to vector<512x1xi1>
    %broadcast_in_dim3A_76 = vector.broadcast %broadcast_in_dim3A_75 : vector<512x1xi1> to vector<512x3xi1>
    %broadcast_in_dim3A_77 = vector.broadcast %jit3A_74 : f32 to vector<512x3xf32>
    %select_n3A_78 = arith.select %broadcast_in_dim3A_76, %sub3A_73, %broadcast_in_dim3A_77 : vector<512x3xi1>, vector<512x3xf32>
    %get3A_79 = arith.constant 0 : index
    %get3A_80 = arith.constant 0 : index
    %get3A_81 = vector.load %arg4[%get3A_79, %get3A_80] : memref<3x32xf32, #tpu.memory_space<vmem>>, vector<3x32xf32>
    %dot_general3A_82 = arith.constant dense<0.000000e+00> : vector<512x32xf32>
    %dot_general3A_83 = tpu.matmul %select_n3A_78, %get3A_81, %dot_general3A_82 {dimension_numbers = #tpu.dot_dimension_numbers<[1], [0], [0], [1], [0, 0, 1, 1], [], []>, transpose_lhs_hint = false} : vector<512x3xf32>, vector<3x32xf32>, vector<512x32xf32> -> vector<512x32xf32>
    %get3A_84 = arith.constant 0 : index
    %get3A_85 = arith.constant 0 : index
    %get3A_86 = vector.load %arg5[%get3A_84, %get3A_85] : memref<1x32xf32, #tpu.memory_space<vmem>>, vector<1x32xf32>
    %add3A_87 = vector.broadcast %get3A_86 : vector<1x32xf32> to vector<512x32xf32>
    %add3A_88 = arith.addf %dot_general3A_83, %add3A_87 : vector<512x32xf32>
    %max3A_89 = arith.constant 0.000000e+00 : f32
    %max3A_90 = vector.broadcast %max3A_89 : f32 to vector<512x32xf32>
    %max3A_91 = arith.maximumf %add3A_88, %max3A_90 : vector<512x32xf32>
    %slice3A_92 = vector.extract_strided_slice %squeeze3A_67 {offsets = [0, 4], sizes = [512, 64], strides = [1, 1]} : vector<512x128xf32> to vector<512x64xf32>
    %slice3A_93 = vector.extract_strided_slice %get3A_9 {offsets = [3, 0, 0], sizes = [1, 512, 128], strides = [1, 1, 1]} : vector<16x512x128xf32> to vector<1x512x128xf32>
    %squeeze3A_94 = vector.shape_cast %slice3A_93 : vector<1x512x128xf32> to vector<512x128xf32>
    %slice3A_95 = vector.extract_strided_slice %squeeze3A_94 {offsets = [0, 3], sizes = [512, 1], strides = [1, 1]} : vector<512x128xf32> to vector<512x1xf32>
    %gt3A_96 = arith.constant 5.000000e-01 : f32
    %gt3A_97 = vector.broadcast %gt3A_96 : f32 to vector<512x1xf32>
    %gt3A_98 = arith.cmpf ogt, %slice3A_95, %gt3A_97 : vector<512x1xf32>
    %slice3A_99 = vector.extract_strided_slice %squeeze3A_94 {offsets = [0, 0], sizes = [512, 3], strides = [1, 1]} : vector<512x128xf32> to vector<512x3xf32>
    %sub3A_100 = arith.subf %slice3A_99, %get3A_3 : vector<512x3xf32>
    %jit3A_101 = arith.constant 0.000000e+00 : f32
    %broadcast_in_dim3A_102 = vector.shape_cast %gt3A_98 : vector<512x1xi1> to vector<512x1xi1>
    %broadcast_in_dim3A_103 = vector.broadcast %broadcast_in_dim3A_102 : vector<512x1xi1> to vector<512x3xi1>
    %broadcast_in_dim3A_104 = vector.broadcast %jit3A_101 : f32 to vector<512x3xf32>
    %select_n3A_105 = arith.select %broadcast_in_dim3A_103, %sub3A_100, %broadcast_in_dim3A_104 : vector<512x3xi1>, vector<512x3xf32>
    %get3A_106 = arith.constant 0 : index
    %get3A_107 = arith.constant 0 : index
    %get3A_108 = vector.load %arg4[%get3A_106, %get3A_107] : memref<3x32xf32, #tpu.memory_space<vmem>>, vector<3x32xf32>
    %dot_general3A_109 = arith.constant dense<0.000000e+00> : vector<512x32xf32>
    %dot_general3A_110 = tpu.matmul %select_n3A_105, %get3A_108, %dot_general3A_109 {dimension_numbers = #tpu.dot_dimension_numbers<[1], [0], [0], [1], [0, 0, 1, 1], [], []>, transpose_lhs_hint = false} : vector<512x3xf32>, vector<3x32xf32>, vector<512x32xf32> -> vector<512x32xf32>
    %get3A_111 = arith.constant 0 : index
    %get3A_112 = arith.constant 0 : index
    %get3A_113 = vector.load %arg5[%get3A_111, %get3A_112] : memref<1x32xf32, #tpu.memory_space<vmem>>, vector<1x32xf32>
    %add3A_114 = vector.broadcast %get3A_113 : vector<1x32xf32> to vector<512x32xf32>
    %add3A_115 = arith.addf %dot_general3A_110, %add3A_114 : vector<512x32xf32>
    %max3A_116 = arith.constant 0.000000e+00 : f32
    %max3A_117 = vector.broadcast %max3A_116 : f32 to vector<512x32xf32>
    %max3A_118 = arith.maximumf %add3A_115, %max3A_117 : vector<512x32xf32>
    %slice3A_119 = vector.extract_strided_slice %squeeze3A_94 {offsets = [0, 4], sizes = [512, 64], strides = [1, 1]} : vector<512x128xf32> to vector<512x64xf32>
    %slice3A_120 = vector.extract_strided_slice %get3A_9 {offsets = [4, 0, 0], sizes = [1, 512, 128], strides = [1, 1, 1]} : vector<16x512x128xf32> to vector<1x512x128xf32>
    %squeeze3A_121 = vector.shape_cast %slice3A_120 : vector<1x512x128xf32> to vector<512x128xf32>
    %slice3A_122 = vector.extract_strided_slice %squeeze3A_121 {offsets = [0, 3], sizes = [512, 1], strides = [1, 1]} : vector<512x128xf32> to vector<512x1xf32>
    %gt3A_123 = arith.constant 5.000000e-01 : f32
    %gt3A_124 = vector.broadcast %gt3A_123 : f32 to vector<512x1xf32>
    %gt3A_125 = arith.cmpf ogt, %slice3A_122, %gt3A_124 : vector<512x1xf32>
    %slice3A_126 = vector.extract_strided_slice %squeeze3A_121 {offsets = [0, 0], sizes = [512, 3], strides = [1, 1]} : vector<512x128xf32> to vector<512x3xf32>
    %sub3A_127 = arith.subf %slice3A_126, %get3A_3 : vector<512x3xf32>
    %jit3A_128 = arith.constant 0.000000e+00 : f32
    %broadcast_in_dim3A_129 = vector.shape_cast %gt3A_125 : vector<512x1xi1> to vector<512x1xi1>
    %broadcast_in_dim3A_130 = vector.broadcast %broadcast_in_dim3A_129 : vector<512x1xi1> to vector<512x3xi1>
    %broadcast_in_dim3A_131 = vector.broadcast %jit3A_128 : f32 to vector<512x3xf32>
    %select_n3A_132 = arith.select %broadcast_in_dim3A_130, %sub3A_127, %broadcast_in_dim3A_131 : vector<512x3xi1>, vector<512x3xf32>
    %get3A_133 = arith.constant 0 : index
    %get3A_134 = arith.constant 0 : index
    %get3A_135 = vector.load %arg4[%get3A_133, %get3A_134] : memref<3x32xf32, #tpu.memory_space<vmem>>, vector<3x32xf32>
    %dot_general3A_136 = arith.constant dense<0.000000e+00> : vector<512x32xf32>
    %dot_general3A_137 = tpu.matmul %select_n3A_132, %get3A_135, %dot_general3A_136 {dimension_numbers = #tpu.dot_dimension_numbers<[1], [0], [0], [1], [0, 0, 1, 1], [], []>, transpose_lhs_hint = false} : vector<512x3xf32>, vector<3x32xf32>, vector<512x32xf32> -> vector<512x32xf32>
    %get3A_138 = arith.constant 0 : index
    %get3A_139 = arith.constant 0 : index
    %get3A_140 = vector.load %arg5[%get3A_138, %get3A_139] : memref<1x32xf32, #tpu.memory_space<vmem>>, vector<1x32xf32>
    %add3A_141 = vector.broadcast %get3A_140 : vector<1x32xf32> to vector<512x32xf32>
    %add3A_142 = arith.addf %dot_general3A_137, %add3A_141 : vector<512x32xf32>
    %max3A_143 = arith.constant 0.000000e+00 : f32
    %max3A_144 = vector.broadcast %max3A_143 : f32 to vector<512x32xf32>
    %max3A_145 = arith.maximumf %add3A_142, %max3A_144 : vector<512x32xf32>
    %slice3A_146 = vector.extract_strided_slice %squeeze3A_121 {offsets = [0, 4], sizes = [512, 64], strides = [1, 1]} : vector<512x128xf32> to vector<512x64xf32>
    %slice3A_147 = vector.extract_strided_slice %get3A_9 {offsets = [5, 0, 0], sizes = [1, 512, 128], strides = [1, 1, 1]} : vector<16x512x128xf32> to vector<1x512x128xf32>
    %squeeze3A_148 = vector.shape_cast %slice3A_147 : vector<1x512x128xf32> to vector<512x128xf32>
    %slice3A_149 = vector.extract_strided_slice %squeeze3A_148 {offsets = [0, 3], sizes = [512, 1], strides = [1, 1]} : vector<512x128xf32> to vector<512x1xf32>
    %gt3A_150 = arith.constant 5.000000e-01 : f32
    %gt3A_151 = vector.broadcast %gt3A_150 : f32 to vector<512x1xf32>
    %gt3A_152 = arith.cmpf ogt, %slice3A_149, %gt3A_151 : vector<512x1xf32>
    %slice3A_153 = vector.extract_strided_slice %squeeze3A_148 {offsets = [0, 0], sizes = [512, 3], strides = [1, 1]} : vector<512x128xf32> to vector<512x3xf32>
    %sub3A_154 = arith.subf %slice3A_153, %get3A_3 : vector<512x3xf32>
    %jit3A_155 = arith.constant 0.000000e+00 : f32
    %broadcast_in_dim3A_156 = vector.shape_cast %gt3A_152 : vector<512x1xi1> to vector<512x1xi1>
    %broadcast_in_dim3A_157 = vector.broadcast %broadcast_in_dim3A_156 : vector<512x1xi1> to vector<512x3xi1>
    %broadcast_in_dim3A_158 = vector.broadcast %jit3A_155 : f32 to vector<512x3xf32>
    %select_n3A_159 = arith.select %broadcast_in_dim3A_157, %sub3A_154, %broadcast_in_dim3A_158 : vector<512x3xi1>, vector<512x3xf32>
    %get3A_160 = arith.constant 0 : index
    %get3A_161 = arith.constant 0 : index
    %get3A_162 = vector.load %arg4[%get3A_160, %get3A_161] : memref<3x32xf32, #tpu.memory_space<vmem>>, vector<3x32xf32>
    %dot_general3A_163 = arith.constant dense<0.000000e+00> : vector<512x32xf32>
    %dot_general3A_164 = tpu.matmul %select_n3A_159, %get3A_162, %dot_general3A_163 {dimension_numbers = #tpu.dot_dimension_numbers<[1], [0], [0], [1], [0, 0, 1, 1], [], []>, transpose_lhs_hint = false} : vector<512x3xf32>, vector<3x32xf32>, vector<512x32xf32> -> vector<512x32xf32>
    %get3A_165 = arith.constant 0 : index
    %get3A_166 = arith.constant 0 : index
    %get3A_167 = vector.load %arg5[%get3A_165, %get3A_166] : memref<1x32xf32, #tpu.memory_space<vmem>>, vector<1x32xf32>
    %add3A_168 = vector.broadcast %get3A_167 : vector<1x32xf32> to vector<512x32xf32>
    %add3A_169 = arith.addf %dot_general3A_164, %add3A_168 : vector<512x32xf32>
    %max3A_170 = arith.constant 0.000000e+00 : f32
    %max3A_171 = vector.broadcast %max3A_170 : f32 to vector<512x32xf32>
    %max3A_172 = arith.maximumf %add3A_169, %max3A_171 : vector<512x32xf32>
    %slice3A_173 = vector.extract_strided_slice %squeeze3A_148 {offsets = [0, 4], sizes = [512, 64], strides = [1, 1]} : vector<512x128xf32> to vector<512x64xf32>
    %slice3A_174 = vector.extract_strided_slice %get3A_9 {offsets = [6, 0, 0], sizes = [1, 512, 128], strides = [1, 1, 1]} : vector<16x512x128xf32> to vector<1x512x128xf32>
    %squeeze3A_175 = vector.shape_cast %slice3A_174 : vector<1x512x128xf32> to vector<512x128xf32>
    %slice3A_176 = vector.extract_strided_slice %squeeze3A_175 {offsets = [0, 3], sizes = [512, 1], strides = [1, 1]} : vector<512x128xf32> to vector<512x1xf32>
    %gt3A_177 = arith.constant 5.000000e-01 : f32
    %gt3A_178 = vector.broadcast %gt3A_177 : f32 to vector<512x1xf32>
    %gt3A_179 = arith.cmpf ogt, %slice3A_176, %gt3A_178 : vector<512x1xf32>
    %slice3A_180 = vector.extract_strided_slice %squeeze3A_175 {offsets = [0, 0], sizes = [512, 3], strides = [1, 1]} : vector<512x128xf32> to vector<512x3xf32>
    %sub3A_181 = arith.subf %slice3A_180, %get3A_3 : vector<512x3xf32>
    %jit3A_182 = arith.constant 0.000000e+00 : f32
    %broadcast_in_dim3A_183 = vector.shape_cast %gt3A_179 : vector<512x1xi1> to vector<512x1xi1>
    %broadcast_in_dim3A_184 = vector.broadcast %broadcast_in_dim3A_183 : vector<512x1xi1> to vector<512x3xi1>
    %broadcast_in_dim3A_185 = vector.broadcast %jit3A_182 : f32 to vector<512x3xf32>
    %select_n3A_186 = arith.select %broadcast_in_dim3A_184, %sub3A_181, %broadcast_in_dim3A_185 : vector<512x3xi1>, vector<512x3xf32>
    %get3A_187 = arith.constant 0 : index
    %get3A_188 = arith.constant 0 : index
    %get3A_189 = vector.load %arg4[%get3A_187, %get3A_188] : memref<3x32xf32, #tpu.memory_space<vmem>>, vector<3x32xf32>
    %dot_general3A_190 = arith.constant dense<0.000000e+00> : vector<512x32xf32>
    %dot_general3A_191 = tpu.matmul %select_n3A_186, %get3A_189, %dot_general3A_190 {dimension_numbers = #tpu.dot_dimension_numbers<[1], [0], [0], [1], [0, 0, 1, 1], [], []>, transpose_lhs_hint = false} : vector<512x3xf32>, vector<3x32xf32>, vector<512x32xf32> -> vector<512x32xf32>
    %get3A_192 = arith.constant 0 : index
    %get3A_193 = arith.constant 0 : index
    %get3A_194 = vector.load %arg5[%get3A_192, %get3A_193] : memref<1x32xf32, #tpu.memory_space<vmem>>, vector<1x32xf32>
    %add3A_195 = vector.broadcast %get3A_194 : vector<1x32xf32> to vector<512x32xf32>
    %add3A_196 = arith.addf %dot_general3A_191, %add3A_195 : vector<512x32xf32>
    %max3A_197 = arith.constant 0.000000e+00 : f32
    %max3A_198 = vector.broadcast %max3A_197 : f32 to vector<512x32xf32>
    %max3A_199 = arith.maximumf %add3A_196, %max3A_198 : vector<512x32xf32>
    %slice3A_200 = vector.extract_strided_slice %squeeze3A_175 {offsets = [0, 4], sizes = [512, 64], strides = [1, 1]} : vector<512x128xf32> to vector<512x64xf32>
    %slice3A_201 = vector.extract_strided_slice %get3A_9 {offsets = [7, 0, 0], sizes = [1, 512, 128], strides = [1, 1, 1]} : vector<16x512x128xf32> to vector<1x512x128xf32>
    %squeeze3A_202 = vector.shape_cast %slice3A_201 : vector<1x512x128xf32> to vector<512x128xf32>
    %slice3A_203 = vector.extract_strided_slice %squeeze3A_202 {offsets = [0, 3], sizes = [512, 1], strides = [1, 1]} : vector<512x128xf32> to vector<512x1xf32>
    %gt3A_204 = arith.constant 5.000000e-01 : f32
    %gt3A_205 = vector.broadcast %gt3A_204 : f32 to vector<512x1xf32>
    %gt3A_206 = arith.cmpf ogt, %slice3A_203, %gt3A_205 : vector<512x1xf32>
    %slice3A_207 = vector.extract_strided_slice %squeeze3A_202 {offsets = [0, 0], sizes = [512, 3], strides = [1, 1]} : vector<512x128xf32> to vector<512x3xf32>
    %sub3A_208 = arith.subf %slice3A_207, %get3A_3 : vector<512x3xf32>
    %jit3A_209 = arith.constant 0.000000e+00 : f32
    %broadcast_in_dim3A_210 = vector.shape_cast %gt3A_206 : vector<512x1xi1> to vector<512x1xi1>
    %broadcast_in_dim3A_211 = vector.broadcast %broadcast_in_dim3A_210 : vector<512x1xi1> to vector<512x3xi1>
    %broadcast_in_dim3A_212 = vector.broadcast %jit3A_209 : f32 to vector<512x3xf32>
    %select_n3A_213 = arith.select %broadcast_in_dim3A_211, %sub3A_208, %broadcast_in_dim3A_212 : vector<512x3xi1>, vector<512x3xf32>
    %get3A_214 = arith.constant 0 : index
    %get3A_215 = arith.constant 0 : index
    %get3A_216 = vector.load %arg4[%get3A_214, %get3A_215] : memref<3x32xf32, #tpu.memory_space<vmem>>, vector<3x32xf32>
    %dot_general3A_217 = arith.constant dense<0.000000e+00> : vector<512x32xf32>
    %dot_general3A_218 = tpu.matmul %select_n3A_213, %get3A_216, %dot_general3A_217 {dimension_numbers = #tpu.dot_dimension_numbers<[1], [0], [0], [1], [0, 0, 1, 1], [], []>, transpose_lhs_hint = false} : vector<512x3xf32>, vector<3x32xf32>, vector<512x32xf32> -> vector<512x32xf32>
    %get3A_219 = arith.constant 0 : index
    %get3A_220 = arith.constant 0 : index
    %get3A_221 = vector.load %arg5[%get3A_219, %get3A_220] : memref<1x32xf32, #tpu.memory_space<vmem>>, vector<1x32xf32>
    %add3A_222 = vector.broadcast %get3A_221 : vector<1x32xf32> to vector<512x32xf32>
    %add3A_223 = arith.addf %dot_general3A_218, %add3A_222 : vector<512x32xf32>
    %max3A_224 = arith.constant 0.000000e+00 : f32
    %max3A_225 = vector.broadcast %max3A_224 : f32 to vector<512x32xf32>
    %max3A_226 = arith.maximumf %add3A_223, %max3A_225 : vector<512x32xf32>
    %slice3A_227 = vector.extract_strided_slice %squeeze3A_202 {offsets = [0, 4], sizes = [512, 64], strides = [1, 1]} : vector<512x128xf32> to vector<512x64xf32>
    %slice3A_228 = vector.extract_strided_slice %get3A_9 {offsets = [8, 0, 0], sizes = [1, 512, 128], strides = [1, 1, 1]} : vector<16x512x128xf32> to vector<1x512x128xf32>
    %squeeze3A_229 = vector.shape_cast %slice3A_228 : vector<1x512x128xf32> to vector<512x128xf32>
    %slice3A_230 = vector.extract_strided_slice %squeeze3A_229 {offsets = [0, 3], sizes = [512, 1], strides = [1, 1]} : vector<512x128xf32> to vector<512x1xf32>
    %gt3A_231 = arith.constant 5.000000e-01 : f32
    %gt3A_232 = vector.broadcast %gt3A_231 : f32 to vector<512x1xf32>
    %gt3A_233 = arith.cmpf ogt, %slice3A_230, %gt3A_232 : vector<512x1xf32>
    %slice3A_234 = vector.extract_strided_slice %squeeze3A_229 {offsets = [0, 0], sizes = [512, 3], strides = [1, 1]} : vector<512x128xf32> to vector<512x3xf32>
    %sub3A_235 = arith.subf %slice3A_234, %get3A_3 : vector<512x3xf32>
    %jit3A_236 = arith.constant 0.000000e+00 : f32
    %broadcast_in_dim3A_237 = vector.shape_cast %gt3A_233 : vector<512x1xi1> to vector<512x1xi1>
    %broadcast_in_dim3A_238 = vector.broadcast %broadcast_in_dim3A_237 : vector<512x1xi1> to vector<512x3xi1>
    %broadcast_in_dim3A_239 = vector.broadcast %jit3A_236 : f32 to vector<512x3xf32>
    %select_n3A_240 = arith.select %broadcast_in_dim3A_238, %sub3A_235, %broadcast_in_dim3A_239 : vector<512x3xi1>, vector<512x3xf32>
    %get3A_241 = arith.constant 0 : index
    %get3A_242 = arith.constant 0 : index
    %get3A_243 = vector.load %arg4[%get3A_241, %get3A_242] : memref<3x32xf32, #tpu.memory_space<vmem>>, vector<3x32xf32>
    %dot_general3A_244 = arith.constant dense<0.000000e+00> : vector<512x32xf32>
    %dot_general3A_245 = tpu.matmul %select_n3A_240, %get3A_243, %dot_general3A_244 {dimension_numbers = #tpu.dot_dimension_numbers<[1], [0], [0], [1], [0, 0, 1, 1], [], []>, transpose_lhs_hint = false} : vector<512x3xf32>, vector<3x32xf32>, vector<512x32xf32> -> vector<512x32xf32>
    %get3A_246 = arith.constant 0 : index
    %get3A_247 = arith.constant 0 : index
    %get3A_248 = vector.load %arg5[%get3A_246, %get3A_247] : memref<1x32xf32, #tpu.memory_space<vmem>>, vector<1x32xf32>
    %add3A_249 = vector.broadcast %get3A_248 : vector<1x32xf32> to vector<512x32xf32>
    %add3A_250 = arith.addf %dot_general3A_245, %add3A_249 : vector<512x32xf32>
    %max3A_251 = arith.constant 0.000000e+00 : f32
    %max3A_252 = vector.broadcast %max3A_251 : f32 to vector<512x32xf32>
    %max3A_253 = arith.maximumf %add3A_250, %max3A_252 : vector<512x32xf32>
    %slice3A_254 = vector.extract_strided_slice %squeeze3A_229 {offsets = [0, 4], sizes = [512, 64], strides = [1, 1]} : vector<512x128xf32> to vector<512x64xf32>
    %slice3A_255 = vector.extract_strided_slice %get3A_9 {offsets = [9, 0, 0], sizes = [1, 512, 128], strides = [1, 1, 1]} : vector<16x512x128xf32> to vector<1x512x128xf32>
    %squeeze3A_256 = vector.shape_cast %slice3A_255 : vector<1x512x128xf32> to vector<512x128xf32>
    %slice3A_257 = vector.extract_strided_slice %squeeze3A_256 {offsets = [0, 3], sizes = [512, 1], strides = [1, 1]} : vector<512x128xf32> to vector<512x1xf32>
    %gt3A_258 = arith.constant 5.000000e-01 : f32
    %gt3A_259 = vector.broadcast %gt3A_258 : f32 to vector<512x1xf32>
    %gt3A_260 = arith.cmpf ogt, %slice3A_257, %gt3A_259 : vector<512x1xf32>
    %slice3A_261 = vector.extract_strided_slice %squeeze3A_256 {offsets = [0, 0], sizes = [512, 3], strides = [1, 1]} : vector<512x128xf32> to vector<512x3xf32>
    %sub3A_262 = arith.subf %slice3A_261, %get3A_3 : vector<512x3xf32>
    %jit3A_263 = arith.constant 0.000000e+00 : f32
    %broadcast_in_dim3A_264 = vector.shape_cast %gt3A_260 : vector<512x1xi1> to vector<512x1xi1>
    %broadcast_in_dim3A_265 = vector.broadcast %broadcast_in_dim3A_264 : vector<512x1xi1> to vector<512x3xi1>
    %broadcast_in_dim3A_266 = vector.broadcast %jit3A_263 : f32 to vector<512x3xf32>
    %select_n3A_267 = arith.select %broadcast_in_dim3A_265, %sub3A_262, %broadcast_in_dim3A_266 : vector<512x3xi1>, vector<512x3xf32>
    %get3A_268 = arith.constant 0 : index
    %get3A_269 = arith.constant 0 : index
    %get3A_270 = vector.load %arg4[%get3A_268, %get3A_269] : memref<3x32xf32, #tpu.memory_space<vmem>>, vector<3x32xf32>
    %dot_general3A_271 = arith.constant dense<0.000000e+00> : vector<512x32xf32>
    %dot_general3A_272 = tpu.matmul %select_n3A_267, %get3A_270, %dot_general3A_271 {dimension_numbers = #tpu.dot_dimension_numbers<[1], [0], [0], [1], [0, 0, 1, 1], [], []>, transpose_lhs_hint = false} : vector<512x3xf32>, vector<3x32xf32>, vector<512x32xf32> -> vector<512x32xf32>
    %get3A_273 = arith.constant 0 : index
    %get3A_274 = arith.constant 0 : index
    %get3A_275 = vector.load %arg5[%get3A_273, %get3A_274] : memref<1x32xf32, #tpu.memory_space<vmem>>, vector<1x32xf32>
    %add3A_276 = vector.broadcast %get3A_275 : vector<1x32xf32> to vector<512x32xf32>
    %add3A_277 = arith.addf %dot_general3A_272, %add3A_276 : vector<512x32xf32>
    %max3A_278 = arith.constant 0.000000e+00 : f32
    %max3A_279 = vector.broadcast %max3A_278 : f32 to vector<512x32xf32>
    %max3A_280 = arith.maximumf %add3A_277, %max3A_279 : vector<512x32xf32>
    %slice3A_281 = vector.extract_strided_slice %squeeze3A_256 {offsets = [0, 4], sizes = [512, 64], strides = [1, 1]} : vector<512x128xf32> to vector<512x64xf32>
    %slice3A_282 = vector.extract_strided_slice %get3A_9 {offsets = [10, 0, 0], sizes = [1, 512, 128], strides = [1, 1, 1]} : vector<16x512x128xf32> to vector<1x512x128xf32>
    %squeeze3A_283 = vector.shape_cast %slice3A_282 : vector<1x512x128xf32> to vector<512x128xf32>
    %slice3A_284 = vector.extract_strided_slice %squeeze3A_283 {offsets = [0, 3], sizes = [512, 1], strides = [1, 1]} : vector<512x128xf32> to vector<512x1xf32>
    %gt3A_285 = arith.constant 5.000000e-01 : f32
    %gt3A_286 = vector.broadcast %gt3A_285 : f32 to vector<512x1xf32>
    %gt3A_287 = arith.cmpf ogt, %slice3A_284, %gt3A_286 : vector<512x1xf32>
    %slice3A_288 = vector.extract_strided_slice %squeeze3A_283 {offsets = [0, 0], sizes = [512, 3], strides = [1, 1]} : vector<512x128xf32> to vector<512x3xf32>
    %sub3A_289 = arith.subf %slice3A_288, %get3A_3 : vector<512x3xf32>
    %jit3A_290 = arith.constant 0.000000e+00 : f32
    %broadcast_in_dim3A_291 = vector.shape_cast %gt3A_287 : vector<512x1xi1> to vector<512x1xi1>
    %broadcast_in_dim3A_292 = vector.broadcast %broadcast_in_dim3A_291 : vector<512x1xi1> to vector<512x3xi1>
    %broadcast_in_dim3A_293 = vector.broadcast %jit3A_290 : f32 to vector<512x3xf32>
    %select_n3A_294 = arith.select %broadcast_in_dim3A_292, %sub3A_289, %broadcast_in_dim3A_293 : vector<512x3xi1>, vector<512x3xf32>
    %get3A_295 = arith.constant 0 : index
    %get3A_296 = arith.constant 0 : index
    %get3A_297 = vector.load %arg4[%get3A_295, %get3A_296] : memref<3x32xf32, #tpu.memory_space<vmem>>, vector<3x32xf32>
    %dot_general3A_298 = arith.constant dense<0.000000e+00> : vector<512x32xf32>
    %dot_general3A_299 = tpu.matmul %select_n3A_294, %get3A_297, %dot_general3A_298 {dimension_numbers = #tpu.dot_dimension_numbers<[1], [0], [0], [1], [0, 0, 1, 1], [], []>, transpose_lhs_hint = false} : vector<512x3xf32>, vector<3x32xf32>, vector<512x32xf32> -> vector<512x32xf32>
    %get3A_300 = arith.constant 0 : index
    %get3A_301 = arith.constant 0 : index
    %get3A_302 = vector.load %arg5[%get3A_300, %get3A_301] : memref<1x32xf32, #tpu.memory_space<vmem>>, vector<1x32xf32>
    %add3A_303 = vector.broadcast %get3A_302 : vector<1x32xf32> to vector<512x32xf32>
    %add3A_304 = arith.addf %dot_general3A_299, %add3A_303 : vector<512x32xf32>
    %max3A_305 = arith.constant 0.000000e+00 : f32
    %max3A_306 = vector.broadcast %max3A_305 : f32 to vector<512x32xf32>
    %max3A_307 = arith.maximumf %add3A_304, %max3A_306 : vector<512x32xf32>
    %slice3A_308 = vector.extract_strided_slice %squeeze3A_283 {offsets = [0, 4], sizes = [512, 64], strides = [1, 1]} : vector<512x128xf32> to vector<512x64xf32>
    %slice3A_309 = vector.extract_strided_slice %get3A_9 {offsets = [11, 0, 0], sizes = [1, 512, 128], strides = [1, 1, 1]} : vector<16x512x128xf32> to vector<1x512x128xf32>
    %squeeze3A_310 = vector.shape_cast %slice3A_309 : vector<1x512x128xf32> to vector<512x128xf32>
    %slice3A_311 = vector.extract_strided_slice %squeeze3A_310 {offsets = [0, 3], sizes = [512, 1], strides = [1, 1]} : vector<512x128xf32> to vector<512x1xf32>
    %gt3A_312 = arith.constant 5.000000e-01 : f32
    %gt3A_313 = vector.broadcast %gt3A_312 : f32 to vector<512x1xf32>
    %gt3A_314 = arith.cmpf ogt, %slice3A_311, %gt3A_313 : vector<512x1xf32>
    %slice3A_315 = vector.extract_strided_slice %squeeze3A_310 {offsets = [0, 0], sizes = [512, 3], strides = [1, 1]} : vector<512x128xf32> to vector<512x3xf32>
    %sub3A_316 = arith.subf %slice3A_315, %get3A_3 : vector<512x3xf32>
    %jit3A_317 = arith.constant 0.000000e+00 : f32
    %broadcast_in_dim3A_318 = vector.shape_cast %gt3A_314 : vector<512x1xi1> to vector<512x1xi1>
    %broadcast_in_dim3A_319 = vector.broadcast %broadcast_in_dim3A_318 : vector<512x1xi1> to vector<512x3xi1>
    %broadcast_in_dim3A_320 = vector.broadcast %jit3A_317 : f32 to vector<512x3xf32>
    %select_n3A_321 = arith.select %broadcast_in_dim3A_319, %sub3A_316, %broadcast_in_dim3A_320 : vector<512x3xi1>, vector<512x3xf32>
    %get3A_322 = arith.constant 0 : index
    %get3A_323 = arith.constant 0 : index
    %get3A_324 = vector.load %arg4[%get3A_322, %get3A_323] : memref<3x32xf32, #tpu.memory_space<vmem>>, vector<3x32xf32>
    %dot_general3A_325 = arith.constant dense<0.000000e+00> : vector<512x32xf32>
    %dot_general3A_326 = tpu.matmul %select_n3A_321, %get3A_324, %dot_general3A_325 {dimension_numbers = #tpu.dot_dimension_numbers<[1], [0], [0], [1], [0, 0, 1, 1], [], []>, transpose_lhs_hint = false} : vector<512x3xf32>, vector<3x32xf32>, vector<512x32xf32> -> vector<512x32xf32>
    %get3A_327 = arith.constant 0 : index
    %get3A_328 = arith.constant 0 : index
    %get3A_329 = vector.load %arg5[%get3A_327, %get3A_328] : memref<1x32xf32, #tpu.memory_space<vmem>>, vector<1x32xf32>
    %add3A_330 = vector.broadcast %get3A_329 : vector<1x32xf32> to vector<512x32xf32>
    %add3A_331 = arith.addf %dot_general3A_326, %add3A_330 : vector<512x32xf32>
    %max3A_332 = arith.constant 0.000000e+00 : f32
    %max3A_333 = vector.broadcast %max3A_332 : f32 to vector<512x32xf32>
    %max3A_334 = arith.maximumf %add3A_331, %max3A_333 : vector<512x32xf32>
    %slice3A_335 = vector.extract_strided_slice %squeeze3A_310 {offsets = [0, 4], sizes = [512, 64], strides = [1, 1]} : vector<512x128xf32> to vector<512x64xf32>
    %slice3A_336 = vector.extract_strided_slice %get3A_9 {offsets = [12, 0, 0], sizes = [1, 512, 128], strides = [1, 1, 1]} : vector<16x512x128xf32> to vector<1x512x128xf32>
    %squeeze3A_337 = vector.shape_cast %slice3A_336 : vector<1x512x128xf32> to vector<512x128xf32>
    %slice3A_338 = vector.extract_strided_slice %squeeze3A_337 {offsets = [0, 3], sizes = [512, 1], strides = [1, 1]} : vector<512x128xf32> to vector<512x1xf32>
    %gt3A_339 = arith.constant 5.000000e-01 : f32
    %gt3A_340 = vector.broadcast %gt3A_339 : f32 to vector<512x1xf32>
    %gt3A_341 = arith.cmpf ogt, %slice3A_338, %gt3A_340 : vector<512x1xf32>
    %slice3A_342 = vector.extract_strided_slice %squeeze3A_337 {offsets = [0, 0], sizes = [512, 3], strides = [1, 1]} : vector<512x128xf32> to vector<512x3xf32>
    %sub3A_343 = arith.subf %slice3A_342, %get3A_3 : vector<512x3xf32>
    %jit3A_344 = arith.constant 0.000000e+00 : f32
    %broadcast_in_dim3A_345 = vector.shape_cast %gt3A_341 : vector<512x1xi1> to vector<512x1xi1>
    %broadcast_in_dim3A_346 = vector.broadcast %broadcast_in_dim3A_345 : vector<512x1xi1> to vector<512x3xi1>
    %broadcast_in_dim3A_347 = vector.broadcast %jit3A_344 : f32 to vector<512x3xf32>
    %select_n3A_348 = arith.select %broadcast_in_dim3A_346, %sub3A_343, %broadcast_in_dim3A_347 : vector<512x3xi1>, vector<512x3xf32>
    %get3A_349 = arith.constant 0 : index
    %get3A_350 = arith.constant 0 : index
    %get3A_351 = vector.load %arg4[%get3A_349, %get3A_350] : memref<3x32xf32, #tpu.memory_space<vmem>>, vector<3x32xf32>
    %dot_general3A_352 = arith.constant dense<0.000000e+00> : vector<512x32xf32>
    %dot_general3A_353 = tpu.matmul %select_n3A_348, %get3A_351, %dot_general3A_352 {dimension_numbers = #tpu.dot_dimension_numbers<[1], [0], [0], [1], [0, 0, 1, 1], [], []>, transpose_lhs_hint = false} : vector<512x3xf32>, vector<3x32xf32>, vector<512x32xf32> -> vector<512x32xf32>
    %get3A_354 = arith.constant 0 : index
    %get3A_355 = arith.constant 0 : index
    %get3A_356 = vector.load %arg5[%get3A_354, %get3A_355] : memref<1x32xf32, #tpu.memory_space<vmem>>, vector<1x32xf32>
    %add3A_357 = vector.broadcast %get3A_356 : vector<1x32xf32> to vector<512x32xf32>
    %add3A_358 = arith.addf %dot_general3A_353, %add3A_357 : vector<512x32xf32>
    %max3A_359 = arith.constant 0.000000e+00 : f32
    %max3A_360 = vector.broadcast %max3A_359 : f32 to vector<512x32xf32>
    %max3A_361 = arith.maximumf %add3A_358, %max3A_360 : vector<512x32xf32>
    %slice3A_362 = vector.extract_strided_slice %squeeze3A_337 {offsets = [0, 4], sizes = [512, 64], strides = [1, 1]} : vector<512x128xf32> to vector<512x64xf32>
    %slice3A_363 = vector.extract_strided_slice %get3A_9 {offsets = [13, 0, 0], sizes = [1, 512, 128], strides = [1, 1, 1]} : vector<16x512x128xf32> to vector<1x512x128xf32>
    %squeeze3A_364 = vector.shape_cast %slice3A_363 : vector<1x512x128xf32> to vector<512x128xf32>
    %slice3A_365 = vector.extract_strided_slice %squeeze3A_364 {offsets = [0, 3], sizes = [512, 1], strides = [1, 1]} : vector<512x128xf32> to vector<512x1xf32>
    %gt3A_366 = arith.constant 5.000000e-01 : f32
    %gt3A_367 = vector.broadcast %gt3A_366 : f32 to vector<512x1xf32>
    %gt3A_368 = arith.cmpf ogt, %slice3A_365, %gt3A_367 : vector<512x1xf32>
    %slice3A_369 = vector.extract_strided_slice %squeeze3A_364 {offsets = [0, 0], sizes = [512, 3], strides = [1, 1]} : vector<512x128xf32> to vector<512x3xf32>
    %sub3A_370 = arith.subf %slice3A_369, %get3A_3 : vector<512x3xf32>
    %jit3A_371 = arith.constant 0.000000e+00 : f32
    %broadcast_in_dim3A_372 = vector.shape_cast %gt3A_368 : vector<512x1xi1> to vector<512x1xi1>
    %broadcast_in_dim3A_373 = vector.broadcast %broadcast_in_dim3A_372 : vector<512x1xi1> to vector<512x3xi1>
    %broadcast_in_dim3A_374 = vector.broadcast %jit3A_371 : f32 to vector<512x3xf32>
    %select_n3A_375 = arith.select %broadcast_in_dim3A_373, %sub3A_370, %broadcast_in_dim3A_374 : vector<512x3xi1>, vector<512x3xf32>
    %get3A_376 = arith.constant 0 : index
    %get3A_377 = arith.constant 0 : index
    %get3A_378 = vector.load %arg4[%get3A_376, %get3A_377] : memref<3x32xf32, #tpu.memory_space<vmem>>, vector<3x32xf32>
    %dot_general3A_379 = arith.constant dense<0.000000e+00> : vector<512x32xf32>
    %dot_general3A_380 = tpu.matmul %select_n3A_375, %get3A_378, %dot_general3A_379 {dimension_numbers = #tpu.dot_dimension_numbers<[1], [0], [0], [1], [0, 0, 1, 1], [], []>, transpose_lhs_hint = false} : vector<512x3xf32>, vector<3x32xf32>, vector<512x32xf32> -> vector<512x32xf32>
    %get3A_381 = arith.constant 0 : index
    %get3A_382 = arith.constant 0 : index
    %get3A_383 = vector.load %arg5[%get3A_381, %get3A_382] : memref<1x32xf32, #tpu.memory_space<vmem>>, vector<1x32xf32>
    %add3A_384 = vector.broadcast %get3A_383 : vector<1x32xf32> to vector<512x32xf32>
    %add3A_385 = arith.addf %dot_general3A_380, %add3A_384 : vector<512x32xf32>
    %max3A_386 = arith.constant 0.000000e+00 : f32
    %max3A_387 = vector.broadcast %max3A_386 : f32 to vector<512x32xf32>
    %max3A_388 = arith.maximumf %add3A_385, %max3A_387 : vector<512x32xf32>
    %slice3A_389 = vector.extract_strided_slice %squeeze3A_364 {offsets = [0, 4], sizes = [512, 64], strides = [1, 1]} : vector<512x128xf32> to vector<512x64xf32>
    %slice3A_390 = vector.extract_strided_slice %get3A_9 {offsets = [14, 0, 0], sizes = [1, 512, 128], strides = [1, 1, 1]} : vector<16x512x128xf32> to vector<1x512x128xf32>
    %squeeze3A_391 = vector.shape_cast %slice3A_390 : vector<1x512x128xf32> to vector<512x128xf32>
    %slice3A_392 = vector.extract_strided_slice %squeeze3A_391 {offsets = [0, 3], sizes = [512, 1], strides = [1, 1]} : vector<512x128xf32> to vector<512x1xf32>
    %gt3A_393 = arith.constant 5.000000e-01 : f32
    %gt3A_394 = vector.broadcast %gt3A_393 : f32 to vector<512x1xf32>
    %gt3A_395 = arith.cmpf ogt, %slice3A_392, %gt3A_394 : vector<512x1xf32>
    %slice3A_396 = vector.extract_strided_slice %squeeze3A_391 {offsets = [0, 0], sizes = [512, 3], strides = [1, 1]} : vector<512x128xf32> to vector<512x3xf32>
    %sub3A_397 = arith.subf %slice3A_396, %get3A_3 : vector<512x3xf32>
    %jit3A_398 = arith.constant 0.000000e+00 : f32
    %broadcast_in_dim3A_399 = vector.shape_cast %gt3A_395 : vector<512x1xi1> to vector<512x1xi1>
    %broadcast_in_dim3A_400 = vector.broadcast %broadcast_in_dim3A_399 : vector<512x1xi1> to vector<512x3xi1>
    %broadcast_in_dim3A_401 = vector.broadcast %jit3A_398 : f32 to vector<512x3xf32>
    %select_n3A_402 = arith.select %broadcast_in_dim3A_400, %sub3A_397, %broadcast_in_dim3A_401 : vector<512x3xi1>, vector<512x3xf32>
    %get3A_403 = arith.constant 0 : index
    %get3A_404 = arith.constant 0 : index
    %get3A_405 = vector.load %arg4[%get3A_403, %get3A_404] : memref<3x32xf32, #tpu.memory_space<vmem>>, vector<3x32xf32>
    %dot_general3A_406 = arith.constant dense<0.000000e+00> : vector<512x32xf32>
    %dot_general3A_407 = tpu.matmul %select_n3A_402, %get3A_405, %dot_general3A_406 {dimension_numbers = #tpu.dot_dimension_numbers<[1], [0], [0], [1], [0, 0, 1, 1], [], []>, transpose_lhs_hint = false} : vector<512x3xf32>, vector<3x32xf32>, vector<512x32xf32> -> vector<512x32xf32>
    %get3A_408 = arith.constant 0 : index
    %get3A_409 = arith.constant 0 : index
    %get3A_410 = vector.load %arg5[%get3A_408, %get3A_409] : memref<1x32xf32, #tpu.memory_space<vmem>>, vector<1x32xf32>
    %add3A_411 = vector.broadcast %get3A_410 : vector<1x32xf32> to vector<512x32xf32>
    %add3A_412 = arith.addf %dot_general3A_407, %add3A_411 : vector<512x32xf32>
    %max3A_413 = arith.constant 0.000000e+00 : f32
    %max3A_414 = vector.broadcast %max3A_413 : f32 to vector<512x32xf32>
    %max3A_415 = arith.maximumf %add3A_412, %max3A_414 : vector<512x32xf32>
    %slice3A_416 = vector.extract_strided_slice %squeeze3A_391 {offsets = [0, 4], sizes = [512, 64], strides = [1, 1]} : vector<512x128xf32> to vector<512x64xf32>
    %slice3A_417 = vector.extract_strided_slice %get3A_9 {offsets = [15, 0, 0], sizes = [1, 512, 128], strides = [1, 1, 1]} : vector<16x512x128xf32> to vector<1x512x128xf32>
    %squeeze3A_418 = vector.shape_cast %slice3A_417 : vector<1x512x128xf32> to vector<512x128xf32>
    %slice3A_419 = vector.extract_strided_slice %squeeze3A_418 {offsets = [0, 3], sizes = [512, 1], strides = [1, 1]} : vector<512x128xf32> to vector<512x1xf32>
    %gt3A_420 = arith.constant 5.000000e-01 : f32
    %gt3A_421 = vector.broadcast %gt3A_420 : f32 to vector<512x1xf32>
    %gt3A_422 = arith.cmpf ogt, %slice3A_419, %gt3A_421 : vector<512x1xf32>
    %slice3A_423 = vector.extract_strided_slice %squeeze3A_418 {offsets = [0, 0], sizes = [512, 3], strides = [1, 1]} : vector<512x128xf32> to vector<512x3xf32>
    %sub3A_424 = arith.subf %slice3A_423, %get3A_3 : vector<512x3xf32>
    %jit3A_425 = arith.constant 0.000000e+00 : f32
    %broadcast_in_dim3A_426 = vector.shape_cast %gt3A_422 : vector<512x1xi1> to vector<512x1xi1>
    %broadcast_in_dim3A_427 = vector.broadcast %broadcast_in_dim3A_426 : vector<512x1xi1> to vector<512x3xi1>
    %broadcast_in_dim3A_428 = vector.broadcast %jit3A_425 : f32 to vector<512x3xf32>
    %select_n3A_429 = arith.select %broadcast_in_dim3A_427, %sub3A_424, %broadcast_in_dim3A_428 : vector<512x3xi1>, vector<512x3xf32>
    %get3A_430 = arith.constant 0 : index
    %get3A_431 = arith.constant 0 : index
    %get3A_432 = vector.load %arg4[%get3A_430, %get3A_431] : memref<3x32xf32, #tpu.memory_space<vmem>>, vector<3x32xf32>
    %dot_general3A_433 = arith.constant dense<0.000000e+00> : vector<512x32xf32>
    %dot_general3A_434 = tpu.matmul %select_n3A_429, %get3A_432, %dot_general3A_433 {dimension_numbers = #tpu.dot_dimension_numbers<[1], [0], [0], [1], [0, 0, 1, 1], [], []>, transpose_lhs_hint = false} : vector<512x3xf32>, vector<3x32xf32>, vector<512x32xf32> -> vector<512x32xf32>
    %get3A_435 = arith.constant 0 : index
    %get3A_436 = arith.constant 0 : index
    %get3A_437 = vector.load %arg5[%get3A_435, %get3A_436] : memref<1x32xf32, #tpu.memory_space<vmem>>, vector<1x32xf32>
    %add3A_438 = vector.broadcast %get3A_437 : vector<1x32xf32> to vector<512x32xf32>
    %add3A_439 = arith.addf %dot_general3A_434, %add3A_438 : vector<512x32xf32>
    %max3A_440 = arith.constant 0.000000e+00 : f32
    %max3A_441 = vector.broadcast %max3A_440 : f32 to vector<512x32xf32>
    %max3A_442 = arith.maximumf %add3A_439, %max3A_441 : vector<512x32xf32>
    %slice3A_443 = vector.extract_strided_slice %squeeze3A_418 {offsets = [0, 4], sizes = [512, 64], strides = [1, 1]} : vector<512x128xf32> to vector<512x64xf32>
    %concatenate3A = tpu.concatenate %max3A_37, %max3A_64, %max3A_91, %max3A_118, %max3A_145, %max3A_172, %max3A_199, %max3A_226, %max3A_253, %max3A_280, %max3A_307, %max3A_334, %max3A_361, %max3A_388, %max3A_415, %max3A_442 in 1 : vector<512x32xf32>, vector<512x32xf32>, vector<512x32xf32>, vector<512x32xf32>, vector<512x32xf32>, vector<512x32xf32>, vector<512x32xf32>, vector<512x32xf32>, vector<512x32xf32>, vector<512x32xf32>, vector<512x32xf32>, vector<512x32xf32>, vector<512x32xf32>, vector<512x32xf32>, vector<512x32xf32>, vector<512x32xf32> -> vector<512x512xf32>
    %get3A_444 = arith.constant 0 : index
    %get3A_445 = arith.constant 0 : index
    %get3A_446 = vector.load %arg6[%get3A_444, %get3A_445] : memref<512x256xf32, #tpu.memory_space<vmem>>, vector<512x256xf32>
    %dot_general3A_447 = arith.constant dense<0.000000e+00> : vector<512x256xf32>
    %dot_general3A_448 = tpu.matmul %concatenate3A, %get3A_446, %dot_general3A_447 {dimension_numbers = #tpu.dot_dimension_numbers<[1], [0], [0], [1], [0, 0, 1, 1], [], []>, transpose_lhs_hint = false} : vector<512x512xf32>, vector<512x256xf32>, vector<512x256xf32> -> vector<512x256xf32>
    %get3A_449 = arith.constant 0 : index
    %get3A_450 = arith.constant 0 : index
    %get3A_451 = vector.load %arg7[%get3A_449, %get3A_450] : memref<1x256xf32, #tpu.memory_space<vmem>>, vector<1x256xf32>
    %add3A_452 = vector.broadcast %get3A_451 : vector<1x256xf32> to vector<512x256xf32>
    %add3A_453 = arith.addf %dot_general3A_448, %add3A_452 : vector<512x256xf32>
    %iota3A = tpu.iota {dimensions = array<i32: 1>} : vector<16x1024xi32>
    %iota3A_454 = tpu.iota {dimensions = array<i32: 0>} : vector<16x1024xi32>
    %jit3A_455 = arith.constant 64 : i32
    %div3A = vector.broadcast %jit3A_455 : i32 to vector<16x1024xi32>
    %div3A_456 = arith.divsi %iota3A, %div3A : vector<16x1024xi32>
    %sign3A = arith.constant 0 : i32
    %sign3A_457 = vector.broadcast %sign3A : i32 to vector<16x1024xi32>
    %sign3A_458 = arith.cmpi sgt, %iota3A, %sign3A_457 : vector<16x1024xi32>
    %sign3A_459 = arith.extui %sign3A_458 : vector<16x1024xi1> to vector<16x1024xi32>
    %sign3A_460 = arith.constant 0 : i32
    %sign3A_461 = vector.broadcast %sign3A_460 : i32 to vector<16x1024xi32>
    %sign3A_462 = arith.cmpi slt, %iota3A, %sign3A_461 : vector<16x1024xi32>
    %sign3A_463 = arith.extui %sign3A_462 : vector<16x1024xi1> to vector<16x1024xi32>
    %sign3A_464 = arith.subi %sign3A_459, %sign3A_463 : vector<16x1024xi32>
    %sign3A_465 = arith.constant 0 : i32
    %sign3A_466 = arith.cmpi sgt, %jit3A_455, %sign3A_465 : i32
    %sign3A_467 = arith.extui %sign3A_466 : i1 to i32
    %sign3A_468 = arith.constant 0 : i32
    %sign3A_469 = arith.cmpi slt, %jit3A_455, %sign3A_468 : i32
    %sign3A_470 = arith.extui %sign3A_469 : i1 to i32
    %sign3A_471 = arith.subi %sign3A_467, %sign3A_470 : i32
    %ne3A_472 = vector.broadcast %sign3A_471 : i32 to vector<16x1024xi32>
    %ne3A_473 = arith.cmpi ne, %sign3A_464, %ne3A_472 : vector<16x1024xi32>
    %rem3A = vector.broadcast %jit3A_455 : i32 to vector<16x1024xi32>
    %rem3A_474 = arith.remsi %iota3A, %rem3A : vector<16x1024xi32>
    %ne3A_475 = arith.constant 0 : i32
    %ne3A_476 = vector.broadcast %ne3A_475 : i32 to vector<16x1024xi32>
    %ne3A_477 = arith.cmpi ne, %rem3A_474, %ne3A_476 : vector<16x1024xi32>
    %and3A = arith.andi %ne3A_473, %ne3A_477 : vector<16x1024xi1>
    %sub3A_478 = arith.constant 1 : i32
    %sub3A_479 = vector.broadcast %sub3A_478 : i32 to vector<16x1024xi32>
    %sub3A_480 = arith.subi %div3A_456, %sub3A_479 : vector<16x1024xi32>
    %select_n3A_481 = arith.select %and3A, %sub3A_480, %div3A_456 : vector<16x1024xi1>, vector<16x1024xi32>
    %eq3A = arith.cmpi eq, %select_n3A_481, %iota3A_454 : vector<16x1024xi32>
    %convert_element_type3A = arith.extui %eq3A : vector<16x1024xi1> to vector<16x1024xi32>
    %convert_element_type3A_482 = arith.sitofp %convert_element_type3A : vector<16x1024xi32> to vector<16x1024xf32>
    %slice3A_483 = vector.extract_strided_slice %add3A_453 {offsets = [0, 0], sizes = [512, 16], strides = [1, 1]} : vector<512x256xf32> to vector<512x16xf32>
    %dot_general3A_484 = arith.constant dense<0.000000e+00> : vector<512x1024xf32>
    %dot_general3A_485 = tpu.matmul %slice3A_483, %convert_element_type3A_482, %dot_general3A_484 {dimension_numbers = #tpu.dot_dimension_numbers<[1], [0], [0], [1], [0, 0, 1, 1], [], []>, transpose_lhs_hint = false} : vector<512x16xf32>, vector<16x1024xf32>, vector<512x1024xf32> -> vector<512x1024xf32>
    %tile3A = tpu.concatenate %slice3A_38, %slice3A_38, %slice3A_38, %slice3A_38, %slice3A_38, %slice3A_38, %slice3A_38, %slice3A_38, %slice3A_38, %slice3A_38, %slice3A_38, %slice3A_38, %slice3A_38, %slice3A_38, %slice3A_38, %slice3A_38 in 1 : vector<512x64xf32>, vector<512x64xf32>, vector<512x64xf32>, vector<512x64xf32>, vector<512x64xf32>, vector<512x64xf32>, vector<512x64xf32>, vector<512x64xf32>, vector<512x64xf32>, vector<512x64xf32>, vector<512x64xf32>, vector<512x64xf32>, vector<512x64xf32>, vector<512x64xf32>, vector<512x64xf32>, vector<512x64xf32> -> vector<512x1024xf32>
    %mul3A = arith.mulf %dot_general3A_485, %tile3A : vector<512x1024xf32>
    %slice3A_486 = vector.extract_strided_slice %add3A_453 {offsets = [0, 16], sizes = [512, 16], strides = [1, 1]} : vector<512x256xf32> to vector<512x16xf32>
    %dot_general3A_487 = arith.constant dense<0.000000e+00> : vector<512x1024xf32>
    %dot_general3A_488 = tpu.matmul %slice3A_486, %convert_element_type3A_482, %dot_general3A_487 {dimension_numbers = #tpu.dot_dimension_numbers<[1], [0], [0], [1], [0, 0, 1, 1], [], []>, transpose_lhs_hint = false} : vector<512x16xf32>, vector<16x1024xf32>, vector<512x1024xf32> -> vector<512x1024xf32>
    %tile3A_489 = tpu.concatenate %slice3A_65, %slice3A_65, %slice3A_65, %slice3A_65, %slice3A_65, %slice3A_65, %slice3A_65, %slice3A_65, %slice3A_65, %slice3A_65, %slice3A_65, %slice3A_65, %slice3A_65, %slice3A_65, %slice3A_65, %slice3A_65 in 1 : vector<512x64xf32>, vector<512x64xf32>, vector<512x64xf32>, vector<512x64xf32>, vector<512x64xf32>, vector<512x64xf32>, vector<512x64xf32>, vector<512x64xf32>, vector<512x64xf32>, vector<512x64xf32>, vector<512x64xf32>, vector<512x64xf32>, vector<512x64xf32>, vector<512x64xf32>, vector<512x64xf32>, vector<512x64xf32> -> vector<512x1024xf32>
    %mul3A_490 = arith.mulf %dot_general3A_488, %tile3A_489 : vector<512x1024xf32>
    %add3A_491 = arith.addf %mul3A, %mul3A_490 : vector<512x1024xf32>
    %slice3A_492 = vector.extract_strided_slice %add3A_453 {offsets = [0, 32], sizes = [512, 16], strides = [1, 1]} : vector<512x256xf32> to vector<512x16xf32>
    %dot_general3A_493 = arith.constant dense<0.000000e+00> : vector<512x1024xf32>
    %dot_general3A_494 = tpu.matmul %slice3A_492, %convert_element_type3A_482, %dot_general3A_493 {dimension_numbers = #tpu.dot_dimension_numbers<[1], [0], [0], [1], [0, 0, 1, 1], [], []>, transpose_lhs_hint = false} : vector<512x16xf32>, vector<16x1024xf32>, vector<512x1024xf32> -> vector<512x1024xf32>
    %tile3A_495 = tpu.concatenate %slice3A_92, %slice3A_92, %slice3A_92, %slice3A_92, %slice3A_92, %slice3A_92, %slice3A_92, %slice3A_92, %slice3A_92, %slice3A_92, %slice3A_92, %slice3A_92, %slice3A_92, %slice3A_92, %slice3A_92, %slice3A_92 in 1 : vector<512x64xf32>, vector<512x64xf32>, vector<512x64xf32>, vector<512x64xf32>, vector<512x64xf32>, vector<512x64xf32>, vector<512x64xf32>, vector<512x64xf32>, vector<512x64xf32>, vector<512x64xf32>, vector<512x64xf32>, vector<512x64xf32>, vector<512x64xf32>, vector<512x64xf32>, vector<512x64xf32>, vector<512x64xf32> -> vector<512x1024xf32>
    %mul3A_496 = arith.mulf %dot_general3A_494, %tile3A_495 : vector<512x1024xf32>
    %add3A_497 = arith.addf %add3A_491, %mul3A_496 : vector<512x1024xf32>
    %slice3A_498 = vector.extract_strided_slice %add3A_453 {offsets = [0, 48], sizes = [512, 16], strides = [1, 1]} : vector<512x256xf32> to vector<512x16xf32>
    %dot_general3A_499 = arith.constant dense<0.000000e+00> : vector<512x1024xf32>
    %dot_general3A_500 = tpu.matmul %slice3A_498, %convert_element_type3A_482, %dot_general3A_499 {dimension_numbers = #tpu.dot_dimension_numbers<[1], [0], [0], [1], [0, 0, 1, 1], [], []>, transpose_lhs_hint = false} : vector<512x16xf32>, vector<16x1024xf32>, vector<512x1024xf32> -> vector<512x1024xf32>
    %tile3A_501 = tpu.concatenate %slice3A_119, %slice3A_119, %slice3A_119, %slice3A_119, %slice3A_119, %slice3A_119, %slice3A_119, %slice3A_119, %slice3A_119, %slice3A_119, %slice3A_119, %slice3A_119, %slice3A_119, %slice3A_119, %slice3A_119, %slice3A_119 in 1 : vector<512x64xf32>, vector<512x64xf32>, vector<512x64xf32>, vector<512x64xf32>, vector<512x64xf32>, vector<512x64xf32>, vector<512x64xf32>, vector<512x64xf32>, vector<512x64xf32>, vector<512x64xf32>, vector<512x64xf32>, vector<512x64xf32>, vector<512x64xf32>, vector<512x64xf32>, vector<512x64xf32>, vector<512x64xf32> -> vector<512x1024xf32>
    %mul3A_502 = arith.mulf %dot_general3A_500, %tile3A_501 : vector<512x1024xf32>
    %add3A_503 = arith.addf %add3A_497, %mul3A_502 : vector<512x1024xf32>
    %slice3A_504 = vector.extract_strided_slice %add3A_453 {offsets = [0, 64], sizes = [512, 16], strides = [1, 1]} : vector<512x256xf32> to vector<512x16xf32>
    %dot_general3A_505 = arith.constant dense<0.000000e+00> : vector<512x1024xf32>
    %dot_general3A_506 = tpu.matmul %slice3A_504, %convert_element_type3A_482, %dot_general3A_505 {dimension_numbers = #tpu.dot_dimension_numbers<[1], [0], [0], [1], [0, 0, 1, 1], [], []>, transpose_lhs_hint = false} : vector<512x16xf32>, vector<16x1024xf32>, vector<512x1024xf32> -> vector<512x1024xf32>
    %tile3A_507 = tpu.concatenate %slice3A_146, %slice3A_146, %slice3A_146, %slice3A_146, %slice3A_146, %slice3A_146, %slice3A_146, %slice3A_146, %slice3A_146, %slice3A_146, %slice3A_146, %slice3A_146, %slice3A_146, %slice3A_146, %slice3A_146, %slice3A_146 in 1 : vector<512x64xf32>, vector<512x64xf32>, vector<512x64xf32>, vector<512x64xf32>, vector<512x64xf32>, vector<512x64xf32>, vector<512x64xf32>, vector<512x64xf32>, vector<512x64xf32>, vector<512x64xf32>, vector<512x64xf32>, vector<512x64xf32>, vector<512x64xf32>, vector<512x64xf32>, vector<512x64xf32>, vector<512x64xf32> -> vector<512x1024xf32>
    %mul3A_508 = arith.mulf %dot_general3A_506, %tile3A_507 : vector<512x1024xf32>
    %add3A_509 = arith.addf %add3A_503, %mul3A_508 : vector<512x1024xf32>
    %slice3A_510 = vector.extract_strided_slice %add3A_453 {offsets = [0, 80], sizes = [512, 16], strides = [1, 1]} : vector<512x256xf32> to vector<512x16xf32>
    %dot_general3A_511 = arith.constant dense<0.000000e+00> : vector<512x1024xf32>
    %dot_general3A_512 = tpu.matmul %slice3A_510, %convert_element_type3A_482, %dot_general3A_511 {dimension_numbers = #tpu.dot_dimension_numbers<[1], [0], [0], [1], [0, 0, 1, 1], [], []>, transpose_lhs_hint = false} : vector<512x16xf32>, vector<16x1024xf32>, vector<512x1024xf32> -> vector<512x1024xf32>
    %tile3A_513 = tpu.concatenate %slice3A_173, %slice3A_173, %slice3A_173, %slice3A_173, %slice3A_173, %slice3A_173, %slice3A_173, %slice3A_173, %slice3A_173, %slice3A_173, %slice3A_173, %slice3A_173, %slice3A_173, %slice3A_173, %slice3A_173, %slice3A_173 in 1 : vector<512x64xf32>, vector<512x64xf32>, vector<512x64xf32>, vector<512x64xf32>, vector<512x64xf32>, vector<512x64xf32>, vector<512x64xf32>, vector<512x64xf32>, vector<512x64xf32>, vector<512x64xf32>, vector<512x64xf32>, vector<512x64xf32>, vector<512x64xf32>, vector<512x64xf32>, vector<512x64xf32>, vector<512x64xf32> -> vector<512x1024xf32>
    %mul3A_514 = arith.mulf %dot_general3A_512, %tile3A_513 : vector<512x1024xf32>
    %add3A_515 = arith.addf %add3A_509, %mul3A_514 : vector<512x1024xf32>
    %slice3A_516 = vector.extract_strided_slice %add3A_453 {offsets = [0, 96], sizes = [512, 16], strides = [1, 1]} : vector<512x256xf32> to vector<512x16xf32>
    %dot_general3A_517 = arith.constant dense<0.000000e+00> : vector<512x1024xf32>
    %dot_general3A_518 = tpu.matmul %slice3A_516, %convert_element_type3A_482, %dot_general3A_517 {dimension_numbers = #tpu.dot_dimension_numbers<[1], [0], [0], [1], [0, 0, 1, 1], [], []>, transpose_lhs_hint = false} : vector<512x16xf32>, vector<16x1024xf32>, vector<512x1024xf32> -> vector<512x1024xf32>
    %tile3A_519 = tpu.concatenate %slice3A_200, %slice3A_200, %slice3A_200, %slice3A_200, %slice3A_200, %slice3A_200, %slice3A_200, %slice3A_200, %slice3A_200, %slice3A_200, %slice3A_200, %slice3A_200, %slice3A_200, %slice3A_200, %slice3A_200, %slice3A_200 in 1 : vector<512x64xf32>, vector<512x64xf32>, vector<512x64xf32>, vector<512x64xf32>, vector<512x64xf32>, vector<512x64xf32>, vector<512x64xf32>, vector<512x64xf32>, vector<512x64xf32>, vector<512x64xf32>, vector<512x64xf32>, vector<512x64xf32>, vector<512x64xf32>, vector<512x64xf32>, vector<512x64xf32>, vector<512x64xf32> -> vector<512x1024xf32>
    %mul3A_520 = arith.mulf %dot_general3A_518, %tile3A_519 : vector<512x1024xf32>
    %add3A_521 = arith.addf %add3A_515, %mul3A_520 : vector<512x1024xf32>
    %slice3A_522 = vector.extract_strided_slice %add3A_453 {offsets = [0, 112], sizes = [512, 16], strides = [1, 1]} : vector<512x256xf32> to vector<512x16xf32>
    %dot_general3A_523 = arith.constant dense<0.000000e+00> : vector<512x1024xf32>
    %dot_general3A_524 = tpu.matmul %slice3A_522, %convert_element_type3A_482, %dot_general3A_523 {dimension_numbers = #tpu.dot_dimension_numbers<[1], [0], [0], [1], [0, 0, 1, 1], [], []>, transpose_lhs_hint = false} : vector<512x16xf32>, vector<16x1024xf32>, vector<512x1024xf32> -> vector<512x1024xf32>
    %tile3A_525 = tpu.concatenate %slice3A_227, %slice3A_227, %slice3A_227, %slice3A_227, %slice3A_227, %slice3A_227, %slice3A_227, %slice3A_227, %slice3A_227, %slice3A_227, %slice3A_227, %slice3A_227, %slice3A_227, %slice3A_227, %slice3A_227, %slice3A_227 in 1 : vector<512x64xf32>, vector<512x64xf32>, vector<512x64xf32>, vector<512x64xf32>, vector<512x64xf32>, vector<512x64xf32>, vector<512x64xf32>, vector<512x64xf32>, vector<512x64xf32>, vector<512x64xf32>, vector<512x64xf32>, vector<512x64xf32>, vector<512x64xf32>, vector<512x64xf32>, vector<512x64xf32>, vector<512x64xf32> -> vector<512x1024xf32>
    %mul3A_526 = arith.mulf %dot_general3A_524, %tile3A_525 : vector<512x1024xf32>
    %add3A_527 = arith.addf %add3A_521, %mul3A_526 : vector<512x1024xf32>
    %slice3A_528 = vector.extract_strided_slice %add3A_453 {offsets = [0, 128], sizes = [512, 16], strides = [1, 1]} : vector<512x256xf32> to vector<512x16xf32>
    %dot_general3A_529 = arith.constant dense<0.000000e+00> : vector<512x1024xf32>
    %dot_general3A_530 = tpu.matmul %slice3A_528, %convert_element_type3A_482, %dot_general3A_529 {dimension_numbers = #tpu.dot_dimension_numbers<[1], [0], [0], [1], [0, 0, 1, 1], [], []>, transpose_lhs_hint = false} : vector<512x16xf32>, vector<16x1024xf32>, vector<512x1024xf32> -> vector<512x1024xf32>
    %tile3A_531 = tpu.concatenate %slice3A_254, %slice3A_254, %slice3A_254, %slice3A_254, %slice3A_254, %slice3A_254, %slice3A_254, %slice3A_254, %slice3A_254, %slice3A_254, %slice3A_254, %slice3A_254, %slice3A_254, %slice3A_254, %slice3A_254, %slice3A_254 in 1 : vector<512x64xf32>, vector<512x64xf32>, vector<512x64xf32>, vector<512x64xf32>, vector<512x64xf32>, vector<512x64xf32>, vector<512x64xf32>, vector<512x64xf32>, vector<512x64xf32>, vector<512x64xf32>, vector<512x64xf32>, vector<512x64xf32>, vector<512x64xf32>, vector<512x64xf32>, vector<512x64xf32>, vector<512x64xf32> -> vector<512x1024xf32>
    %mul3A_532 = arith.mulf %dot_general3A_530, %tile3A_531 : vector<512x1024xf32>
    %add3A_533 = arith.addf %add3A_527, %mul3A_532 : vector<512x1024xf32>
    %slice3A_534 = vector.extract_strided_slice %add3A_453 {offsets = [0, 144], sizes = [512, 16], strides = [1, 1]} : vector<512x256xf32> to vector<512x16xf32>
    %dot_general3A_535 = arith.constant dense<0.000000e+00> : vector<512x1024xf32>
    %dot_general3A_536 = tpu.matmul %slice3A_534, %convert_element_type3A_482, %dot_general3A_535 {dimension_numbers = #tpu.dot_dimension_numbers<[1], [0], [0], [1], [0, 0, 1, 1], [], []>, transpose_lhs_hint = false} : vector<512x16xf32>, vector<16x1024xf32>, vector<512x1024xf32> -> vector<512x1024xf32>
    %tile3A_537 = tpu.concatenate %slice3A_281, %slice3A_281, %slice3A_281, %slice3A_281, %slice3A_281, %slice3A_281, %slice3A_281, %slice3A_281, %slice3A_281, %slice3A_281, %slice3A_281, %slice3A_281, %slice3A_281, %slice3A_281, %slice3A_281, %slice3A_281 in 1 : vector<512x64xf32>, vector<512x64xf32>, vector<512x64xf32>, vector<512x64xf32>, vector<512x64xf32>, vector<512x64xf32>, vector<512x64xf32>, vector<512x64xf32>, vector<512x64xf32>, vector<512x64xf32>, vector<512x64xf32>, vector<512x64xf32>, vector<512x64xf32>, vector<512x64xf32>, vector<512x64xf32>, vector<512x64xf32> -> vector<512x1024xf32>
    %mul3A_538 = arith.mulf %dot_general3A_536, %tile3A_537 : vector<512x1024xf32>
    %add3A_539 = arith.addf %add3A_533, %mul3A_538 : vector<512x1024xf32>
    %slice3A_540 = vector.extract_strided_slice %add3A_453 {offsets = [0, 160], sizes = [512, 16], strides = [1, 1]} : vector<512x256xf32> to vector<512x16xf32>
    %dot_general3A_541 = arith.constant dense<0.000000e+00> : vector<512x1024xf32>
    %dot_general3A_542 = tpu.matmul %slice3A_540, %convert_element_type3A_482, %dot_general3A_541 {dimension_numbers = #tpu.dot_dimension_numbers<[1], [0], [0], [1], [0, 0, 1, 1], [], []>, transpose_lhs_hint = false} : vector<512x16xf32>, vector<16x1024xf32>, vector<512x1024xf32> -> vector<512x1024xf32>
    %tile3A_543 = tpu.concatenate %slice3A_308, %slice3A_308, %slice3A_308, %slice3A_308, %slice3A_308, %slice3A_308, %slice3A_308, %slice3A_308, %slice3A_308, %slice3A_308, %slice3A_308, %slice3A_308, %slice3A_308, %slice3A_308, %slice3A_308, %slice3A_308 in 1 : vector<512x64xf32>, vector<512x64xf32>, vector<512x64xf32>, vector<512x64xf32>, vector<512x64xf32>, vector<512x64xf32>, vector<512x64xf32>, vector<512x64xf32>, vector<512x64xf32>, vector<512x64xf32>, vector<512x64xf32>, vector<512x64xf32>, vector<512x64xf32>, vector<512x64xf32>, vector<512x64xf32>, vector<512x64xf32> -> vector<512x1024xf32>
    %mul3A_544 = arith.mulf %dot_general3A_542, %tile3A_543 : vector<512x1024xf32>
    %add3A_545 = arith.addf %add3A_539, %mul3A_544 : vector<512x1024xf32>
    %slice3A_546 = vector.extract_strided_slice %add3A_453 {offsets = [0, 176], sizes = [512, 16], strides = [1, 1]} : vector<512x256xf32> to vector<512x16xf32>
    %dot_general3A_547 = arith.constant dense<0.000000e+00> : vector<512x1024xf32>
    %dot_general3A_548 = tpu.matmul %slice3A_546, %convert_element_type3A_482, %dot_general3A_547 {dimension_numbers = #tpu.dot_dimension_numbers<[1], [0], [0], [1], [0, 0, 1, 1], [], []>, transpose_lhs_hint = false} : vector<512x16xf32>, vector<16x1024xf32>, vector<512x1024xf32> -> vector<512x1024xf32>
    %tile3A_549 = tpu.concatenate %slice3A_335, %slice3A_335, %slice3A_335, %slice3A_335, %slice3A_335, %slice3A_335, %slice3A_335, %slice3A_335, %slice3A_335, %slice3A_335, %slice3A_335, %slice3A_335, %slice3A_335, %slice3A_335, %slice3A_335, %slice3A_335 in 1 : vector<512x64xf32>, vector<512x64xf32>, vector<512x64xf32>, vector<512x64xf32>, vector<512x64xf32>, vector<512x64xf32>, vector<512x64xf32>, vector<512x64xf32>, vector<512x64xf32>, vector<512x64xf32>, vector<512x64xf32>, vector<512x64xf32>, vector<512x64xf32>, vector<512x64xf32>, vector<512x64xf32>, vector<512x64xf32> -> vector<512x1024xf32>
    %mul3A_550 = arith.mulf %dot_general3A_548, %tile3A_549 : vector<512x1024xf32>
    %add3A_551 = arith.addf %add3A_545, %mul3A_550 : vector<512x1024xf32>
    %slice3A_552 = vector.extract_strided_slice %add3A_453 {offsets = [0, 192], sizes = [512, 16], strides = [1, 1]} : vector<512x256xf32> to vector<512x16xf32>
    %dot_general3A_553 = arith.constant dense<0.000000e+00> : vector<512x1024xf32>
    %dot_general3A_554 = tpu.matmul %slice3A_552, %convert_element_type3A_482, %dot_general3A_553 {dimension_numbers = #tpu.dot_dimension_numbers<[1], [0], [0], [1], [0, 0, 1, 1], [], []>, transpose_lhs_hint = false} : vector<512x16xf32>, vector<16x1024xf32>, vector<512x1024xf32> -> vector<512x1024xf32>
    %tile3A_555 = tpu.concatenate %slice3A_362, %slice3A_362, %slice3A_362, %slice3A_362, %slice3A_362, %slice3A_362, %slice3A_362, %slice3A_362, %slice3A_362, %slice3A_362, %slice3A_362, %slice3A_362, %slice3A_362, %slice3A_362, %slice3A_362, %slice3A_362 in 1 : vector<512x64xf32>, vector<512x64xf32>, vector<512x64xf32>, vector<512x64xf32>, vector<512x64xf32>, vector<512x64xf32>, vector<512x64xf32>, vector<512x64xf32>, vector<512x64xf32>, vector<512x64xf32>, vector<512x64xf32>, vector<512x64xf32>, vector<512x64xf32>, vector<512x64xf32>, vector<512x64xf32>, vector<512x64xf32> -> vector<512x1024xf32>
    %mul3A_556 = arith.mulf %dot_general3A_554, %tile3A_555 : vector<512x1024xf32>
    %add3A_557 = arith.addf %add3A_551, %mul3A_556 : vector<512x1024xf32>
    %slice3A_558 = vector.extract_strided_slice %add3A_453 {offsets = [0, 208], sizes = [512, 16], strides = [1, 1]} : vector<512x256xf32> to vector<512x16xf32>
    %dot_general3A_559 = arith.constant dense<0.000000e+00> : vector<512x1024xf32>
    %dot_general3A_560 = tpu.matmul %slice3A_558, %convert_element_type3A_482, %dot_general3A_559 {dimension_numbers = #tpu.dot_dimension_numbers<[1], [0], [0], [1], [0, 0, 1, 1], [], []>, transpose_lhs_hint = false} : vector<512x16xf32>, vector<16x1024xf32>, vector<512x1024xf32> -> vector<512x1024xf32>
    %tile3A_561 = tpu.concatenate %slice3A_389, %slice3A_389, %slice3A_389, %slice3A_389, %slice3A_389, %slice3A_389, %slice3A_389, %slice3A_389, %slice3A_389, %slice3A_389, %slice3A_389, %slice3A_389, %slice3A_389, %slice3A_389, %slice3A_389, %slice3A_389 in 1 : vector<512x64xf32>, vector<512x64xf32>, vector<512x64xf32>, vector<512x64xf32>, vector<512x64xf32>, vector<512x64xf32>, vector<512x64xf32>, vector<512x64xf32>, vector<512x64xf32>, vector<512x64xf32>, vector<512x64xf32>, vector<512x64xf32>, vector<512x64xf32>, vector<512x64xf32>, vector<512x64xf32>, vector<512x64xf32> -> vector<512x1024xf32>
    %mul3A_562 = arith.mulf %dot_general3A_560, %tile3A_561 : vector<512x1024xf32>
    %add3A_563 = arith.addf %add3A_557, %mul3A_562 : vector<512x1024xf32>
    %slice3A_564 = vector.extract_strided_slice %add3A_453 {offsets = [0, 224], sizes = [512, 16], strides = [1, 1]} : vector<512x256xf32> to vector<512x16xf32>
    %dot_general3A_565 = arith.constant dense<0.000000e+00> : vector<512x1024xf32>
    %dot_general3A_566 = tpu.matmul %slice3A_564, %convert_element_type3A_482, %dot_general3A_565 {dimension_numbers = #tpu.dot_dimension_numbers<[1], [0], [0], [1], [0, 0, 1, 1], [], []>, transpose_lhs_hint = false} : vector<512x16xf32>, vector<16x1024xf32>, vector<512x1024xf32> -> vector<512x1024xf32>
    %tile3A_567 = tpu.concatenate %slice3A_416, %slice3A_416, %slice3A_416, %slice3A_416, %slice3A_416, %slice3A_416, %slice3A_416, %slice3A_416, %slice3A_416, %slice3A_416, %slice3A_416, %slice3A_416, %slice3A_416, %slice3A_416, %slice3A_416, %slice3A_416 in 1 : vector<512x64xf32>, vector<512x64xf32>, vector<512x64xf32>, vector<512x64xf32>, vector<512x64xf32>, vector<512x64xf32>, vector<512x64xf32>, vector<512x64xf32>, vector<512x64xf32>, vector<512x64xf32>, vector<512x64xf32>, vector<512x64xf32>, vector<512x64xf32>, vector<512x64xf32>, vector<512x64xf32>, vector<512x64xf32> -> vector<512x1024xf32>
    %mul3A_568 = arith.mulf %dot_general3A_566, %tile3A_567 : vector<512x1024xf32>
    %add3A_569 = arith.addf %add3A_563, %mul3A_568 : vector<512x1024xf32>
    %slice3A_570 = vector.extract_strided_slice %add3A_453 {offsets = [0, 240], sizes = [512, 16], strides = [1, 1]} : vector<512x256xf32> to vector<512x16xf32>
    %dot_general3A_571 = arith.constant dense<0.000000e+00> : vector<512x1024xf32>
    %dot_general3A_572 = tpu.matmul %slice3A_570, %convert_element_type3A_482, %dot_general3A_571 {dimension_numbers = #tpu.dot_dimension_numbers<[1], [0], [0], [1], [0, 0, 1, 1], [], []>, transpose_lhs_hint = false} : vector<512x16xf32>, vector<16x1024xf32>, vector<512x1024xf32> -> vector<512x1024xf32>
    %tile3A_573 = tpu.concatenate %slice3A_443, %slice3A_443, %slice3A_443, %slice3A_443, %slice3A_443, %slice3A_443, %slice3A_443, %slice3A_443, %slice3A_443, %slice3A_443, %slice3A_443, %slice3A_443, %slice3A_443, %slice3A_443, %slice3A_443, %slice3A_443 in 1 : vector<512x64xf32>, vector<512x64xf32>, vector<512x64xf32>, vector<512x64xf32>, vector<512x64xf32>, vector<512x64xf32>, vector<512x64xf32>, vector<512x64xf32>, vector<512x64xf32>, vector<512x64xf32>, vector<512x64xf32>, vector<512x64xf32>, vector<512x64xf32>, vector<512x64xf32>, vector<512x64xf32>, vector<512x64xf32> -> vector<512x1024xf32>
    %mul3A_574 = arith.mulf %dot_general3A_572, %tile3A_573 : vector<512x1024xf32>
    %add3A_575 = arith.addf %add3A_569, %mul3A_574 : vector<512x1024xf32>
    %get3A_576 = arith.constant 0 : index
    %get3A_577 = arith.constant 0 : index
    %get3A_578 = vector.load %arg8[%get3A_576, %get3A_577] : memref<1024x128xf32, #tpu.memory_space<vmem>>, vector<1024x128xf32>
    %dot_general3A_579 = arith.constant dense<0.000000e+00> : vector<512x128xf32>
    %dot_general3A_580 = tpu.matmul %add3A_575, %get3A_578, %dot_general3A_579 {dimension_numbers = #tpu.dot_dimension_numbers<[1], [0], [0], [1], [0, 0, 1, 1], [], []>, transpose_lhs_hint = false} : vector<512x1024xf32>, vector<1024x128xf32>, vector<512x128xf32> -> vector<512x128xf32>
    %get3A_581 = arith.constant 0 : index
    %get3A_582 = arith.constant 0 : index
    %get3A_583 = vector.load %arg9[%get3A_581, %get3A_582] : memref<1x128xf32, #tpu.memory_space<vmem>>, vector<1x128xf32>
    %add3A_584 = vector.broadcast %get3A_583 : vector<1x128xf32> to vector<512x128xf32>
    %add3A_585 = arith.addf %dot_general3A_580, %add3A_584 : vector<512x128xf32>
    %max3A_586 = arith.constant 0.000000e+00 : f32
    %max3A_587 = vector.broadcast %max3A_586 : f32 to vector<512x128xf32>
    %max3A_588 = arith.maximumf %add3A_585, %max3A_587 : vector<512x128xf32>
    %jit3A_589 = arith.constant 0.000000e+00 : f32
    %broadcast_in_dim3A_590 = vector.shape_cast %broadcast_in_dim3A : vector<512x1xi1> to vector<512x1xi1>
    %broadcast_in_dim3A_591 = vector.broadcast %broadcast_in_dim3A_590 : vector<512x1xi1> to vector<512x128xi1>
    %broadcast_in_dim3A_592 = vector.broadcast %jit3A_589 : f32 to vector<512x128xf32>
    %select_n3A_593 = arith.select %broadcast_in_dim3A_591, %max3A_588, %broadcast_in_dim3A_592 : vector<512x128xi1>, vector<512x128xf32>
    %swap3A = arith.constant 0 : index
    %swap3A_594 = arith.constant 0 : index
    %swap3A_595 = arith.constant 0 : index
    %swap3A_596 = vector.load %arg10[%swap3A, %swap3A_594, %swap3A_595] : memref<1x512x128xf32, #tpu.memory_space<vmem>>, vector<1x512x128xf32>
    %swap3A_597 = vector.shape_cast %swap3A_596 : vector<1x512x128xf32> to vector<512x128xf32>
    %swap3A_598 = vector.shape_cast %select_n3A_593 : vector<512x128xf32> to vector<1x512x128xf32>
    tpu.vector_store %arg10[%swap3A, %swap3A_594, %swap3A_595], %swap3A_598 {strides = array<i32>} : memref<1x512x128xf32, #tpu.memory_space<vmem>>, vector<1x512x128xf32>,
    return
  }
  func.func @transform_0(%arg0: i32, %arg1: i32) -> (i32, i32, i32) {
    %c0_i32 = arith.constant 0 : i32
    %c0_i32_0 = arith.constant 0 : i32
    return %arg0, %arg1, %c0_i32 : i32, i32, i32
  }
  func.func @transform_1(%arg0: i32, %arg1: i32) -> (i32, i32, i32, i32) {
    %c0_i32 = arith.constant 0 : i32
    %c0_i32_0 = arith.constant 0 : i32
    %c0_i32_1 = arith.constant 0 : i32
    return %arg0, %c0_i32, %arg1, %c0_i32_0 : i32, i32, i32, i32
  }
  func.func @transform_2(%arg0: i32, %arg1: i32) -> (i32, i32) {
    %c0_i32 = arith.constant 0 : i32
    %c0_i32_0 = arith.constant 0 : i32
    %c0_i32_1 = arith.constant 0 : i32
    return %c0_i32, %c0_i32_0 : i32, i32
  }
  func.func @transform_3(%arg0: i32, %arg1: i32) -> (i32, i32) {
    %c0_i32 = arith.constant 0 : i32
    %c0_i32_0 = arith.constant 0 : i32
    %c0_i32_1 = arith.constant 0 : i32
    return %c0_i32, %c0_i32_0 : i32, i32
  }
  func.func @transform_4(%arg0: i32, %arg1: i32) -> (i32, i32) {
    %c0_i32 = arith.constant 0 : i32
    %c0_i32_0 = arith.constant 0 : i32
    %c0_i32_1 = arith.constant 0 : i32
    return %c0_i32, %c0_i32_0 : i32, i32
  }
  func.func @transform_5(%arg0: i32, %arg1: i32) -> (i32, i32) {
    %c0_i32 = arith.constant 0 : i32
    %c0_i32_0 = arith.constant 0 : i32
    %c0_i32_1 = arith.constant 0 : i32
    return %c0_i32, %c0_i32_0 : i32, i32
  }
  func.func @transform_6(%arg0: i32, %arg1: i32) -> (i32, i32) {
    %c0_i32 = arith.constant 0 : i32
    %c0_i32_0 = arith.constant 0 : i32
    %c0_i32_1 = arith.constant 0 : i32
    return %c0_i32, %c0_i32_0 : i32, i32
  }
  func.func @transform_7(%arg0: i32, %arg1: i32) -> (i32, i32) {
    %c0_i32 = arith.constant 0 : i32
    %c0_i32_0 = arith.constant 0 : i32
    %c0_i32_1 = arith.constant 0 : i32
    return %c0_i32, %c0_i32_0 : i32, i32
  }
  func.func @transform_8(%arg0: i32, %arg1: i32) -> (i32, i32, i32) {
    %c0_i32 = arith.constant 0 : i32
    %c0_i32_0 = arith.constant 0 : i32
    return %arg0, %arg1, %c0_i32 : i32, i32, i32
  }
}

</mosaic_0001>

<sc_bundles>
// kernel: kernel.11.cloned.1.call-start
scs
__scs_entry_jumppad:
0x0: {  	(pc) =	sbr.rel $0x88, $3  }
0x1: {  	(tag) =	ssettag $0x0;
	lr =	simm.s32 $0x1  }
0x2: {  	[smem:$0x3F97] =	sst lr;
	_ =	strace $0xD0000000  }
0x3: {  	_ = 	snop  }
0x4: {  	_ = 	snop  }
0x5: {  	_ = 	snop  }
0x6: {  	_ = 	snop  }
0x7: {  	_ = 	snop  }
__scs_overlays_trampoline_lowered:
0x8: {  	[smem:$0x3FA6] =	sst s0  }
0x9: {  	[smem:$0x3FA7] =	sst s1  }
0xa: {  	[smem:$0x3FA8] =	sst s2  }
0xb: {  	[smem:$0x3FA9] =	sst s3  }
0xc: {  	[smem:$0x3FAA] =	sst s4  }
0xd: {  	[smem:$0x3FAB] =	sst s5  }
0xe: {  	[smem:$0x3FAC] =	sst s6  }
0xf: {  	[smem:$0x3FAD] =	sst s7  }
0x10: {  	[smem:$0x3FAE] =	sst s8  }
0x11: {  	[smem:$0x3FAF] =	sst s9;
	s0 =	simm.s32 @!p0 $0x0  }
0x12: {  	s1 =	sld [smem:$0x3F95];
	s0 =	simm.s32 @p0 $0x1  }
0x13: {  	[smem:$0x3FB0] =	sst s0;
	s0 =	simm.s32 @!p1 $0x0  }
0x14: {  	s2 =	sld [smem:$0x3F94];
	s0 =	simm.s32 @p1 $0x1  }
0x15: {  	[smem:$0x3FB1] =	sst s0;
	s0 =	simm.s32 @!p2 $0x0  }
0x16: {  	s3 =	sld [smem:$0x3FDB];
	s0 =	simm.s32 @p2 $0x1  }
0x17: {  	s4 =	simm.s32 $0x1BF5;
	[smem:$0x3FB3] =	sst s0  }
0x18: {  	s0 =	sld [smem:$0x3F96];
	_ =	swait.ge [sflag:s4], $0x0  }
0x19: {  	s7 =	sld [smem:$0x3F97]  }
0x1a: {  	s8 =	sadd.s32 $0xFFFFE003, lr  }
0x1b: {  	s9 =	sadd.s32 $0xFFFFFEF7, lr;
	s5 =	simm.s32 $0xFFFFFFFF;
	p2 =	slt.u32 s8, $0xFFFFF086  }
0x1c: {  	p1 =	slt.u32 s9, $0xF7A;
	s5 =	simm.s32 @!p2 $0x0  }
0x1d: {  	s5 =	simm.s32 @p1 $0x1;
	p0 =	seq.s32 s7, s2  }
0x1e: {  	s7 =	smul.u32 @!p0 $0xF7A, s2;
	p2 =	seq.s32 @!p0 s5, $0x0  }
0x1f: {  	s9 =	smul.u32 $0xF7A, s1;
	s8 =	simm.s32 @!p0 $0x1BF5;
	p2 =	por !p2, p0  }
0x20: {  	[sflag:s8] =	ssyncset.s32 @!p0 $0xFFFFF086;
	s6 =	sadd.s32 @!p0 s3, s7;
	s7 =	simm.s32 @!p0 $0x108  }
0x21: {  	s3 =	sadd.s32 s3, s9;
	s6 =	sadd.s32 @!p0 $0x88, s6;
	s7 =	simm.s32 @p2 $0x1082  }
0x22: {  	[simem:s7], [sflag:s8] =	dma.local @!p0 [hbm:s6], $0xF7A  }
0x23: {  	s9 =	sor.u32 $0xD0000000, s2;
	s6 =	simm.s32 $0x108;
	_ =	swait.ge @!p0 [sflag:s8], $0x0  }
0x24: {  	s3 =	sadd.s32 $0x88, s3;
	s6 =	simm.s32 @!p1 $0x1082;
	[sflag:s4] =	ssyncset.s32 $0xFFFFF086  }
0x25: {  	[simem:s6], [sflag:s4] =	dma.local [hbm:s3], $0xF7A  }
0x26: {  	[smem:$0x3F97] =	sst s1;
	(tag) =	ssettag s2;
	_ =	strace s9  }
0x27: {  	s1 =	sld [smem:$0x3FA7]  }
0x28: {  	s2 =	sld [smem:$0x3FA8]  }
0x29: {  	s4 =	sld [smem:$0x3FAA]  }
0x2a: {  	p0 =	seq.s32 s5, $0x0;
	s5 =	sld [smem:$0x3FAB]  }
0x2b: {  	s6 =	sld [smem:$0x3FAC]  }
0x2c: {  	s7 =	sld [smem:$0x3FAD]  }
0x2d: {  	s3 =	simm.s32 $0x108;
	s8 =	sld [smem:$0x3FAE]  }
0x2e: {  	s3 =	simm.s32 @!p0 $0x1082;
	s9 =	sld [smem:$0x3FAF]  }
0x2f: {  	lr =	sadd.s32 s0, s3;
	s0 =	sld [smem:$0x3FA6]  }
0x30: {  	s3 =	sld [smem:$0x3FA9]  }
0x31: {  	[smem:$0x3FB2] =	sst s10  }
0x32: {  	s10 =	sld [smem:$0x3FB0];
	_ =	sdelay $0x3  }
0x33: {  	p0 =	seq.s32 s10, $0x1;
	s10 =	sld [smem:$0x3FB2];
	_ =	sdelay $0x3  }
0x34: {  	[smem:$0x3FB2] =	sst s10  }
0x35: {  	s10 =	sld [smem:$0x3FB1];
	_ =	sdelay $0x3  }
0x36: {  	p1 =	seq.s32 s10, $0x1;
	s10 =	sld [smem:$0x3FB2];
	_ =	sdelay $0x3  }
0x37: {  	[smem:$0x3FB2] =	sst s10  }
0x38: {  	s10 =	sld [smem:$0x3FB3]  }
0x39: {  	_ = 	snop;
	(pc) =	sbr.ind lr, $3  }
0x3a: {  	_ = 	snop  }
0x3b: {  	_ = 	snop  }
0x3c: {  	p2 =	seq.s32 s10, $0x1;
	s10 =	sld [smem:$0x3FB2]  }
0x3d: {  	_ =	shalt  }
0x3e: {  	_ =	shalt  }
0x3f: {  	_ =	shalt  }
0x40: {  	_ =	shalt  }
0x41: {  	_ =	shalt  }
0x42: {  	_ =	shalt  }
0x43: {  	_ =	shalt  }
0x44: {  	_ =	shalt  }
0x45: {  	_ =	shalt  }
0x46: {  	_ =	shalt  }
0x47: {  	_ =	shalt  }
0x48: {  	_ =	shalt  }
0x49: {  	_ =	shalt  }
0x4a: {  	_ =	shalt  }
0x4b: {  	_ =	shalt  }
0x4c: {  	_ =	shalt  }
0x4d: {  	_ =	shalt  }
0x4e: {  	_ =	shalt  }
0x4f: {  	_ =	shalt  }
0x50: {  	_ =	shalt  }
0x51: {  	_ =	shalt  }
0x52: {  	_ =	shalt  }
0x53: {  	_ =	shalt  }
0x54: {  	_ =	shalt  }
0x55: {  	_ =	shalt  }
0x56: {  	_ =	shalt  }
0x57: {  	_ =	shalt  }
0x58: {  	_ =	shalt  }
0x59: {  	_ =	shalt  }
0x5a: {  	_ =	shalt  }
0x5b: {  	_ =	shalt  }
0x5c: {  	_ =	shalt  }
0x5d: {  	_ =	shalt  }
0x5e: {  	_ =	shalt  }
0x5f: {  	_ =	shalt  }
0x60: {  	_ =	shalt  }
0x61: {  	_ =	shalt  }
0x62: {  	_ =	shalt  }
0x63: {  	_ =	shalt  }
0x64: {  	_ =	shalt  }
0x65: {  	_ =	shalt  }
0x66: {  	_ =	shalt  }
0x67: {  	_ =	shalt  }
0x68: {  	_ =	shalt  }
0x69: {  	_ =	shalt  }
0x6a: {  	_ =	shalt  }
0x6b: {  	_ =	shalt  }
0x6c: {  	_ =	shalt  }
0x6d: {  	_ =	shalt  }
0x6e: {  	_ =	shalt  }
0x6f: {  	_ =	shalt  }
0x70: {  	_ =	shalt  }
0x71: {  	_ =	shalt  }
0x72: {  	_ =	shalt  }
0x73: {  	_ =	shalt  }
0x74: {  	_ =	shalt  }
0x75: {  	_ =	shalt  }
0x76: {  	_ =	shalt  }
0x77: {  	_ =	shalt  }
0x78: {  	_ =	shalt  }
0x79: {  	_ =	shalt  }
0x7a: {  	_ =	shalt  }
0x7b: {  	_ =	shalt  }
0x7c: {  	_ =	shalt  }
0x7d: {  	_ =	shalt  }
0x7e: {  	_ =	shalt  }
0x7f: {  	_ =	shalt  }
0x80: {  	_ =	shalt  }
0x81: {  	_ =	shalt  }
0x82: {  	_ =	shalt  }
0x83: {  	_ =	shalt  }
0x84: {  	_ =	shalt  }
0x85: {  	_ =	shalt  }
0x86: {  	_ =	shalt  }
0x87: {  	_ =	shalt  }
.Lfunc_end0:
.L_simem_size_0:
called_computation.1_lowered:
.L_overlay_start_0:
0x88: {  	s2 =	sld [smem:$0x3FD9]  }
0x89: {  	s3 =	sld [smem:$0x3FFE];
	_ =	sdelay $0x1  }
0x8a: {  	s1 =	srdreg.scid  }
0x8b: {  	s0 =	sand.u32 $0x1, s1  }
0x8c: {  	s17 =	sshll.u32 s0, $0xA;
	s2 =	sadd.s32 s3, s2  }
0x8d: {  	s2 =	sadd.s32 s2, s17  }
0x8e: {  	[smem:$0x3FBE] =	sst s2  }
0x8f: {  	_ = 	snop  }
0x90: {  	s18 =	sld [smem:$0x3FD0];
	(tm) =	ssettm $0x1  }
0x91: {  	s19 =	sld [smem:$0x3FFB];
	_ =	sdelay $0x3  }
0x92: {  	_ =	strace s19  }
0x93: {  	s2 =	sld [smem:$0x3FFC];
	_ =	sdelay $0x3  }
0x94: {  	_ =	strace s2  }
0x95: {  	s2 =	sld [smem:$0x3FFD];
	_ =	sdelay $0x3  }
0x96: {  	_ =	strace s2  }
0x97: {  	_ =	strace $0x8FFFFFFF  }
0x98: {  	s20 =	sld [smem:$0x3FDB];
	_ =	sdelay $0x1  }
0x99: {  	s4 =	simm.s32 $_scs_section_size  }
0x9a: {  	s5 =	simm.s32 $_size__tile_overlayer_lowered;
	s6 =	simm.s32 $_tile_overlayer_lowered  }
0x9b: {  	s7 =	simm.s32 $0x1BFF;
	s21 =	sshll.u32 s6, $0x1;
	s4 =	sadd.s32 s4, s20  }
0x9c: {  	s22 =	simm.s32 $0x0;
	s5 =	sshll.u32 s5, $0x1;
	s6 =	sadd.s32 s21, s4  }
0x9d: {  	[timem:s22], [sflag:s7] =	dma.local [hbm:s6], s5  }
0x9e: {  	_ =	swait.ge [sflag:s7], s5  }
0x9f: {  	s5 =	ssub.s32 $0x0, s5;
	[sflag:s7] =	ssyncset.done $0x0  }
0xa0: {  	[sflag:s7] =	ssyncadd.s32 s5;
	_ =	sdelay $0x1  }
0xa1: {  	s23 =	simm.s32 $0x1B8B  }
0xa2: {  	_ =	swait.ge [sflag:s23], $0x1  }
0xa3: {  	[sflag:s23] =	ssyncset.done $0x0  }
0xa4: {  	[sflag:s23] =	ssyncadd.s32 $0xFFFFFFFF  }
0xa5: {  	s5 =	sld [smem:$0x0]  }
0xa6: {  	s6 =	sand.u32 $0xFFFFFFFE, s1  }
0xa7: {  	p0 =	sne.s32 s1, s6  }
0xa8: {  	s6 =	sshll.u32 @p0 s6, $0xE  }
0xa9: {  	s6 =	sadd.s32 @p0 $0x11B8D, s6;
	s7 =	sshll.u32 @p0 s5, $0x11  }
0xaa: {  	s6 =	sor.u32 @p0 s7, s6  }
0xab: {  	[sflag:s6] =	ssyncadd.remote.s32 @p0 $0x1;
	_ =	sdelay $0x1  }
0xac: {  	s6 =	simm.s32 @p0 $0x1B8D  }
0xad: {  	_ =	swait.eq @p0 [sflag:s6], $0x1  }
0xae: {  	[sflag:s6] =	ssyncadd.s32 @p0 $0xFFFFFFFF  }
0xaf: {  	s7 =	sshll.u32 @!p0 s1, $0xE  }
0xb0: {  	s7 =	sor.u32 @!p0 $0x4000, s7;
	s6 =	simm.s32 @!p0 $0x1B8D  }
0xb1: {  	s5 =	sshll.u32 @!p0 s5, $0x11;
	s7 =	sadd.s32 @!p0 $0x11B8D, s7;
	_ =	swait.eq @!p0 [sflag:s6], $0x1  }
0xb2: {  	s5 =	sor.u32 @!p0 s5, s7;
	[sflag:s6] =	ssyncadd.s32 @!p0 $0xFFFFFFFF  }
0xb3: {  	s25 =	simm.s32 $0x1B8E;
	s24 =	sld [smem:$0x3FFE];
	[sflag:s5] =	ssyncadd.remote.s32 @!p0 $0x1  }
0xb4: {  	s26 =	simm.s32 $execute0_lowered;
	[smem:$0x3FD2] =	sst s25  }
0xb5: {  	s6 =	sshll.u32 s26, $0x1;
	_ =	strace $0x80000049;
	[dreg:$0x1] =	wrdreg $0xFFFFFFFF  }
0xb6: {  	s28 =	simm.s32 $_size_execute0_lowered;
	s4 =	sadd.s32 s4, s6;
	[dreg:$0x0] =	wrdreg $0x0  }
0xb7: {  	s6 =	sshll.u32 s28, $0x1;
	[dreg:$0x2] =	wrdreg s4  }
0xb8: {  	[dreg:$0x3] =	wrdreg s6  }
0xb9: {  	[dreg:$0x4] =	wrdreg $0xC0  }
0xba: {  	_ =	task [dreg:s22], $0x5FFFF  }
0xbb: {  	[dreg:$0x1] =	wrdreg $0xFFFFFFFF  }
0xbc: {  	[dreg:$0x0] =	wrdreg $0x60  }
0xbd: {  	[dreg:$0x2] =	wrdreg s18  }
0xbe: {  	[dreg:$0x3] =	wrdreg s24  }
0xbf: {  	[dreg:$0x4] =	wrdreg $0xA  }
0xc0: {  	_ =	task.clear_ibuf [dreg:s22], $0x5FFFF;
	_ =	strace $0x90000049  }
0xc1: {  	s29 =	simm.s32 $0xA;
	_ =	strace $0x8000004B  }
0xc2: {  	_ =	swait.ge [sflag:s29], $0x1  }
0xc3: {  	[sflag:s29] =	ssyncadd.s32 $0xFFFFFFFF  }
0xc4: {  	_ =	strace $0x9000004B  }
0xc5: {  	_ =	sfence  }
0xc6: {  	s30 =	sld [smem:$0x0];
	_ =	sdelay $0x2  }
0xc7: {  	s31 =	sshll.u32 s1, $0xD;
	s1 =	sshrl.u32 s1, $0x2  }
0xc8: {  	s4 =	sand.u32 $0x4000, s31;
	s1 =	sadd.s32 s1, s30  }
0xc9: {  	s0 =	sor.u32 s4, s0;
	s1 =	sshll.u32 s1, $0x11  }
0xca: {  	s0 =	sor.u32 s1, s0  }
0xcb: {  	s0 =	sadd.s32 $0x8F2B, s0  }
0xcc: {  	[sflag:s0] =	ssyncadd.remote.s32 $0x1  }
0xcd: {  	_ =	sfence.sel $0xFFFF  }
0xce: {  	[dreg:$0x0] =	wrdreg $0xFFFFFFFF;
	(pc) =	sbr.abs _section_cstart, $3  }
0xcf: {  	[dreg:$0x1] =	wrdreg $0xFFFFFFFF  }
0xd0: {  	_ =	task.clear_ibuf [dreg:s22], $0x2FFFF;
	_ =	strace $0x9FFFFFFF  }
0xd1: {  	(tm) =	ssettm $0x7FFFFFFF  }
tec
execute0_lowered:
.L_overlay_start_1:
0x0: {  	(tag) =	ssettag $0x1  }
0x1: {  	s1 =	srdreg.scid  }
0x2: {  	s2 =	rddreg [dreg:$0x0];
	s0 =	stileid.u32;
	s14 =	sand.u32 $0x1, s1  }
0x3: {  	s8 =	rddreg [dreg:$0x1];
	s4 =	sshll.u32 s0, $0xC;
	s5 =	sshll.u32 s14, $0xB  }
0x4: {  	s3 =	simm.s32 $0x0;
	s1 =	rddreg [dreg:$0x2];
	s13 =	sor.u32 s5, s4  }
0x5: {  	[smem:$0x7FF] =	sst s3;
	s15 =	sadd.s32 $0x114800, s8;
	s4 =	sshrl.u32 s13, $0x3  }
0x6: {  	_ =	strace $0x8000004A;
	s5 =	sadd.s32 s15, s4;
	s4 =	simm.s32 $0x2  }
0x7: {  	[tilespmem:s3], [sflag:$0x2] =	stream.linear.gather [hbm4b:s5+s3], $0x200, $0x38;
	[tilespmem:$0x10200] =	vst v63  }
0x8: {  	_ =	swait.ge [sflag:s4], $0x200  }
0x9: {  	[sflag:s4] =	ssyncset.done $0x0  }
0xa: {  	s6 =	simm.s32 $0x200;
	s7 =	simm.s32 $0x1;
	[sflag:s4] =	ssyncadd.s32 $0xFFFFFE00  }
0xb: {  	[tilespmem:s6], [sflag:$0x1] =	stream.indirect.gather [hbm4b:s2+s6], $0x80, s3, s6, $0xb8;
	[tilespmem:$0x10200] =	vst v63  }
0xc: {  	_ =	swait.ge [sflag:s7], $0x10000  }
0xd: {  	s16 =	sadd.s32 $0x116800, s8;
	s29 =	sshll.u32 s13, $0x4;
	[sflag:s7] =	ssyncset.done $0x0  }
0xe: {  	s8 =	sadd.s32 s16, s29;
	[sflag:s7] =	ssyncadd.s32 $0xFFFF0000  }
0xf: {  	[hbm4b:s8+s3] =	stream.linear.scatter [tilespmem:s6], [sflag:$0x2], $0x10000, $0x38;
	[tilespmem:$0x10200] =	vst v63  }
0x10: {  	s10 =	sor.u32 $0x200, s13;
	_ =	swait.ge [sflag:s4], $0x10000  }
0x11: {  	s9 =	sshrl.u32 s10, $0x3;
	[sflag:s4] =	ssyncset.done $0x0  }
0x12: {  	s9 =	sadd.s32 s15, s9;
	[sflag:s4] =	ssyncadd.s32 $0xFFFF0000  }
0x13: {  	[tilespmem:s3], [sflag:$0x2] =	stream.linear.gather [hbm4b:s9+s3], $0x200, $0x38;
	[tilespmem:$0x10200] =	vst v63  }
0x14: {  	_ =	swait.ge [sflag:s4], $0x200  }
0x15: {  	[sflag:s4] =	ssyncset.done $0x0  }
0x16: {  	[sflag:s4] =	ssyncadd.s32 $0xFFFFFE00  }
0x17: {  	[tilespmem:s6], [sflag:$0x1] =	stream.indirect.gather [hbm4b:s2+s6], $0x80, s3, s6, $0xb8;
	[tilespmem:$0x10200] =	vst v63  }
0x18: {  	_ =	swait.ge [sflag:s7], $0x10000  }
0x19: {  	s10 =	sshll.u32 s10, $0x4;
	[sflag:s7] =	ssyncset.done $0x0  }
0x1a: {  	s10 =	sadd.s32 s16, s10;
	[sflag:s7] =	ssyncadd.s32 $0xFFFF0000  }
0x1b: {  	[hbm4b:s10+s3] =	stream.linear.scatter [tilespmem:s6], [sflag:$0x2], $0x10000, $0x38;
	[tilespmem:$0x10200] =	vst v63  }
0x1c: {  	s12 =	sor.u32 $0x400, s13;
	_ =	swait.ge [sflag:s4], $0x10000  }
0x1d: {  	s11 =	sshrl.u32 s12, $0x3;
	[sflag:s4] =	ssyncset.done $0x0  }
0x1e: {  	s11 =	sadd.s32 s15, s11;
	[sflag:s4] =	ssyncadd.s32 $0xFFFF0000  }
0x1f: {  	[tilespmem:s3], [sflag:$0x2] =	stream.linear.gather [hbm4b:s11+s3], $0x200, $0x38;
	[tilespmem:$0x10200] =	vst v63  }
0x20: {  	_ =	swait.ge [sflag:s4], $0x200  }
0x21: {  	[sflag:s4] =	ssyncset.done $0x0  }
0x22: {  	[sflag:s4] =	ssyncadd.s32 $0xFFFFFE00  }
0x23: {  	[tilespmem:s6], [sflag:$0x1] =	stream.indirect.gather [hbm4b:s2+s6], $0x80, s3, s6, $0xb8;
	[tilespmem:$0x10200] =	vst v63  }
0x24: {  	_ =	swait.ge [sflag:s7], $0x10000  }
0x25: {  	s12 =	sshll.u32 s12, $0x4;
	[sflag:s7] =	ssyncset.done $0x0  }
0x26: {  	s12 =	sadd.s32 s16, s12;
	[sflag:s7] =	ssyncadd.s32 $0xFFFF0000  }
0x27: {  	[hbm4b:s12+s3] =	stream.linear.scatter [tilespmem:s6], [sflag:$0x2], $0x10000, $0x38;
	[tilespmem:$0x10200] =	vst v63  }
0x28: {  	s17 =	sor.u32 $0x600, s13;
	_ =	swait.ge [sflag:s4], $0x10000  }
0x29: {  	s13 =	sshrl.u32 s17, $0x3;
	[sflag:s4] =	ssyncset.done $0x0  }
0x2a: {  	s14 =	ssub.s32 $0x2, s14;
	s13 =	sadd.s32 s15, s13;
	[sflag:s4] =	ssyncadd.s32 $0xFFFF0000  }
0x2b: {  	[tilespmem:s3], [sflag:$0x2] =	stream.linear.gather [hbm4b:s13+s3], $0x200, $0x38;
	[tilespmem:$0x10200] =	vst v63  }
0x2c: {  	s30 =	sshrl.u32 s14, $0x1;
	_ =	swait.ge [sflag:s4], $0x200  }
0x2d: {  	s15 =	ssub.s32 s14, s30;
	[sflag:s4] =	ssyncset.done $0x0  }
0x2e: {  	s15 =	smax.u32 s15, $0x1;
	[sflag:s4] =	ssyncadd.s32 $0xFFFFFE00  }
0x2f: {  	[tilespmem:s6], [sflag:$0x1] =	stream.indirect.gather [hbm4b:s2+s6], $0x80, s3, s6, $0xb8;
	[tilespmem:$0x10200] =	vst v63  }
0x30: {  	p0 =	sne.s32 s15, $0x1;
	_ =	swait.ge [sflag:s7], $0x10000  }
.Ltmp0:
0x31: {  	s31 =	sshll.u32 s17, $0x4;
	[sflag:s7] =	ssyncset.done $0x0;
	(pc) =	sbr.rel @!p0 .LBB2_2-.Ltmp0, $4  }
0x32: {  	s14 =	sadd.s32 s16, s31;
	[sflag:s7] =	ssyncadd.s32 $0xFFFF0000  }
0x33: {  	[hbm4b:s14+s3] =	stream.linear.scatter [tilespmem:s6], [sflag:$0x2], $0x10000, $0x38;
	[tilespmem:$0x10200] =	vst v63  }
0x34: {  	_ =	swait.ge [sflag:s4], $0x10000  }
0x35: {  	s15 =	sadd.s32 $0xFFFFFFFF, s15;
	[sflag:s4] =	ssyncset.done $0x0  }
.LBB2_1:
0x36: {  	p0 =	sne.s32 s15, $0x1;
	s15 =	sadd.s32 $0xFFFFFFFF, s15;
	[sflag:s4] =	ssyncadd.s32 $0xFFFF0000  }
0x37: {  	[tilespmem:s3], [sflag:$0x2] =	stream.linear.gather [hbm4b:s5+s3], $0x200, $0x38;
	[tilespmem:$0x10200] =	vst v63  }
0x38: {  	_ =	swait.ge [sflag:s4], $0x200  }
0x39: {  	[sflag:s4] =	ssyncset.done $0x0  }
0x3a: {  	[sflag:s4] =	ssyncadd.s32 $0xFFFFFE00  }
0x3b: {  	[tilespmem:s6], [sflag:$0x1] =	stream.indirect.gather [hbm4b:s2+s6], $0x80, s3, s6, $0xb8;
	[tilespmem:$0x10200] =	vst v63  }
0x3c: {  	_ =	swait.ge [sflag:s7], $0x10000  }
0x3d: {  	[sflag:s7] =	ssyncset.done $0x0  }
0x3e: {  	[sflag:s7] =	ssyncadd.s32 $0xFFFF0000  }
0x3f: {  	[hbm4b:s8+s3] =	stream.linear.scatter [tilespmem:s6], [sflag:$0x2], $0x10000, $0x38;
	[tilespmem:$0x10200] =	vst v63  }
0x40: {  	_ =	swait.ge [sflag:s4], $0x10000  }
0x41: {  	[sflag:s4] =	ssyncset.done $0x0  }
0x42: {  	[sflag:s4] =	ssyncadd.s32 $0xFFFF0000  }
0x43: {  	[tilespmem:s3], [sflag:$0x2] =	stream.linear.gather [hbm4b:s9+s3], $0x200, $0x38;
	[tilespmem:$0x10200] =	vst v63  }
0x44: {  	_ =	swait.ge [sflag:s4], $0x200  }
0x45: {  	[sflag:s4] =	ssyncset.done $0x0  }
0x46: {  	[sflag:s4] =	ssyncadd.s32 $0xFFFFFE00  }
0x47: {  	[tilespmem:s6], [sflag:$0x1] =	stream.indirect.gather [hbm4b:s2+s6], $0x80, s3, s6, $0xb8;
	[tilespmem:$0x10200] =	vst v63  }
0x48: {  	_ =	swait.ge [sflag:s7], $0x10000  }
0x49: {  	[sflag:s7] =	ssyncset.done $0x0  }
0x4a: {  	[sflag:s7] =	ssyncadd.s32 $0xFFFF0000  }
0x4b: {  	[hbm4b:s10+s3] =	stream.linear.scatter [tilespmem:s6], [sflag:$0x2], $0x10000, $0x38;
	[tilespmem:$0x10200] =	vst v63  }
0x4c: {  	_ =	swait.ge [sflag:s4], $0x10000  }
0x4d: {  	[sflag:s4] =	ssyncset.done $0x0  }
0x4e: {  	[sflag:s4] =	ssyncadd.s32 $0xFFFF0000  }
0x4f: {  	[tilespmem:s3], [sflag:$0x2] =	stream.linear.gather [hbm4b:s11+s3], $0x200, $0x38;
	[tilespmem:$0x10200] =	vst v63  }
0x50: {  	_ =	swait.ge [sflag:s4], $0x200  }
0x51: {  	[sflag:s4] =	ssyncset.done $0x0  }
0x52: {  	[sflag:s4] =	ssyncadd.s32 $0xFFFFFE00  }
0x53: {  	[tilespmem:s6], [sflag:$0x1] =	stream.indirect.gather [hbm4b:s2+s6], $0x80, s3, s6, $0xb8;
	[tilespmem:$0x10200] =	vst v63  }
0x54: {  	_ =	swait.ge [sflag:s7], $0x10000  }
0x55: {  	[sflag:s7] =	ssyncset.done $0x0  }
0x56: {  	[sflag:s7] =	ssyncadd.s32 $0xFFFF0000  }
0x57: {  	[hbm4b:s12+s3] =	stream.linear.scatter [tilespmem:s6], [sflag:$0x2], $0x10000, $0x38;
	[tilespmem:$0x10200] =	vst v63  }
0x58: {  	_ =	swait.ge [sflag:s4], $0x10000  }
0x59: {  	[sflag:s4] =	ssyncset.done $0x0  }
0x5a: {  	[sflag:s4] =	ssyncadd.s32 $0xFFFF0000  }
0x5b: {  	[tilespmem:s3], [sflag:$0x2] =	stream.linear.gather [hbm4b:s13+s3], $0x200, $0x38;
	[tilespmem:$0x10200] =	vst v63  }
0x5c: {  	_ =	swait.ge [sflag:s4], $0x200  }
0x5d: {  	[sflag:s4] =	ssyncset.done $0x0  }
0x5e: {  	[sflag:s4] =	ssyncadd.s32 $0xFFFFFE00  }
0x5f: {  	[tilespmem:s6], [sflag:$0x1] =	stream.indirect.gather [hbm4b:s2+s6], $0x80, s3, s6, $0xb8;
	[tilespmem:$0x10200] =	vst v63  }
0x60: {  	_ =	swait.ge [sflag:s7], $0x10000  }
.Ltmp1:
0x61: {  	[sflag:s7] =	ssyncset.done $0x0;
	(pc) =	sbr.rel @p0 .LBB2_1-.Ltmp1, $4  }
0x62: {  	[sflag:s7] =	ssyncadd.s32 $0xFFFF0000  }
0x63: {  	[hbm4b:s14+s3] =	stream.linear.scatter [tilespmem:s6], [sflag:$0x2], $0x10000, $0x38;
	[tilespmem:$0x10200] =	vst v63  }
0x64: {  	_ =	swait.ge [sflag:s4], $0x10000  }
0x65: {  	[sflag:s4] =	ssyncset.done $0x0  }
.LBB2_2:
0x66: {  	[sflag:s4] =	ssyncadd.s32 $0xFFFF0000  }
0x67: {  	_ =	sfence.sel $0x180000  }
0x68: {  	[bflag:$0x0] =	sbarrier.arrive $0xFFFF  }
0x69: {  	p0 =	sne.s32 s0, $0x0;
	_ =	strace $0x9000004A  }
0x6a: {  	s0 =	sadd.s32 @!p0 $0x100000, s1;
	[bflag:$0x2] =	sbarrier.arrive $0xFFFF  }
0x6b: {  	[sflag:s0] =	ssyncadd.tile.s32 @!p0 $0x1;
	_ =	shalt  }
.Lfunc_end2:
_tile_overlayer_lowered:
.L_overlay_start_2:
0x6c: {  	(tag) =	ssettag $0x2  }
0x6d: {  	s0 =	rddreg [dreg:$0x0];
	s2 =	stileid.u32  }
0x6e: {  	s1 =	rddreg [dreg:$0x1];
	p0 =	sne.s32 s2, $0x0  }
0x6f: {  	s3 =	rddreg [dreg:$0x2];
	[bflag:$0x3] =	sbarrier.arrive $0xFFFF;
	s2 =	simm.s32 @!p0 $0x1C02  }
0x70: {  	[timem:s3], [sflag:s2] =	dma.local @!p0 [hbm:s0], s1  }
0x71: {  	s0 =	simm.s32 @!p0 $0x2  }
0x72: {  	_ =	swait.ge @!p0 [sflag:s0], s1  }
0x73: {  	s1 =	ssub.s32 @!p0 $0x0, s1;
	[sflag:s0] =	ssyncset.done @!p0 $0x0  }
0x74: {  	[sflag:s0] =	ssyncadd.s32 @!p0 s1  }
0x75: {  	[bflag:$0x3] =	sbarrier.arrive $0xFFFF  }
0x76: {  	_ =	shalt  }

// kernel: kernel.8.cloned.1.call-start
scs
__scs_entry_jumppad:
0x0: {  	(pc) =	sbr.rel $0x88, $3  }
0x1: {  	(tag) =	ssettag $0x0;
	lr =	simm.s32 $0x1  }
0x2: {  	[smem:$0x3F97] =	sst lr;
	_ =	strace $0xD0000000  }
0x3: {  	_ = 	snop  }
0x4: {  	_ = 	snop  }
0x5: {  	_ = 	snop  }
0x6: {  	_ = 	snop  }
0x7: {  	_ = 	snop  }
__scs_overlays_trampoline_lowered:
0x8: {  	[smem:$0x3FA6] =	sst s0  }
0x9: {  	[smem:$0x3FA7] =	sst s1  }
0xa: {  	[smem:$0x3FA8] =	sst s2  }
0xb: {  	[smem:$0x3FA9] =	sst s3  }
0xc: {  	[smem:$0x3FAA] =	sst s4  }
0xd: {  	[smem:$0x3FAB] =	sst s5  }
0xe: {  	[smem:$0x3FAC] =	sst s6  }
0xf: {  	[smem:$0x3FAD] =	sst s7  }
0x10: {  	[smem:$0x3FAE] =	sst s8  }
0x11: {  	[smem:$0x3FAF] =	sst s9;
	s0 =	simm.s32 @!p0 $0x0  }
0x12: {  	s1 =	sld [smem:$0x3F95];
	s0 =	simm.s32 @p0 $0x1  }
0x13: {  	[smem:$0x3FB0] =	sst s0;
	s0 =	simm.s32 @!p1 $0x0  }
0x14: {  	s2 =	sld [smem:$0x3F94];
	s0 =	simm.s32 @p1 $0x1  }
0x15: {  	[smem:$0x3FB1] =	sst s0;
	s0 =	simm.s32 @!p2 $0x0  }
0x16: {  	s3 =	sld [smem:$0x3FDB];
	s0 =	simm.s32 @p2 $0x1  }
0x17: {  	s4 =	simm.s32 $0x1BF5;
	[smem:$0x3FB3] =	sst s0  }
0x18: {  	s0 =	sld [smem:$0x3F96];
	_ =	swait.ge [sflag:s4], $0x0  }
0x19: {  	s7 =	sld [smem:$0x3F97]  }
0x1a: {  	s8 =	sadd.s32 $0xFFFFE003, lr  }
0x1b: {  	s9 =	sadd.s32 $0xFFFFFEF7, lr;
	s5 =	simm.s32 $0xFFFFFFFF;
	p2 =	slt.u32 s8, $0xFFFFF086  }
0x1c: {  	p1 =	slt.u32 s9, $0xF7A;
	s5 =	simm.s32 @!p2 $0x0  }
0x1d: {  	s5 =	simm.s32 @p1 $0x1;
	p0 =	seq.s32 s7, s2  }
0x1e: {  	s7 =	smul.u32 @!p0 $0xF7A, s2;
	p2 =	seq.s32 @!p0 s5, $0x0  }
0x1f: {  	s9 =	smul.u32 $0xF7A, s1;
	s8 =	simm.s32 @!p0 $0x1BF5;
	p2 =	por !p2, p0  }
0x20: {  	[sflag:s8] =	ssyncset.s32 @!p0 $0xFFFFF086;
	s6 =	sadd.s32 @!p0 s3, s7;
	s7 =	simm.s32 @!p0 $0x108  }
0x21: {  	s3 =	sadd.s32 s3, s9;
	s6 =	sadd.s32 @!p0 $0x88, s6;
	s7 =	simm.s32 @p2 $0x1082  }
0x22: {  	[simem:s7], [sflag:s8] =	dma.local @!p0 [hbm:s6], $0xF7A  }
0x23: {  	s9 =	sor.u32 $0xD0000000, s2;
	s6 =	simm.s32 $0x108;
	_ =	swait.ge @!p0 [sflag:s8], $0x0  }
0x24: {  	s3 =	sadd.s32 $0x88, s3;
	s6 =	simm.s32 @!p1 $0x1082;
	[sflag:s4] =	ssyncset.s32 $0xFFFFF086  }
0x25: {  	[simem:s6], [sflag:s4] =	dma.local [hbm:s3], $0xF7A  }
0x26: {  	[smem:$0x3F97] =	sst s1;
	(tag) =	ssettag s2;
	_ =	strace s9  }
0x27: {  	s1 =	sld [smem:$0x3FA7]  }
0x28: {  	s2 =	sld [smem:$0x3FA8]  }
0x29: {  	s4 =	sld [smem:$0x3FAA]  }
0x2a: {  	p0 =	seq.s32 s5, $0x0;
	s5 =	sld [smem:$0x3FAB]  }
0x2b: {  	s6 =	sld [smem:$0x3FAC]  }
0x2c: {  	s7 =	sld [smem:$0x3FAD]  }
0x2d: {  	s3 =	simm.s32 $0x108;
	s8 =	sld [smem:$0x3FAE]  }
0x2e: {  	s3 =	simm.s32 @!p0 $0x1082;
	s9 =	sld [smem:$0x3FAF]  }
0x2f: {  	lr =	sadd.s32 s0, s3;
	s0 =	sld [smem:$0x3FA6]  }
0x30: {  	s3 =	sld [smem:$0x3FA9]  }
0x31: {  	[smem:$0x3FB2] =	sst s10  }
0x32: {  	s10 =	sld [smem:$0x3FB0];
	_ =	sdelay $0x3  }
0x33: {  	p0 =	seq.s32 s10, $0x1;
	s10 =	sld [smem:$0x3FB2];
	_ =	sdelay $0x3  }
0x34: {  	[smem:$0x3FB2] =	sst s10  }
0x35: {  	s10 =	sld [smem:$0x3FB1];
	_ =	sdelay $0x3  }
0x36: {  	p1 =	seq.s32 s10, $0x1;
	s10 =	sld [smem:$0x3FB2];
	_ =	sdelay $0x3  }
0x37: {  	[smem:$0x3FB2] =	sst s10  }
0x38: {  	s10 =	sld [smem:$0x3FB3]  }
0x39: {  	_ = 	snop;
	(pc) =	sbr.ind lr, $3  }
0x3a: {  	_ = 	snop  }
0x3b: {  	_ = 	snop  }
0x3c: {  	p2 =	seq.s32 s10, $0x1;
	s10 =	sld [smem:$0x3FB2]  }
0x3d: {  	_ =	shalt  }
0x3e: {  	_ =	shalt  }
0x3f: {  	_ =	shalt  }
0x40: {  	_ =	shalt  }
0x41: {  	_ =	shalt  }
0x42: {  	_ =	shalt  }
0x43: {  	_ =	shalt  }
0x44: {  	_ =	shalt  }
0x45: {  	_ =	shalt  }
0x46: {  	_ =	shalt  }
0x47: {  	_ =	shalt  }
0x48: {  	_ =	shalt  }
0x49: {  	_ =	shalt  }
0x4a: {  	_ =	shalt  }
0x4b: {  	_ =	shalt  }
0x4c: {  	_ =	shalt  }
0x4d: {  	_ =	shalt  }
0x4e: {  	_ =	shalt  }
0x4f: {  	_ =	shalt  }
0x50: {  	_ =	shalt  }
0x51: {  	_ =	shalt  }
0x52: {  	_ =	shalt  }
0x53: {  	_ =	shalt  }
0x54: {  	_ =	shalt  }
0x55: {  	_ =	shalt  }
0x56: {  	_ =	shalt  }
0x57: {  	_ =	shalt  }
0x58: {  	_ =	shalt  }
0x59: {  	_ =	shalt  }
0x5a: {  	_ =	shalt  }
0x5b: {  	_ =	shalt  }
0x5c: {  	_ =	shalt  }
0x5d: {  	_ =	shalt  }
0x5e: {  	_ =	shalt  }
0x5f: {  	_ =	shalt  }
0x60: {  	_ =	shalt  }
0x61: {  	_ =	shalt  }
0x62: {  	_ =	shalt  }
0x63: {  	_ =	shalt  }
0x64: {  	_ =	shalt  }
0x65: {  	_ =	shalt  }
0x66: {  	_ =	shalt  }
0x67: {  	_ =	shalt  }
0x68: {  	_ =	shalt  }
0x69: {  	_ =	shalt  }
0x6a: {  	_ =	shalt  }
0x6b: {  	_ =	shalt  }
0x6c: {  	_ =	shalt  }
0x6d: {  	_ =	shalt  }
0x6e: {  	_ =	shalt  }
0x6f: {  	_ =	shalt  }
0x70: {  	_ =	shalt  }
0x71: {  	_ =	shalt  }
0x72: {  	_ =	shalt  }
0x73: {  	_ =	shalt  }
0x74: {  	_ =	shalt  }
0x75: {  	_ =	shalt  }
0x76: {  	_ =	shalt  }
0x77: {  	_ =	shalt  }
0x78: {  	_ =	shalt  }
0x79: {  	_ =	shalt  }
0x7a: {  	_ =	shalt  }
0x7b: {  	_ =	shalt  }
0x7c: {  	_ =	shalt  }
0x7d: {  	_ =	shalt  }
0x7e: {  	_ =	shalt  }
0x7f: {  	_ =	shalt  }
0x80: {  	_ =	shalt  }
0x81: {  	_ =	shalt  }
0x82: {  	_ =	shalt  }
0x83: {  	_ =	shalt  }
0x84: {  	_ =	shalt  }
0x85: {  	_ =	shalt  }
0x86: {  	_ =	shalt  }
0x87: {  	_ =	shalt  }
.Lfunc_end0:
.L_simem_size_0:
called_computation_lowered:
.L_overlay_start_0:
0x88: {  	s2 =	sld [smem:$0x3FD9]  }
0x89: {  	s3 =	sld [smem:$0x3FFE];
	_ =	sdelay $0x1  }
0x8a: {  	s1 =	srdreg.scid  }
0x8b: {  	s0 =	sand.u32 $0x1, s1  }
0x8c: {  	s16 =	sshll.u32 s0, $0xA;
	s2 =	sadd.s32 s3, s2  }
0x8d: {  	s2 =	sadd.s32 s2, s16  }
0x8e: {  	[smem:$0x3FBE] =	sst s2  }
0x8f: {  	_ = 	snop  }
0x90: {  	(tm) =	ssettm $0x1  }
0x91: {  	s17 =	sld [smem:$0x3FFB];
	_ =	sdelay $0x3  }
0x92: {  	_ =	strace s17  }
0x93: {  	s2 =	sld [smem:$0x3FFC];
	_ =	sdelay $0x3  }
0x94: {  	_ =	strace s2  }
0x95: {  	s2 =	sld [smem:$0x3FFD];
	_ =	sdelay $0x3  }
0x96: {  	_ =	strace s2  }
0x97: {  	_ =	strace $0x8FFFFFFF  }
0x98: {  	s18 =	sld [smem:$0x3FDB];
	_ =	sdelay $0x1  }
0x99: {  	s19 =	simm.s32 $_scs_section_size  }
0x9a: {  	s4 =	simm.s32 $_size__tile_overlayer_lowered;
	s5 =	simm.s32 $_tile_overlayer_lowered  }
0x9b: {  	s22 =	simm.s32 $0x1BFF;
	s21 =	sshll.u32 s5, $0x1;
	s2 =	sadd.s32 s19, s18  }
0x9c: {  	s6 =	simm.s32 $0x0;
	s20 =	sshll.u32 s4, $0x1;
	s4 =	sadd.s32 s21, s2  }
0x9d: {  	[timem:s6], [sflag:s22] =	dma.local [hbm:s4], s20  }
0x9e: {  	_ =	swait.ge [sflag:s22], s20  }
0x9f: {  	s3 =	ssub.s32 $0x0, s20;
	[sflag:s22] =	ssyncset.done $0x0  }
0xa0: {  	[sflag:s22] =	ssyncadd.s32 s3;
	_ =	sdelay $0x1  }
0xa1: {  	s23 =	simm.s32 $0x1B8B  }
0xa2: {  	_ =	swait.ge [sflag:s23], $0x1  }
0xa3: {  	[sflag:s23] =	ssyncset.done $0x0  }
0xa4: {  	s25 =	simm.s32 $0x1B8E;
	s24 =	sld [smem:$0x3FFE];
	[sflag:s23] =	ssyncadd.s32 $0xFFFFFFFF  }
0xa5: {  	s26 =	simm.s32 $execute0_lowered;
	[smem:$0x3FD2] =	sst s25  }
0xa6: {  	s4 =	sshll.u32 s26, $0x1;
	_ =	strace $0x80000046;
	[dreg:$0x1] =	wrdreg $0xFFFFFFFF  }
0xa7: {  	s28 =	simm.s32 $_size_execute0_lowered;
	s2 =	sadd.s32 s2, s4;
	[dreg:$0x0] =	wrdreg $0x0  }
0xa8: {  	s4 =	sshll.u32 s28, $0x1;
	[dreg:$0x2] =	wrdreg s2  }
0xa9: {  	[dreg:$0x3] =	wrdreg s4  }
0xaa: {  	[dreg:$0x4] =	wrdreg $0xC0  }
0xab: {  	_ =	task [dreg:s6], $0x5FFFF  }
0xac: {  	[dreg:$0x1] =	wrdreg $0xFFFFFFFF  }
0xad: {  	[dreg:$0x0] =	wrdreg $0x60  }
0xae: {  	[dreg:$0x2] =	wrdreg s24  }
0xaf: {  	[dreg:$0x3] =	wrdreg $0x9  }
0xb0: {  	_ =	task.clear_ibuf [dreg:s6], $0x4FFFF;
	_ =	strace $0x90000046  }
0xb1: {  	s29 =	simm.s32 $0x9;
	_ =	strace $0x80000048  }
0xb2: {  	_ =	swait.ge [sflag:s29], $0x1  }
0xb3: {  	[sflag:s29] =	ssyncadd.s32 $0xFFFFFFFF  }
0xb4: {  	_ =	strace $0x90000048  }
0xb5: {  	_ =	sfence  }
0xb6: {  	s30 =	sld [smem:$0x0];
	_ =	sdelay $0x2  }
0xb7: {  	s31 =	sshll.u32 s1, $0xD;
	s1 =	sshrl.u32 s1, $0x2  }
0xb8: {  	s3 =	sand.u32 $0x4000, s31;
	s1 =	sadd.s32 s1, s30  }
0xb9: {  	s0 =	sor.u32 s3, s0;
	s1 =	sshll.u32 s1, $0x11  }
0xba: {  	s0 =	sor.u32 s1, s0  }
0xbb: {  	s0 =	sadd.s32 $0x8F2B, s0  }
0xbc: {  	[sflag:s0] =	ssyncadd.remote.s32 $0x1  }
0xbd: {  	_ =	sfence.sel $0xFFFF  }
0xbe: {  	[dreg:$0x0] =	wrdreg $0xFFFFFFFF;
	(pc) =	sbr.abs _section_cstart, $3  }
0xbf: {  	[dreg:$0x1] =	wrdreg $0xFFFFFFFF  }
0xc0: {  	_ =	task.clear_ibuf [dreg:s6], $0x2FFFF;
	_ =	strace $0x9FFFFFFF  }
0xc1: {  	(tm) =	ssettm $0x7FFFFFFF  }
tec
execute0_lowered:
.L_overlay_start_1:
0x0: {  	(tag) =	ssettag $0x1  }
0x1: {  	s1 =	srdreg.scid  }
0x2: {  	s0 =	stileid.u32;
	s14 =	sand.u32 $0x1, s1  }
0x3: {  	s8 =	rddreg [dreg:$0x0];
	s3 =	sshll.u32 s0, $0xC;
	s4 =	sshll.u32 s14, $0xB  }
0x4: {  	s2 =	simm.s32 $0x0;
	s1 =	rddreg [dreg:$0x1];
	s13 =	sor.u32 s4, s3  }
0x5: {  	[smem:$0x7FF] =	sst s2;
	s15 =	sadd.s32 $0x12800, s8;
	s3 =	sshrl.u32 s13, $0x3  }
0x6: {  	_ =	strace $0x80000047;
	s4 =	sadd.s32 s15, s3;
	s3 =	simm.s32 $0x2  }
0x7: {  	[tilespmem:s2], [sflag:$0x2] =	stream.linear.gather [hbm4b:s4+s2], $0x200, $0x38;
	[tilespmem:$0x10200] =	vst v63  }
0x8: {  	_ =	swait.ge [sflag:s3], $0x200  }
0x9: {  	s6 =	simm.s32 $0x200;
	[sflag:s3] =	ssyncset.done $0x0  }
0xa: {  	s7 =	simm.s32 $0x1;
	s5 =	sadd.s32 $0x2800, s8;
	[sflag:s3] =	ssyncadd.s32 $0xFFFFFE00  }
0xb: {  	[tilespmem:s6], [sflag:$0x1] =	stream.indirect.gather [hbm4b:s5+s6], $0x80, s2, s6, $0xb8;
	[tilespmem:$0x10200] =	vst v63  }
0xc: {  	_ =	swait.ge [sflag:s7], $0x10000  }
0xd: {  	s16 =	sadd.s32 $0x14800, s8;
	s29 =	sshll.u32 s13, $0x4;
	[sflag:s7] =	ssyncset.done $0x0  }
0xe: {  	s8 =	sadd.s32 s16, s29;
	[sflag:s7] =	ssyncadd.s32 $0xFFFF0000  }
0xf: {  	[hbm4b:s8+s2] =	stream.linear.scatter [tilespmem:s6], [sflag:$0x2], $0x10000, $0x38;
	[tilespmem:$0x10200] =	vst v63  }
0x10: {  	s10 =	sor.u32 $0x200, s13;
	_ =	swait.ge [sflag:s3], $0x10000  }
0x11: {  	s9 =	sshrl.u32 s10, $0x3;
	[sflag:s3] =	ssyncset.done $0x0  }
0x12: {  	s9 =	sadd.s32 s15, s9;
	[sflag:s3] =	ssyncadd.s32 $0xFFFF0000  }
0x13: {  	[tilespmem:s2], [sflag:$0x2] =	stream.linear.gather [hbm4b:s9+s2], $0x200, $0x38;
	[tilespmem:$0x10200] =	vst v63  }
0x14: {  	_ =	swait.ge [sflag:s3], $0x200  }
0x15: {  	[sflag:s3] =	ssyncset.done $0x0  }
0x16: {  	[sflag:s3] =	ssyncadd.s32 $0xFFFFFE00  }
0x17: {  	[tilespmem:s6], [sflag:$0x1] =	stream.indirect.gather [hbm4b:s5+s6], $0x80, s2, s6, $0xb8;
	[tilespmem:$0x10200] =	vst v63  }
0x18: {  	_ =	swait.ge [sflag:s7], $0x10000  }
0x19: {  	s10 =	sshll.u32 s10, $0x4;
	[sflag:s7] =	ssyncset.done $0x0  }
0x1a: {  	s10 =	sadd.s32 s16, s10;
	[sflag:s7] =	ssyncadd.s32 $0xFFFF0000  }
0x1b: {  	[hbm4b:s10+s2] =	stream.linear.scatter [tilespmem:s6], [sflag:$0x2], $0x10000, $0x38;
	[tilespmem:$0x10200] =	vst v63  }
0x1c: {  	s12 =	sor.u32 $0x400, s13;
	_ =	swait.ge [sflag:s3], $0x10000  }
0x1d: {  	s11 =	sshrl.u32 s12, $0x3;
	[sflag:s3] =	ssyncset.done $0x0  }
0x1e: {  	s11 =	sadd.s32 s15, s11;
	[sflag:s3] =	ssyncadd.s32 $0xFFFF0000  }
0x1f: {  	[tilespmem:s2], [sflag:$0x2] =	stream.linear.gather [hbm4b:s11+s2], $0x200, $0x38;
	[tilespmem:$0x10200] =	vst v63  }
0x20: {  	_ =	swait.ge [sflag:s3], $0x200  }
0x21: {  	[sflag:s3] =	ssyncset.done $0x0  }
0x22: {  	[sflag:s3] =	ssyncadd.s32 $0xFFFFFE00  }
0x23: {  	[tilespmem:s6], [sflag:$0x1] =	stream.indirect.gather [hbm4b:s5+s6], $0x80, s2, s6, $0xb8;
	[tilespmem:$0x10200] =	vst v63  }
0x24: {  	_ =	swait.ge [sflag:s7], $0x10000  }
0x25: {  	s12 =	sshll.u32 s12, $0x4;
	[sflag:s7] =	ssyncset.done $0x0  }
0x26: {  	s12 =	sadd.s32 s16, s12;
	[sflag:s7] =	ssyncadd.s32 $0xFFFF0000  }
0x27: {  	[hbm4b:s12+s2] =	stream.linear.scatter [tilespmem:s6], [sflag:$0x2], $0x10000, $0x38;
	[tilespmem:$0x10200] =	vst v63  }
0x28: {  	s17 =	sor.u32 $0x600, s13;
	_ =	swait.ge [sflag:s3], $0x10000  }
0x29: {  	s13 =	sshrl.u32 s17, $0x3;
	[sflag:s3] =	ssyncset.done $0x0  }
0x2a: {  	s14 =	ssub.s32 $0x2, s14;
	s13 =	sadd.s32 s15, s13;
	[sflag:s3] =	ssyncadd.s32 $0xFFFF0000  }
0x2b: {  	[tilespmem:s2], [sflag:$0x2] =	stream.linear.gather [hbm4b:s13+s2], $0x200, $0x38;
	[tilespmem:$0x10200] =	vst v63  }
0x2c: {  	s30 =	sshrl.u32 s14, $0x1;
	_ =	swait.ge [sflag:s3], $0x200  }
0x2d: {  	s15 =	ssub.s32 s14, s30;
	[sflag:s3] =	ssyncset.done $0x0  }
0x2e: {  	s15 =	smax.u32 s15, $0x1;
	[sflag:s3] =	ssyncadd.s32 $0xFFFFFE00  }
0x2f: {  	[tilespmem:s6], [sflag:$0x1] =	stream.indirect.gather [hbm4b:s5+s6], $0x80, s2, s6, $0xb8;
	[tilespmem:$0x10200] =	vst v63  }
0x30: {  	p0 =	sne.s32 s15, $0x1;
	_ =	swait.ge [sflag:s7], $0x10000  }
.Ltmp0:
0x31: {  	s31 =	sshll.u32 s17, $0x4;
	[sflag:s7] =	ssyncset.done $0x0;
	(pc) =	sbr.rel @!p0 .LBB2_2-.Ltmp0, $4  }
0x32: {  	s14 =	sadd.s32 s16, s31;
	[sflag:s7] =	ssyncadd.s32 $0xFFFF0000  }
0x33: {  	[hbm4b:s14+s2] =	stream.linear.scatter [tilespmem:s6], [sflag:$0x2], $0x10000, $0x38;
	[tilespmem:$0x10200] =	vst v63  }
0x34: {  	_ =	swait.ge [sflag:s3], $0x10000  }
0x35: {  	s15 =	sadd.s32 $0xFFFFFFFF, s15;
	[sflag:s3] =	ssyncset.done $0x0  }
.LBB2_1:
0x36: {  	p0 =	sne.s32 s15, $0x1;
	s15 =	sadd.s32 $0xFFFFFFFF, s15;
	[sflag:s3] =	ssyncadd.s32 $0xFFFF0000  }
0x37: {  	[tilespmem:s2], [sflag:$0x2] =	stream.linear.gather [hbm4b:s4+s2], $0x200, $0x38;
	[tilespmem:$0x10200] =	vst v63  }
0x38: {  	_ =	swait.ge [sflag:s3], $0x200  }
0x39: {  	[sflag:s3] =	ssyncset.done $0x0  }
0x3a: {  	[sflag:s3] =	ssyncadd.s32 $0xFFFFFE00  }
0x3b: {  	[tilespmem:s6], [sflag:$0x1] =	stream.indirect.gather [hbm4b:s5+s6], $0x80, s2, s6, $0xb8;
	[tilespmem:$0x10200] =	vst v63  }
0x3c: {  	_ =	swait.ge [sflag:s7], $0x10000  }
0x3d: {  	[sflag:s7] =	ssyncset.done $0x0  }
0x3e: {  	[sflag:s7] =	ssyncadd.s32 $0xFFFF0000  }
0x3f: {  	[hbm4b:s8+s2] =	stream.linear.scatter [tilespmem:s6], [sflag:$0x2], $0x10000, $0x38;
	[tilespmem:$0x10200] =	vst v63  }
0x40: {  	_ =	swait.ge [sflag:s3], $0x10000  }
0x41: {  	[sflag:s3] =	ssyncset.done $0x0  }
0x42: {  	[sflag:s3] =	ssyncadd.s32 $0xFFFF0000  }
0x43: {  	[tilespmem:s2], [sflag:$0x2] =	stream.linear.gather [hbm4b:s9+s2], $0x200, $0x38;
	[tilespmem:$0x10200] =	vst v63  }
0x44: {  	_ =	swait.ge [sflag:s3], $0x200  }
0x45: {  	[sflag:s3] =	ssyncset.done $0x0  }
0x46: {  	[sflag:s3] =	ssyncadd.s32 $0xFFFFFE00  }
0x47: {  	[tilespmem:s6], [sflag:$0x1] =	stream.indirect.gather [hbm4b:s5+s6], $0x80, s2, s6, $0xb8;
	[tilespmem:$0x10200] =	vst v63  }
0x48: {  	_ =	swait.ge [sflag:s7], $0x10000  }
0x49: {  	[sflag:s7] =	ssyncset.done $0x0  }
0x4a: {  	[sflag:s7] =	ssyncadd.s32 $0xFFFF0000  }
0x4b: {  	[hbm4b:s10+s2] =	stream.linear.scatter [tilespmem:s6], [sflag:$0x2], $0x10000, $0x38;
	[tilespmem:$0x10200] =	vst v63  }
0x4c: {  	_ =	swait.ge [sflag:s3], $0x10000  }
0x4d: {  	[sflag:s3] =	ssyncset.done $0x0  }
0x4e: {  	[sflag:s3] =	ssyncadd.s32 $0xFFFF0000  }
0x4f: {  	[tilespmem:s2], [sflag:$0x2] =	stream.linear.gather [hbm4b:s11+s2], $0x200, $0x38;
	[tilespmem:$0x10200] =	vst v63  }
0x50: {  	_ =	swait.ge [sflag:s3], $0x200  }
0x51: {  	[sflag:s3] =	ssyncset.done $0x0  }
0x52: {  	[sflag:s3] =	ssyncadd.s32 $0xFFFFFE00  }
0x53: {  	[tilespmem:s6], [sflag:$0x1] =	stream.indirect.gather [hbm4b:s5+s6], $0x80, s2, s6, $0xb8;
	[tilespmem:$0x10200] =	vst v63  }
0x54: {  	_ =	swait.ge [sflag:s7], $0x10000  }
0x55: {  	[sflag:s7] =	ssyncset.done $0x0  }
0x56: {  	[sflag:s7] =	ssyncadd.s32 $0xFFFF0000  }
0x57: {  	[hbm4b:s12+s2] =	stream.linear.scatter [tilespmem:s6], [sflag:$0x2], $0x10000, $0x38;
	[tilespmem:$0x10200] =	vst v63  }
0x58: {  	_ =	swait.ge [sflag:s3], $0x10000  }
0x59: {  	[sflag:s3] =	ssyncset.done $0x0  }
0x5a: {  	[sflag:s3] =	ssyncadd.s32 $0xFFFF0000  }
0x5b: {  	[tilespmem:s2], [sflag:$0x2] =	stream.linear.gather [hbm4b:s13+s2], $0x200, $0x38;
	[tilespmem:$0x10200] =	vst v63  }
0x5c: {  	_ =	swait.ge [sflag:s3], $0x200  }
0x5d: {  	[sflag:s3] =	ssyncset.done $0x0  }
0x5e: {  	[sflag:s3] =	ssyncadd.s32 $0xFFFFFE00  }
0x5f: {  	[tilespmem:s6], [sflag:$0x1] =	stream.indirect.gather [hbm4b:s5+s6], $0x80, s2, s6, $0xb8;
	[tilespmem:$0x10200] =	vst v63  }
0x60: {  	_ =	swait.ge [sflag:s7], $0x10000  }
.Ltmp1:
0x61: {  	[sflag:s7] =	ssyncset.done $0x0;
	(pc) =	sbr.rel @p0 .LBB2_1-.Ltmp1, $4  }
0x62: {  	[sflag:s7] =	ssyncadd.s32 $0xFFFF0000  }
0x63: {  	[hbm4b:s14+s2] =	stream.linear.scatter [tilespmem:s6], [sflag:$0x2], $0x10000, $0x38;
	[tilespmem:$0x10200] =	vst v63  }
0x64: {  	_ =	swait.ge [sflag:s3], $0x10000  }
0x65: {  	[sflag:s3] =	ssyncset.done $0x0  }
.LBB2_2:
0x66: {  	[sflag:s3] =	ssyncadd.s32 $0xFFFF0000  }
0x67: {  	_ =	sfence.sel $0x180000  }
0x68: {  	[bflag:$0x0] =	sbarrier.arrive $0xFFFF  }
0x69: {  	p0 =	sne.s32 s0, $0x0;
	_ =	strace $0x90000047  }
0x6a: {  	s0 =	sadd.s32 @!p0 $0x100000, s1;
	[bflag:$0x2] =	sbarrier.arrive $0xFFFF  }
0x6b: {  	[sflag:s0] =	ssyncadd.tile.s32 @!p0 $0x1;
	_ =	shalt  }
.Lfunc_end2:
_tile_overlayer_lowered:
.L_overlay_start_2:
0x6c: {  	(tag) =	ssettag $0x2  }
0x6d: {  	s0 =	rddreg [dreg:$0x0];
	s2 =	stileid.u32  }
0x6e: {  	s1 =	rddreg [dreg:$0x1];
	p0 =	sne.s32 s2, $0x0  }
0x6f: {  	s3 =	rddreg [dreg:$0x2];
	[bflag:$0x3] =	sbarrier.arrive $0xFFFF;
	s2 =	simm.s32 @!p0 $0x1C02  }
0x70: {  	[timem:s3], [sflag:s2] =	dma.local @!p0 [hbm:s0], s1  }
0x71: {  	s0 =	simm.s32 @!p0 $0x2  }
0x72: {  	_ =	swait.ge @!p0 [sflag:s0], s1  }
0x73: {  	s1 =	ssub.s32 @!p0 $0x0, s1;
	[sflag:s0] =	ssyncset.done @!p0 $0x0  }
0x74: {  	[sflag:s0] =	ssyncadd.s32 @!p0 s1  }
0x75: {  	[bflag:$0x3] =	sbarrier.arrive $0xFFFF  }
0x76: {  	_ =	shalt  }

</sc_bundles>
